<compile_context>
chip_gen: v7x
topology: tpu7x:2x2x1
jax: 0.10.2.dev20260603
libtpu: 0.0.44.dev20260713+nightly
codegen_flags: <defaults>
</compile_context>

<pallas_src>
import functools

import jax
import jax.numpy as jnp
from jax import lax
from jax.experimental import pallas as pl
from jax.experimental.pallas import tpu as pltpu
from jax.experimental.pallas import tpu_sc as plsc

_B = 8
_C = 80
_H = 128
_W = 128
_K = 100
_SCALE = 4.0
_THRESH = 0.01
_NROW = _C * _H
_HW = _H * _W
_NGRP = _NROW // 16
_ROWCAP = 256
_ELTCAP = 512
_NC, _NS, _L = 2, 16, 16
_ONE_BITS = 0x3F800000


def _nms_body(hm_ref, masked_ref, rowmax_ref, rmx2_ref, ra1_ref):
    f32 = jnp.float32
    hm = hm_ref[0]
    ninf = jnp.full((), -jnp.inf, f32)
    pad_row = jnp.full((_C, 1, _W), ninf, f32)
    up = jnp.concatenate([hm[:, 1:, :], pad_row], axis=1)
    dn = jnp.concatenate([pad_row, hm[:, :-1, :]], axis=1)
    v = jnp.maximum(jnp.maximum(up, hm), dn)
    pad_col = jnp.full((_C, _H, 1), ninf, f32)
    lf = jnp.concatenate([v[:, :, 1:], pad_col], axis=2)
    rt = jnp.concatenate([pad_col, v[:, :, :-1]], axis=2)
    pooled = jnp.maximum(jnp.maximum(lf, v), rt)
    masked = jnp.where(pooled == hm, hm, jnp.zeros((), f32))
    masked_ref[0] = masked
    tm = jnp.swapaxes(masked, 1, 2)
    rowmax = jnp.max(tm, axis=1)
    rowmax_ref[0] = rowmax
    sub_iota = jax.lax.broadcasted_iota(jnp.int32, (_C, _W, _H), 1)
    eq1 = tm == rowmax[:, None, :]
    a1 = jnp.min(jnp.where(eq1, sub_iota, jnp.full((), _W, jnp.int32)),
                 axis=1)
    ra1_ref[0] = a1
    rest = jnp.where(sub_iota == a1[:, None, :], jnp.full((), -1.0, f32), tm)
    rmx2_ref[0] = jnp.max(rest, axis=1)


def _stage_a(heatmap):
    return pl.pallas_call(
        _nms_body,
        grid=(_B,),
        in_specs=[pl.BlockSpec((1, _C, _H, _W), lambda b: (b, 0, 0, 0))],
        out_specs=(
            pl.BlockSpec((1, _C, _H, _W), lambda b: (b, 0, 0, 0)),
            pl.BlockSpec((1, _C, _H), lambda b: (b, 0, 0)),
            pl.BlockSpec((1, _C, _H), lambda b: (b, 0, 0)),
            pl.BlockSpec((1, _C, _H), lambda b: (b, 0, 0)),
        ),
        out_shape=(
            jax.ShapeDtypeStruct((_B, _C, _H, _W), jnp.float32),
            jax.ShapeDtypeStruct((_B, _C, _H), jnp.float32),
            jax.ShapeDtypeStruct((_B, _C, _H), jnp.float32),
            jax.ShapeDtypeStruct((_B, _C, _H), jnp.int32),
        ),
    )(heatmap)


def _sc_body(masked_hbm, rowmax_hbm, rmx2_hbm, ra1_hbm, off_hbm, wh_hbm,
             ids_hbm, sc_hbm, bb_hbm,
             rm_v, rm2_v, ra1_v, gm_v, crid_flat, cplx_v, crows_v,
             ev_v, eg_v, rank_v,
             sv_v, si_v, ix_v, iy_v, gbufx, gbufy, gbufw, gbufh,
             obuf_ids, obuf_sc, obuf_bb, sem):
    i32 = jnp.int32
    f32 = jnp.float32
    wid = lax.axis_index("s") * _NC + lax.axis_index("c")

    @pl.when(wid < _B)
    def _():
        b = wid
        lanes = lax.iota(i32, _L)
        ones = jnp.ones((_L,), i32)
        zeros = jnp.zeros((_L,), i32)

        pltpu.sync_copy(rowmax_hbm.at[b], rm_v.at[pl.ds(0, _NROW)])
        pltpu.sync_copy(rmx2_hbm.at[b], rm2_v.at[pl.ds(0, _NROW)])
        pltpu.sync_copy(ra1_hbm.at[b], ra1_v.at[pl.ds(0, _NROW)])

        def gm_blk(jb, c):
            acc = rm_v[pl.ds(jb * 16, 16)]
            for c16 in range(1, 16):
                acc = jnp.maximum(acc, rm_v[pl.ds(jb * 16 + c16 * _NGRP, 16)])
            gm_v[pl.ds(jb * 16, 16)] = acc
            return c
        lax.fori_loop(0, _NGRP // 16, gm_blk, 0)

        def bis(_, carry):
            lo, hi = carry
            mid = (lo + hi) * jnp.float32(0.5)
            cvec = zeros
            for i in range(_NGRP // 16):
                g = gm_v[pl.ds(i * 16, 16)]
                cvec = cvec + jnp.where(g >= mid, ones, zeros)
            good = jnp.sum(cvec) >= _K
            return (jnp.where(good, mid, lo), jnp.where(good, hi, mid))
        t3, _hi = lax.fori_loop(
            0, 32, bis, (jnp.float32(0.0), jnp.float32(1.0)))

        def czero(i, c):
            crid_flat[pl.ds(i * 16, 16)] = zeros
            crid_flat[pl.ds(_H + i * 16, 16)] = zeros
            return c
        lax.fori_loop(0, _H // 16, czero, 0)
        crid_flat[pl.ds(2 * _H, 16)] = zeros

        def crow(j4, pos):
            for u in range(4):
                j = j4 * 4 + u
                v = rm_v[pl.ds(j * 16, 16)]
                mask = v >= t3
                rid = b * _NROW + j * 16 + lanes
                pc = jnp.minimum(pos, _ROWCAP)
                plsc.store_compressed(crid_flat.at[pl.ds(pc, 16)], rid,
                                      mask=mask)
                pos = pos + plsc.all_reduce_population_count(mask)[0]
            return pos
        nrows = lax.fori_loop(0, _NGRP // 4, crow, jnp.int32(0))
        nrows = jnp.minimum(nrows, _ROWCAP)

        cplx_v[pl.ds(0, 16)] = zeros
        cplx_v[pl.ds(16, 16)] = zeros

        def celt(r, carry):
            pos, nc = carry
            rid_g = crid_flat[pl.ds(r, 16)][0]
            lrid = rid_g - b * _NROW
            v1 = rm_v[pl.ds(lrid, 16)][0]
            m2 = rm2_v[pl.ds(lrid, 16)][0]
            a1 = ra1_v[pl.ds(lrid, 16)][0]
            cplx = m2 >= t3
            lane0 = lanes == 0
            mk = jnp.logical_and(lane0, jnp.logical_not(cplx))
            pc = jnp.minimum(pos, _ELTCAP)
            plsc.store_compressed(ev_v.at[pl.ds(pc, 16)],
                                  jnp.full((_L,), v1, f32), mask=mk)
            plsc.store_compressed(eg_v.at[pl.ds(pc, 16)],
                                  jnp.full((_L,), lrid * _W + a1, i32),
                                  mask=mk)
            mk2 = jnp.logical_and(lane0, cplx)
            ncc = jnp.minimum(nc, 16)
            plsc.store_compressed(cplx_v.at[pl.ds(ncc, 16)],
                                  jnp.full((_L,), rid_g, i32), mask=mk2)
            ci = cplx.astype(i32)
            return (pos + 1 - ci, nc + ci)

        m, ncplx = lax.fori_loop(0, nrows, celt, (jnp.int32(0), jnp.int32(0)))
        ncplx = jnp.minimum(ncplx, 16)

        pltpu.async_copy(masked_hbm.at[cplx_v.at[pl.ds(0, 16)]],
                         crows_v, sem).wait()

        def cscan(q, pos):
            lrid = cplx_v[pl.ds(q, 16)][0] - b * _NROW
            for c8 in range(_W // 16):
                v = crows_v[q, pl.ds(c8 * 16, 16)]
                mask = v >= t3
                g = lrid * _W + c8 * 16 + lanes
                pc = jnp.minimum(pos, _ELTCAP)
                plsc.store_compressed(ev_v.at[pl.ds(pc, 16)], v, mask=mask)
                plsc.store_compressed(eg_v.at[pl.ds(pc, 16)], g, mask=mask)
                pos = pos + plsc.all_reduce_population_count(mask)[0]
            return pos
        m = lax.fori_loop(0, ncplx, cscan, m)
        m = jnp.minimum(m, _ELTCAP)
        mv = lax.div(m + (_L - 1), jnp.int32(_L))

        def rz(i, c):
            rank_v[pl.ds(i * 16, 16)] = zeros
            return c
        lax.fori_loop(0, mv, rz, 0)

        def rj(j, c):
            vj = ev_v[pl.ds(j, 16)][0]
            gj = eg_v[pl.ds(j, 16)][0]
            def ri(i2, ci):
                for u in range(2):
                    i = i2 * 2 + u
                    v = ev_v[pl.ds(i * 16, 16)]
                    g = eg_v[pl.ds(i * 16, 16)]
                    beats = jnp.logical_or(
                        vj > v, jnp.logical_and(vj == v, gj < g))
                    rank_v[pl.ds(i * 16, 16)] = (
                        rank_v[pl.ds(i * 16, 16)]
                        + jnp.where(beats, ones, zeros))
                return ci
            lax.fori_loop(0, lax.div(mv + 1, jnp.int32(2)), ri, 0)
            return c
        lax.fori_loop(0, m, rj, 0)

        def sel(i, c):
            v = ev_v[pl.ds(i * 16, 16)]
            g = eg_v[pl.ds(i * 16, 16)]
            r = rank_v[pl.ds(i * 16, 16)]
            ok = jnp.logical_and(r < _K, i * 16 + lanes < m)
            plsc.store_scatter(sv_v, [r], v, mask=ok)
            plsc.store_scatter(si_v, [r], g, mask=ok)
            return c
        lax.fori_loop(0, mv, sel, 0)

        def dec1(k8, c):
            lane = k8 * 16 + lanes
            g = jnp.where(lane < _K, si_v[pl.ds(k8 * 16, 16)], zeros)
            rem = lax.rem(g, jnp.int32(_HW))
            ix_v[pl.ds(k8 * 16, 16)] = b * 2 * _HW + rem
            iy_v[pl.ds(k8 * 16, 16)] = b * 2 * _HW + _HW + rem
            return c
        lax.fori_loop(0, _H // 16, dec1, 0)

        cpx = pltpu.async_copy(off_hbm.at[ix_v], gbufx, sem)
        cpy = pltpu.async_copy(off_hbm.at[iy_v], gbufy, sem)
        cpw = pltpu.async_copy(wh_hbm.at[ix_v], gbufw, sem)
        cph = pltpu.async_copy(wh_hbm.at[iy_v], gbufh, sem)
        cpx.wait()
        cpy.wait()
        cpw.wait()
        cph.wait()

        def dec2(k8, c):
            lane = k8 * 16 + lanes
            g = jnp.where(lane < _K, si_v[pl.ds(k8 * 16, 16)], zeros)
            score = sv_v[pl.ds(k8 * 16, 16)]
            cls = lax.div(g, jnp.int32(_HW))
            rem = lax.rem(g, jnp.int32(_HW))
            y = lax.div(rem, jnp.int32(_W))
            x = lax.rem(rem, jnp.int32(_W))
            off_x = gbufx[pl.ds(k8 * 16, 16)]
            off_y = gbufy[pl.ds(k8 * 16, 16)]
            w_v = gbufw[pl.ds(k8 * 16, 16)]
            h_v = gbufh[pl.ds(k8 * 16, 16)]
            xs_f = x.astype(f32) + off_x
            ys_f = y.astype(f32) + off_y
            half_w = w_v / 2
            half_h = h_v / 2
            neg1 = jnp.full((_L,), -1.0, f32)
            keep = score > _THRESH
            obuf_ids[pl.ds(k8 * 16, 16)] = jnp.where(
                keep, cls.astype(f32), neg1)
            obuf_sc[pl.ds(k8 * 16, 16)] = jnp.where(keep, score, neg1)
            sl4 = lane * 4
            plsc.store_scatter(
                obuf_bb, [sl4],
                jnp.where(keep, xs_f - half_w, neg1) * _SCALE)
            plsc.store_scatter(
                obuf_bb, [sl4 + 1],
                jnp.where(keep, ys_f - half_h, neg1) * _SCALE)
            plsc.store_scatter(
                obuf_bb, [sl4 + 2],
                jnp.where(keep, xs_f + half_w, neg1) * _SCALE)
            plsc.store_scatter(
                obuf_bb, [sl4 + 3],
                jnp.where(keep, ys_f + half_h, neg1) * _SCALE)
            return c
        lax.fori_loop(0, _H // 16, dec2, 0)

        pltpu.sync_copy(obuf_ids, ids_hbm.at[b])
        pltpu.sync_copy(obuf_sc, sc_hbm.at[b])
        pltpu.sync_copy(obuf_bb, bb_hbm.at[b])


def _stage_b(masked2, rowmax2, rmx22, ra12, off2, wh2):
    mesh = plsc.VectorSubcoreMesh(
        core_axis_name="c", subcore_axis_name="s",
        num_cores=_NC, num_subcores=_NS)
    f32 = jnp.float32
    i32 = jnp.int32
    run = pl.kernel(
        _sc_body,
        out_type=(
            jax.ShapeDtypeStruct((_B, _H), f32),
            jax.ShapeDtypeStruct((_B, _H), f32),
            jax.ShapeDtypeStruct((_B, 4 * _H), f32),
        ),
        mesh=mesh,
        compiler_params=pltpu.CompilerParams(needs_layout_passes=False),
        scratch_types=[
            pltpu.VMEM((_NROW + 16,), f32),
            pltpu.VMEM((_NROW + 16,), f32),
            pltpu.VMEM((_NROW + 16,), i32),
            pltpu.VMEM((_NGRP,), f32),
            pltpu.VMEM((_ROWCAP + 16,), i32),
            pltpu.VMEM((32,), i32),
            pltpu.VMEM((16, _W), f32),
            pltpu.VMEM((_ELTCAP + 32,), f32),
            pltpu.VMEM((_ELTCAP + 32,), i32),
            pltpu.VMEM((_ELTCAP + 32,), i32),
            pltpu.VMEM((_H,), f32),
            pltpu.VMEM((_H,), i32),
            pltpu.VMEM((_H,), i32),
            pltpu.VMEM((_H,), i32),
            pltpu.VMEM((_H,), f32),
            pltpu.VMEM((_H,), f32),
            pltpu.VMEM((_H,), f32),
            pltpu.VMEM((_H,), f32),
            pltpu.VMEM((_H,), f32),
            pltpu.VMEM((_H,), f32),
            pltpu.VMEM((4 * _H,), f32),
            pltpu.SemaphoreType.DMA,
        ],
    )
    return run(masked2, rowmax2, rmx22, ra12, off2, wh2)


def kernel(heatmap, offset, wh):
    masked, rowmax, rmx2, ra1 = _stage_a(heatmap)
    ids_r, sc_r, bb_r = _stage_b(
        masked.reshape(_B * _NROW, _W),
        rowmax.reshape(_B, _NROW),
        rmx2.reshape(_B, _NROW),
        ra1.reshape(_B, _NROW),
        offset.reshape(_B * 2 * _HW),
        wh.reshape(_B * 2 * _HW),
    )
    ids = ids_r[:, :_K][:, :, None]
    scores = sc_r[:, :_K][:, :, None]
    bboxes = bb_r[:, :4 * _K].reshape(_B, _K, 4)
    return ids, scores, bboxes

# --- scband reference (transcript-rebuilt; emitter-appended) ---
"""Pipeline reference for scband-prediction-78700980732158 (READ-ONLY COPY).

The authoritative reference and input builder live on the scoring server;
editing this copy changes nothing except your own understanding.
"""

import jax, jax.numpy as jnp
import numpy as np

B = 8
C = 80
H = 128
W = 128
TOPK = 100
SCALE = 4.0
THRESH = 0.01


def setup_inputs(seed: int = 0) -> dict:
    key = jax.random.key(seed)
    k1, k2, k3 = jax.random.split(key, 3)
    heatmap = jax.random.uniform(k1, (B, C, H, W), dtype=jnp.float32)
    offset = jax.random.normal(k2, (B, 2, H, W), dtype=jnp.float32)
    wh = jax.random.uniform(k3, (B, 2, H, W), dtype=jnp.float32)
    return {"heatmap": heatmap, "offset": offset, "wh": wh}


def _maxpool3x3(x):
    return jax.lax.reduce_window(x, -jnp.inf, jax.lax.max, (1, 1, 3, 3), (1, 1, 1, 1), 'SAME')


def reference(heatmap, offset, wh):
    batch, channel, height, width = heatmap.shape
    pooled = _maxpool3x3(heatmap)
    keep = (pooled == heatmap).astype(heatmap.dtype)
    heatmap = keep * heatmap
    hm_resize = heatmap.reshape(batch, -1)
    scores, indices = jax.lax.top_k(hm_resize, TOPK)
    scores = scores[:, :, None]
    ids = (indices // (height * width)).astype(jnp.float32)[:, :, None]
    offset = jnp.transpose(offset, (0, 2, 3, 1)).reshape(batch, -1, 2)
    wh = jnp.transpose(wh, (0, 2, 3, 1)).reshape(batch, -1, 2)
    topk_indices = indices % (height * width)
    topk_ys = topk_indices // width
    topk_xs = topk_indices % width
    batch_indices = jnp.arange(B)[:offset.shape[0], None]
    batch_indices = jnp.repeat(batch_indices, TOPK, axis=-1)
    offset_xs_indices = jnp.zeros_like(batch_indices)
    offset_ys_indices = jnp.ones_like(batch_indices)
    offset_xs = jnp.concatenate((batch_indices, topk_indices, offset_xs_indices), axis=0).reshape(3, -1)
    offset_ys = jnp.concatenate((batch_indices, topk_indices, offset_ys_indices), axis=0).reshape(3, -1)
    xs = offset[offset_xs[0], offset_xs[1], offset_xs[2]].reshape(-1, TOPK)
    ys = offset[offset_ys[0], offset_ys[1], offset_ys[2]].reshape(-1, TOPK)
    topk_xs_f = topk_xs.astype(jnp.float32) + xs
    topk_ys_f = topk_ys.astype(jnp.float32) + ys
    w = wh[offset_xs[0], offset_xs[1], offset_xs[2]].reshape(-1, TOPK)
    h = wh[offset_ys[0], offset_ys[1], offset_ys[2]].reshape(-1, TOPK)
    half_w = w / 2
    half_h = h / 2
    bboxes = jnp.concatenate([(topk_xs_f - half_w)[:, :, None], (topk_ys_f - half_h)[:, :, None], (topk_xs_f + half_w)[:, :, None], (topk_ys_f + half_h)[:, :, None]], axis=-1)
    except_mask = scores > THRESH
    ids = jnp.where(except_mask, ids, jnp.ones_like(ids) * -1)
    scores = jnp.where(except_mask, scores, jnp.ones_like(scores) * -1)
    xmin = jnp.where(except_mask, bboxes[:, :, 0:1], jnp.ones_like(bboxes[:, :, 0:1]) * -1)
    ymin = jnp.where(except_mask, bboxes[:, :, 1:2], jnp.ones_like(bboxes[:, :, 1:2]) * -1)
    xmax = jnp.where(except_mask, bboxes[:, :, 2:3], jnp.ones_like(bboxes[:, :, 2:3]) * -1)
    ymax = jnp.where(except_mask, bboxes[:, :, 3:4], jnp.ones_like(bboxes[:, :, 3:4]) * -1)
    bboxes = jnp.concatenate([xmin, ymin, xmax, ymax], axis=-1)
    return (ids, scores, bboxes * SCALE)

if __name__ == "__main__":
    import jax
    _d = setup_inputs()
    print(jax.jit(kernel)(*tuple(_d.values())))

</pallas_src>

<mosaic_0001>
#map = affine_map<(d0, d1) -> (0, 0)>
#map1 = affine_map<(d0, d1) -> (0)>
module attributes {stable_mosaic.version = 14 : i64} {
  func.func @_sc_body(%arg0: i32, %arg1: i32, %arg2: memref<81920x128xf32, #tpu.memory_space<hbm>>, %arg3: memref<8x10240xf32, #tpu.memory_space<hbm>>, %arg4: memref<8x10240xf32, #tpu.memory_space<hbm>>, %arg5: memref<8x10240xi32, #tpu.memory_space<hbm>>, %arg6: memref<262144xf32, #tpu.memory_space<hbm>>, %arg7: memref<262144xf32, #tpu.memory_space<hbm>>, %arg8: memref<8x128xf32, #tpu.memory_space<hbm>>, %arg9: memref<8x128xf32, #tpu.memory_space<hbm>>, %arg10: memref<8x512xf32, #tpu.memory_space<hbm>>, %arg11: memref<10256xf32, #tpu.memory_space<vmem>>, %arg12: memref<10256xf32, #tpu.memory_space<vmem>>, %arg13: memref<10256xi32, #tpu.memory_space<vmem>>, %arg14: memref<640xf32, #tpu.memory_space<vmem>>, %arg15: memref<272xi32, #tpu.memory_space<vmem>>, %arg16: memref<32xi32, #tpu.memory_space<vmem>>, %arg17: memref<16x128xf32, #tpu.memory_space<vmem>>, %arg18: memref<544xf32, #tpu.memory_space<vmem>>, %arg19: memref<544xi32, #tpu.memory_space<vmem>>, %arg20: memref<544xi32, #tpu.memory_space<vmem>>, %arg21: memref<128xf32, #tpu.memory_space<vmem>>, %arg22: memref<128xi32, #tpu.memory_space<vmem>>, %arg23: memref<128xi32, #tpu.memory_space<vmem>>, %arg24: memref<128xi32, #tpu.memory_space<vmem>>, %arg25: memref<128xf32, #tpu.memory_space<vmem>>, %arg26: memref<128xf32, #tpu.memory_space<vmem>>, %arg27: memref<128xf32, #tpu.memory_space<vmem>>, %arg28: memref<128xf32, #tpu.memory_space<vmem>>, %arg29: memref<128xf32, #tpu.memory_space<vmem>>, %arg30: memref<128xf32, #tpu.memory_space<vmem>>, %arg31: memref<512xf32, #tpu.memory_space<vmem>>, %arg32: memref<!tpu.dma_semaphore, #tpu.memory_space<semaphore_mem>>) attributes {dimension_semantics = [#tpu.dimension_semantics<core_parallel>, #tpu.dimension_semantics<subcore_parallel>], iteration_bounds = array<i64: 2, 16>, scalar_prefetch = 0 : i64, scratch_operands = 22 : i64, tpu.core_type = #tpu.core_type<sc_vector_subcore>, window_params = [{transform_indices = #map}, {transform_indices = #map}, {transform_indices = #map}, {transform_indices = #map}, {transform_indices = #map1}, {transform_indices = #map1}, {transform_indices = #map}, {transform_indices = #map}, {transform_indices = #map}]} {
    %mul3A = arith.constant 2 : i32
    %mul3A_0 = arith.muli %arg1, %mul3A : i32
    %add3A = arith.addi %mul3A_0, %arg0 : i32
    %lt3A = arith.constant 8 : i32
    %lt3A_1 = arith.cmpi slt, %add3A, %lt3A : i32
    %convert_element_type3A = arith.extui %lt3A_1 : i1 to i32
    %cond3A = arith.constant 0 : i32
    %cond3A_2 = arith.cmpi ne, %convert_element_type3A, %cond3A : i32
    scf.if %cond3A_2 {
      %iota3A = tpu.iota {dimensions = array<i32: 0>} : vector<16xi32>
      %broadcast_in_dim3A = arith.constant 1 : i32
      %broadcast_in_dim3A_3 = vector.broadcast %broadcast_in_dim3A : i32 to vector<16xi32>
      %broadcast_in_dim3A_4 = arith.constant 0 : i32
      %broadcast_in_dim3A_5 = vector.broadcast %broadcast_in_dim3A_4 : i32 to vector<16xi32>
      "tpu.region"() ({
        %run_scoped3A = tpu.sem_alloc : memref<!tpu.dma_semaphore, #tpu.memory_space<semaphore_mem>>
        %dma_start3A_134 = arith.constant 0 : i32
        %dma_start3A_135 = tpu.memref_slice %arg11[%dma_start3A_134] : memref<10256xf32, #tpu.memory_space<vmem>> -> memref<10240xf32, #tpu.memory_space<vmem>>
        %dma_start3A_136 = arith.constant 0 : i32
        %dma_start3A_137 = tpu.memref_slice %arg3[%add3A, %dma_start3A_136] : memref<8x10240xf32, #tpu.memory_space<hbm>> -> memref<1x10240xf32, #tpu.memory_space<hbm>>
        %dma_start3A_138 = tpu.memref_squeeze %dma_start3A_137 : memref<1x10240xf32, #tpu.memory_space<hbm>> -> memref<10240xf32, #tpu.memory_space<hbm>>
        %dma_start3A_139 = arith.constant 0 : i32
        %dma_start3A_140 = tpu.memref_slice %arg11[%dma_start3A_139] : memref<10256xf32, #tpu.memory_space<vmem>> -> memref<10240xf32, #tpu.memory_space<vmem>>
        %dma_start3A_141 = arith.constant 0 : i32
        %dma_start3A_142 = tpu.memref_slice %arg3[%add3A, %dma_start3A_141] : memref<8x10240xf32, #tpu.memory_space<hbm>> -> memref<1x10240xf32, #tpu.memory_space<hbm>>
        %dma_start3A_143 = tpu.memref_squeeze %dma_start3A_142 : memref<1x10240xf32, #tpu.memory_space<hbm>> -> memref<10240xf32, #tpu.memory_space<hbm>>
        tpu.enqueue_dma source(%dma_start3A_143 : memref<10240xf32, #tpu.memory_space<hbm>>) target(%dma_start3A_140 : memref<10240xf32, #tpu.memory_space<vmem>>) target_semaphore(%run_scoped3A : memref<!tpu.dma_semaphore, #tpu.memory_space<semaphore_mem>>)
        %dma_wait3A_144 = arith.constant 0 : i32
        %dma_wait3A_145 = tpu.memref_slice %arg11[%dma_wait3A_144] : memref<10256xf32, #tpu.memory_space<vmem>> -> memref<10240xf32, #tpu.memory_space<vmem>>
        %dma_wait3A_146 = arith.constant 0 : i32
        %dma_wait3A_147 = tpu.memref_slice %arg3[%add3A, %dma_wait3A_146] : memref<8x10240xf32, #tpu.memory_space<hbm>> -> memref<1x10240xf32, #tpu.memory_space<hbm>>
        %dma_wait3A_148 = tpu.memref_squeeze %dma_wait3A_147 : memref<1x10240xf32, #tpu.memory_space<hbm>> -> memref<10240xf32, #tpu.memory_space<hbm>>
        %dma_wait3A_149 = arith.constant 0 : i32
        %dma_wait3A_150 = tpu.memref_slice %arg11[%dma_wait3A_149] : memref<10256xf32, #tpu.memory_space<vmem>> -> memref<10240xf32, #tpu.memory_space<vmem>>
        %dma_wait3A_151 = arith.constant 0 : i32
        %dma_wait3A_152 = tpu.memref_slice %arg3[%add3A, %dma_wait3A_151] : memref<8x10240xf32, #tpu.memory_space<hbm>> -> memref<1x10240xf32, #tpu.memory_space<hbm>>
        %dma_wait3A_153 = tpu.memref_squeeze %dma_wait3A_152 : memref<1x10240xf32, #tpu.memory_space<hbm>> -> memref<10240xf32, #tpu.memory_space<hbm>>
        tpu.wait_dma2 semaphore(%run_scoped3A : memref<!tpu.dma_semaphore, #tpu.memory_space<semaphore_mem>>) src(%dma_wait3A_153 : memref<10240xf32, #tpu.memory_space<hbm>>) dst(%dma_wait3A_150 : memref<10240xf32, #tpu.memory_space<vmem>>)
        tpu.yield
      }) : () -> ()
      "tpu.region"() ({
        %run_scoped3A = tpu.sem_alloc : memref<!tpu.dma_semaphore, #tpu.memory_space<semaphore_mem>>
        %dma_start3A_134 = arith.constant 0 : i32
        %dma_start3A_135 = tpu.memref_slice %arg12[%dma_start3A_134] : memref<10256xf32, #tpu.memory_space<vmem>> -> memref<10240xf32, #tpu.memory_space<vmem>>
        %dma_start3A_136 = arith.constant 0 : i32
        %dma_start3A_137 = tpu.memref_slice %arg4[%add3A, %dma_start3A_136] : memref<8x10240xf32, #tpu.memory_space<hbm>> -> memref<1x10240xf32, #tpu.memory_space<hbm>>
        %dma_start3A_138 = tpu.memref_squeeze %dma_start3A_137 : memref<1x10240xf32, #tpu.memory_space<hbm>> -> memref<10240xf32, #tpu.memory_space<hbm>>
        %dma_start3A_139 = arith.constant 0 : i32
        %dma_start3A_140 = tpu.memref_slice %arg12[%dma_start3A_139] : memref<10256xf32, #tpu.memory_space<vmem>> -> memref<10240xf32, #tpu.memory_space<vmem>>
        %dma_start3A_141 = arith.constant 0 : i32
        %dma_start3A_142 = tpu.memref_slice %arg4[%add3A, %dma_start3A_141] : memref<8x10240xf32, #tpu.memory_space<hbm>> -> memref<1x10240xf32, #tpu.memory_space<hbm>>
        %dma_start3A_143 = tpu.memref_squeeze %dma_start3A_142 : memref<1x10240xf32, #tpu.memory_space<hbm>> -> memref<10240xf32, #tpu.memory_space<hbm>>
        tpu.enqueue_dma source(%dma_start3A_143 : memref<10240xf32, #tpu.memory_space<hbm>>) target(%dma_start3A_140 : memref<10240xf32, #tpu.memory_space<vmem>>) target_semaphore(%run_scoped3A : memref<!tpu.dma_semaphore, #tpu.memory_space<semaphore_mem>>)
        %dma_wait3A_144 = arith.constant 0 : i32
        %dma_wait3A_145 = tpu.memref_slice %arg12[%dma_wait3A_144] : memref<10256xf32, #tpu.memory_space<vmem>> -> memref<10240xf32, #tpu.memory_space<vmem>>
        %dma_wait3A_146 = arith.constant 0 : i32
        %dma_wait3A_147 = tpu.memref_slice %arg4[%add3A, %dma_wait3A_146] : memref<8x10240xf32, #tpu.memory_space<hbm>> -> memref<1x10240xf32, #tpu.memory_space<hbm>>
        %dma_wait3A_148 = tpu.memref_squeeze %dma_wait3A_147 : memref<1x10240xf32, #tpu.memory_space<hbm>> -> memref<10240xf32, #tpu.memory_space<hbm>>
        %dma_wait3A_149 = arith.constant 0 : i32
        %dma_wait3A_150 = tpu.memref_slice %arg12[%dma_wait3A_149] : memref<10256xf32, #tpu.memory_space<vmem>> -> memref<10240xf32, #tpu.memory_space<vmem>>
        %dma_wait3A_151 = arith.constant 0 : i32
        %dma_wait3A_152 = tpu.memref_slice %arg4[%add3A, %dma_wait3A_151] : memref<8x10240xf32, #tpu.memory_space<hbm>> -> memref<1x10240xf32, #tpu.memory_space<hbm>>
        %dma_wait3A_153 = tpu.memref_squeeze %dma_wait3A_152 : memref<1x10240xf32, #tpu.memory_space<hbm>> -> memref<10240xf32, #tpu.memory_space<hbm>>
        tpu.wait_dma2 semaphore(%run_scoped3A : memref<!tpu.dma_semaphore, #tpu.memory_space<semaphore_mem>>) src(%dma_wait3A_153 : memref<10240xf32, #tpu.memory_space<hbm>>) dst(%dma_wait3A_150 : memref<10240xf32, #tpu.memory_space<vmem>>)
        tpu.yield
      }) : () -> ()
      "tpu.region"() ({
        %run_scoped3A = tpu.sem_alloc : memref<!tpu.dma_semaphore, #tpu.memory_space<semaphore_mem>>
        %dma_start3A_134 = arith.constant 0 : i32
        %dma_start3A_135 = tpu.memref_slice %arg13[%dma_start3A_134] : memref<10256xi32, #tpu.memory_space<vmem>> -> memref<10240xi32, #tpu.memory_space<vmem>>
        %dma_start3A_136 = arith.constant 0 : i32
        %dma_start3A_137 = tpu.memref_slice %arg5[%add3A, %dma_start3A_136] : memref<8x10240xi32, #tpu.memory_space<hbm>> -> memref<1x10240xi32, #tpu.memory_space<hbm>>
        %dma_start3A_138 = tpu.memref_squeeze %dma_start3A_137 : memref<1x10240xi32, #tpu.memory_space<hbm>> -> memref<10240xi32, #tpu.memory_space<hbm>>
        %dma_start3A_139 = arith.constant 0 : i32
        %dma_start3A_140 = tpu.memref_slice %arg13[%dma_start3A_139] : memref<10256xi32, #tpu.memory_space<vmem>> -> memref<10240xi32, #tpu.memory_space<vmem>>
        %dma_start3A_141 = arith.constant 0 : i32
        %dma_start3A_142 = tpu.memref_slice %arg5[%add3A, %dma_start3A_141] : memref<8x10240xi32, #tpu.memory_space<hbm>> -> memref<1x10240xi32, #tpu.memory_space<hbm>>
        %dma_start3A_143 = tpu.memref_squeeze %dma_start3A_142 : memref<1x10240xi32, #tpu.memory_space<hbm>> -> memref<10240xi32, #tpu.memory_space<hbm>>
        tpu.enqueue_dma source(%dma_start3A_143 : memref<10240xi32, #tpu.memory_space<hbm>>) target(%dma_start3A_140 : memref<10240xi32, #tpu.memory_space<vmem>>) target_semaphore(%run_scoped3A : memref<!tpu.dma_semaphore, #tpu.memory_space<semaphore_mem>>)
        %dma_wait3A_144 = arith.constant 0 : i32
        %dma_wait3A_145 = tpu.memref_slice %arg13[%dma_wait3A_144] : memref<10256xi32, #tpu.memory_space<vmem>> -> memref<10240xi32, #tpu.memory_space<vmem>>
        %dma_wait3A_146 = arith.constant 0 : i32
        %dma_wait3A_147 = tpu.memref_slice %arg5[%add3A, %dma_wait3A_146] : memref<8x10240xi32, #tpu.memory_space<hbm>> -> memref<1x10240xi32, #tpu.memory_space<hbm>>
        %dma_wait3A_148 = tpu.memref_squeeze %dma_wait3A_147 : memref<1x10240xi32, #tpu.memory_space<hbm>> -> memref<10240xi32, #tpu.memory_space<hbm>>
        %dma_wait3A_149 = arith.constant 0 : i32
        %dma_wait3A_150 = tpu.memref_slice %arg13[%dma_wait3A_149] : memref<10256xi32, #tpu.memory_space<vmem>> -> memref<10240xi32, #tpu.memory_space<vmem>>
        %dma_wait3A_151 = arith.constant 0 : i32
        %dma_wait3A_152 = tpu.memref_slice %arg5[%add3A, %dma_wait3A_151] : memref<8x10240xi32, #tpu.memory_space<hbm>> -> memref<1x10240xi32, #tpu.memory_space<hbm>>
        %dma_wait3A_153 = tpu.memref_squeeze %dma_wait3A_152 : memref<1x10240xi32, #tpu.memory_space<hbm>> -> memref<10240xi32, #tpu.memory_space<hbm>>
        tpu.wait_dma2 semaphore(%run_scoped3A : memref<!tpu.dma_semaphore, #tpu.memory_space<semaphore_mem>>) src(%dma_wait3A_153 : memref<10240xi32, #tpu.memory_space<hbm>>) dst(%dma_wait3A_150 : memref<10240xi32, #tpu.memory_space<vmem>>)
        tpu.yield
      }) : () -> ()
      %scan3A = arith.constant 0 : i32
      %scan3A_6 = arith.constant 0 : i32
      %scan3A_7 = arith.constant 40 : i32
      %scan3A_8 = arith.addi %scan3A_6, %scan3A_7 : i32
      %scan3A_9 = arith.constant 1 : i32
      scf.for %scan3A_134 = %scan3A_6 to %scan3A_8 step %scan3A_9  : i32 {
        %mul3A_135 = arith.constant 16 : i32
        %mul3A_136 = arith.muli %scan3A_134, %mul3A_135 : i32
        %get3A = arith.index_cast %mul3A_136 : i32 to index
        %get3A_137 = tpu.vector_load %arg11[%get3A] {strides = array<i32>} : memref<10256xf32, #tpu.memory_space<vmem>>, vector<16xf32>,
        %mul3A_138 = arith.constant 16 : i32
        %mul3A_139 = arith.muli %scan3A_134, %mul3A_138 : i32
        %add3A_140 = arith.constant 640 : i32
        %add3A_141 = arith.addi %mul3A_139, %add3A_140 : i32
        %get3A_142 = arith.index_cast %add3A_141 : i32 to index
        %get3A_143 = tpu.vector_load %arg11[%get3A_142] {strides = array<i32>} : memref<10256xf32, #tpu.memory_space<vmem>>, vector<16xf32>,
        %max3A = arith.maximumf %get3A_137, %get3A_143 : vector<16xf32>
        %mul3A_144 = arith.constant 16 : i32
        %mul3A_145 = arith.muli %scan3A_134, %mul3A_144 : i32
        %add3A_146 = arith.constant 1280 : i32
        %add3A_147 = arith.addi %mul3A_145, %add3A_146 : i32
        %get3A_148 = arith.index_cast %add3A_147 : i32 to index
        %get3A_149 = tpu.vector_load %arg11[%get3A_148] {strides = array<i32>} : memref<10256xf32, #tpu.memory_space<vmem>>, vector<16xf32>,
        %max3A_150 = arith.maximumf %max3A, %get3A_149 : vector<16xf32>
        %mul3A_151 = arith.constant 16 : i32
        %mul3A_152 = arith.muli %scan3A_134, %mul3A_151 : i32
        %add3A_153 = arith.constant 1920 : i32
        %add3A_154 = arith.addi %mul3A_152, %add3A_153 : i32
        %get3A_155 = arith.index_cast %add3A_154 : i32 to index
        %get3A_156 = tpu.vector_load %arg11[%get3A_155] {strides = array<i32>} : memref<10256xf32, #tpu.memory_space<vmem>>, vector<16xf32>,
        %max3A_157 = arith.maximumf %max3A_150, %get3A_156 : vector<16xf32>
        %mul3A_158 = arith.constant 16 : i32
        %mul3A_159 = arith.muli %scan3A_134, %mul3A_158 : i32
        %add3A_160 = arith.constant 2560 : i32
        %add3A_161 = arith.addi %mul3A_159, %add3A_160 : i32
        %get3A_162 = arith.index_cast %add3A_161 : i32 to index
        %get3A_163 = tpu.vector_load %arg11[%get3A_162] {strides = array<i32>} : memref<10256xf32, #tpu.memory_space<vmem>>, vector<16xf32>,
        %max3A_164 = arith.maximumf %max3A_157, %get3A_163 : vector<16xf32>
        %mul3A_165 = arith.constant 16 : i32
        %mul3A_166 = arith.muli %scan3A_134, %mul3A_165 : i32
        %add3A_167 = arith.constant 3200 : i32
        %add3A_168 = arith.addi %mul3A_166, %add3A_167 : i32
        %get3A_169 = arith.index_cast %add3A_168 : i32 to index
        %get3A_170 = tpu.vector_load %arg11[%get3A_169] {strides = array<i32>} : memref<10256xf32, #tpu.memory_space<vmem>>, vector<16xf32>,
        %max3A_171 = arith.maximumf %max3A_164, %get3A_170 : vector<16xf32>
        %mul3A_172 = arith.constant 16 : i32
        %mul3A_173 = arith.muli %scan3A_134, %mul3A_172 : i32
        %add3A_174 = arith.constant 3840 : i32
        %add3A_175 = arith.addi %mul3A_173, %add3A_174 : i32
        %get3A_176 = arith.index_cast %add3A_175 : i32 to index
        %get3A_177 = tpu.vector_load %arg11[%get3A_176] {strides = array<i32>} : memref<10256xf32, #tpu.memory_space<vmem>>, vector<16xf32>,
        %max3A_178 = arith.maximumf %max3A_171, %get3A_177 : vector<16xf32>
        %mul3A_179 = arith.constant 16 : i32
        %mul3A_180 = arith.muli %scan3A_134, %mul3A_179 : i32
        %add3A_181 = arith.constant 4480 : i32
        %add3A_182 = arith.addi %mul3A_180, %add3A_181 : i32
        %get3A_183 = arith.index_cast %add3A_182 : i32 to index
        %get3A_184 = tpu.vector_load %arg11[%get3A_183] {strides = array<i32>} : memref<10256xf32, #tpu.memory_space<vmem>>, vector<16xf32>,
        %max3A_185 = arith.maximumf %max3A_178, %get3A_184 : vector<16xf32>
        %mul3A_186 = arith.constant 16 : i32
        %mul3A_187 = arith.muli %scan3A_134, %mul3A_186 : i32
        %add3A_188 = arith.constant 5120 : i32
        %add3A_189 = arith.addi %mul3A_187, %add3A_188 : i32
        %get3A_190 = arith.index_cast %add3A_189 : i32 to index
        %get3A_191 = tpu.vector_load %arg11[%get3A_190] {strides = array<i32>} : memref<10256xf32, #tpu.memory_space<vmem>>, vector<16xf32>,
        %max3A_192 = arith.maximumf %max3A_185, %get3A_191 : vector<16xf32>
        %mul3A_193 = arith.constant 16 : i32
        %mul3A_194 = arith.muli %scan3A_134, %mul3A_193 : i32
        %add3A_195 = arith.constant 5760 : i32
        %add3A_196 = arith.addi %mul3A_194, %add3A_195 : i32
        %get3A_197 = arith.index_cast %add3A_196 : i32 to index
        %get3A_198 = tpu.vector_load %arg11[%get3A_197] {strides = array<i32>} : memref<10256xf32, #tpu.memory_space<vmem>>, vector<16xf32>,
        %max3A_199 = arith.maximumf %max3A_192, %get3A_198 : vector<16xf32>
        %mul3A_200 = arith.constant 16 : i32
        %mul3A_201 = arith.muli %scan3A_134, %mul3A_200 : i32
        %add3A_202 = arith.constant 6400 : i32
        %add3A_203 = arith.addi %mul3A_201, %add3A_202 : i32
        %get3A_204 = arith.index_cast %add3A_203 : i32 to index
        %get3A_205 = tpu.vector_load %arg11[%get3A_204] {strides = array<i32>} : memref<10256xf32, #tpu.memory_space<vmem>>, vector<16xf32>,
        %max3A_206 = arith.maximumf %max3A_199, %get3A_205 : vector<16xf32>
        %mul3A_207 = arith.constant 16 : i32
        %mul3A_208 = arith.muli %scan3A_134, %mul3A_207 : i32
        %add3A_209 = arith.constant 7040 : i32
        %add3A_210 = arith.addi %mul3A_208, %add3A_209 : i32
        %get3A_211 = arith.index_cast %add3A_210 : i32 to index
        %get3A_212 = tpu.vector_load %arg11[%get3A_211] {strides = array<i32>} : memref<10256xf32, #tpu.memory_space<vmem>>, vector<16xf32>,
        %max3A_213 = arith.maximumf %max3A_206, %get3A_212 : vector<16xf32>
        %mul3A_214 = arith.constant 16 : i32
        %mul3A_215 = arith.muli %scan3A_134, %mul3A_214 : i32
        %add3A_216 = arith.constant 7680 : i32
        %add3A_217 = arith.addi %mul3A_215, %add3A_216 : i32
        %get3A_218 = arith.index_cast %add3A_217 : i32 to index
        %get3A_219 = tpu.vector_load %arg11[%get3A_218] {strides = array<i32>} : memref<10256xf32, #tpu.memory_space<vmem>>, vector<16xf32>,
        %max3A_220 = arith.maximumf %max3A_213, %get3A_219 : vector<16xf32>
        %mul3A_221 = arith.constant 16 : i32
        %mul3A_222 = arith.muli %scan3A_134, %mul3A_221 : i32
        %add3A_223 = arith.constant 8320 : i32
        %add3A_224 = arith.addi %mul3A_222, %add3A_223 : i32
        %get3A_225 = arith.index_cast %add3A_224 : i32 to index
        %get3A_226 = tpu.vector_load %arg11[%get3A_225] {strides = array<i32>} : memref<10256xf32, #tpu.memory_space<vmem>>, vector<16xf32>,
        %max3A_227 = arith.maximumf %max3A_220, %get3A_226 : vector<16xf32>
        %mul3A_228 = arith.constant 16 : i32
        %mul3A_229 = arith.muli %scan3A_134, %mul3A_228 : i32
        %add3A_230 = arith.constant 8960 : i32
        %add3A_231 = arith.addi %mul3A_229, %add3A_230 : i32
        %get3A_232 = arith.index_cast %add3A_231 : i32 to index
        %get3A_233 = tpu.vector_load %arg11[%get3A_232] {strides = array<i32>} : memref<10256xf32, #tpu.memory_space<vmem>>, vector<16xf32>,
        %max3A_234 = arith.maximumf %max3A_227, %get3A_233 : vector<16xf32>
        %mul3A_235 = arith.constant 16 : i32
        %mul3A_236 = arith.muli %scan3A_134, %mul3A_235 : i32
        %add3A_237 = arith.constant 9600 : i32
        %add3A_238 = arith.addi %mul3A_236, %add3A_237 : i32
        %get3A_239 = arith.index_cast %add3A_238 : i32 to index
        %get3A_240 = tpu.vector_load %arg11[%get3A_239] {strides = array<i32>} : memref<10256xf32, #tpu.memory_space<vmem>>, vector<16xf32>,
        %max3A_241 = arith.maximumf %max3A_234, %get3A_240 : vector<16xf32>
        %mul3A_242 = arith.constant 16 : i32
        %mul3A_243 = arith.muli %scan3A_134, %mul3A_242 : i32
        %swap3A_244 = arith.index_cast %mul3A_243 : i32 to index
        %swap3A_245 = tpu.vector_load %arg14[%swap3A_244] {strides = array<i32>} : memref<640xf32, #tpu.memory_space<vmem>>, vector<16xf32>,
        tpu.vector_store %arg14[%swap3A_244], %max3A_241 {strides = array<i32>} : memref<640xf32, #tpu.memory_space<vmem>>, vector<16xf32>,
      }
      %scan3A_10 = arith.constant 40 : i32
      %scan3A_11 = arith.constant 0.000000e+00 : f32
      %scan3A_12 = arith.constant 1.000000e+00 : f32
      %scan3A_13 = arith.constant 0 : i32
      %scan3A_14 = arith.constant 32 : i32
      %scan3A_15 = arith.addi %scan3A_13, %scan3A_14 : i32
      %scan3A_16 = arith.constant 1 : i32
      %scan3A_17:2 = scf.for %scan3A_134 = %scan3A_13 to %scan3A_15 step %scan3A_16 iter_args(%scan3A_135 = %scan3A_11, %scan3A_136 = %scan3A_12) -> (f32, f32)  : i32 {
        %add3A_137 = arith.addf %scan3A_135, %scan3A_136 : f32
        %mul3A_138 = arith.constant 5.000000e-01 : f32
        %mul3A_139 = arith.mulf %add3A_137, %mul3A_138 : f32
        %get3A = arith.constant 0 : index
        %get3A_140 = tpu.vector_load %arg14[%get3A] {strides = array<i32>} : memref<640xf32, #tpu.memory_space<vmem>>, vector<16xf32>,
        %ge3A = vector.broadcast %mul3A_139 : f32 to vector<16xf32>
        %ge3A_141 = arith.cmpf oge, %get3A_140, %ge3A : vector<16xf32>
        %select_n3A = arith.select %ge3A_141, %broadcast_in_dim3A_3, %broadcast_in_dim3A_5 : vector<16xi1>, vector<16xi32>
        %add3A_142 = arith.addi %broadcast_in_dim3A_5, %select_n3A : vector<16xi32>
        %get3A_143 = arith.constant 16 : index
        %get3A_144 = tpu.vector_load %arg14[%get3A_143] {strides = array<i32>} : memref<640xf32, #tpu.memory_space<vmem>>, vector<16xf32>,
        %ge3A_145 = vector.broadcast %mul3A_139 : f32 to vector<16xf32>
        %ge3A_146 = arith.cmpf oge, %get3A_144, %ge3A_145 : vector<16xf32>
        %select_n3A_147 = arith.select %ge3A_146, %broadcast_in_dim3A_3, %broadcast_in_dim3A_5 : vector<16xi1>, vector<16xi32>
        %add3A_148 = arith.addi %add3A_142, %select_n3A_147 : vector<16xi32>
        %get3A_149 = arith.constant 32 : index
        %get3A_150 = tpu.vector_load %arg14[%get3A_149] {strides = array<i32>} : memref<640xf32, #tpu.memory_space<vmem>>, vector<16xf32>,
        %ge3A_151 = vector.broadcast %mul3A_139 : f32 to vector<16xf32>
        %ge3A_152 = arith.cmpf oge, %get3A_150, %ge3A_151 : vector<16xf32>
        %select_n3A_153 = arith.select %ge3A_152, %broadcast_in_dim3A_3, %broadcast_in_dim3A_5 : vector<16xi1>, vector<16xi32>
        %add3A_154 = arith.addi %add3A_148, %select_n3A_153 : vector<16xi32>
        %get3A_155 = arith.constant 48 : index
        %get3A_156 = tpu.vector_load %arg14[%get3A_155] {strides = array<i32>} : memref<640xf32, #tpu.memory_space<vmem>>, vector<16xf32>,
        %ge3A_157 = vector.broadcast %mul3A_139 : f32 to vector<16xf32>
        %ge3A_158 = arith.cmpf oge, %get3A_156, %ge3A_157 : vector<16xf32>
        %select_n3A_159 = arith.select %ge3A_158, %broadcast_in_dim3A_3, %broadcast_in_dim3A_5 : vector<16xi1>, vector<16xi32>
        %add3A_160 = arith.addi %add3A_154, %select_n3A_159 : vector<16xi32>
        %get3A_161 = arith.constant 64 : index
        %get3A_162 = tpu.vector_load %arg14[%get3A_161] {strides = array<i32>} : memref<640xf32, #tpu.memory_space<vmem>>, vector<16xf32>,
        %ge3A_163 = vector.broadcast %mul3A_139 : f32 to vector<16xf32>
        %ge3A_164 = arith.cmpf oge, %get3A_162, %ge3A_163 : vector<16xf32>
        %select_n3A_165 = arith.select %ge3A_164, %broadcast_in_dim3A_3, %broadcast_in_dim3A_5 : vector<16xi1>, vector<16xi32>
        %add3A_166 = arith.addi %add3A_160, %select_n3A_165 : vector<16xi32>
        %get3A_167 = arith.constant 80 : index
        %get3A_168 = tpu.vector_load %arg14[%get3A_167] {strides = array<i32>} : memref<640xf32, #tpu.memory_space<vmem>>, vector<16xf32>,
        %ge3A_169 = vector.broadcast %mul3A_139 : f32 to vector<16xf32>
        %ge3A_170 = arith.cmpf oge, %get3A_168, %ge3A_169 : vector<16xf32>
        %select_n3A_171 = arith.select %ge3A_170, %broadcast_in_dim3A_3, %broadcast_in_dim3A_5 : vector<16xi1>, vector<16xi32>
        %add3A_172 = arith.addi %add3A_166, %select_n3A_171 : vector<16xi32>
        %get3A_173 = arith.constant 96 : index
        %get3A_174 = tpu.vector_load %arg14[%get3A_173] {strides = array<i32>} : memref<640xf32, #tpu.memory_space<vmem>>, vector<16xf32>,
        %ge3A_175 = vector.broadcast %mul3A_139 : f32 to vector<16xf32>
        %ge3A_176 = arith.cmpf oge, %get3A_174, %ge3A_175 : vector<16xf32>
        %select_n3A_177 = arith.select %ge3A_176, %broadcast_in_dim3A_3, %broadcast_in_dim3A_5 : vector<16xi1>, vector<16xi32>
        %add3A_178 = arith.addi %add3A_172, %select_n3A_177 : vector<16xi32>
        %get3A_179 = arith.constant 112 : index
        %get3A_180 = tpu.vector_load %arg14[%get3A_179] {strides = array<i32>} : memref<640xf32, #tpu.memory_space<vmem>>, vector<16xf32>,
        %ge3A_181 = vector.broadcast %mul3A_139 : f32 to vector<16xf32>
        %ge3A_182 = arith.cmpf oge, %get3A_180, %ge3A_181 : vector<16xf32>
        %select_n3A_183 = arith.select %ge3A_182, %broadcast_in_dim3A_3, %broadcast_in_dim3A_5 : vector<16xi1>, vector<16xi32>
        %add3A_184 = arith.addi %add3A_178, %select_n3A_183 : vector<16xi32>
        %get3A_185 = arith.constant 128 : index
        %get3A_186 = tpu.vector_load %arg14[%get3A_185] {strides = array<i32>} : memref<640xf32, #tpu.memory_space<vmem>>, vector<16xf32>,
        %ge3A_187 = vector.broadcast %mul3A_139 : f32 to vector<16xf32>
        %ge3A_188 = arith.cmpf oge, %get3A_186, %ge3A_187 : vector<16xf32>
        %select_n3A_189 = arith.select %ge3A_188, %broadcast_in_dim3A_3, %broadcast_in_dim3A_5 : vector<16xi1>, vector<16xi32>
        %add3A_190 = arith.addi %add3A_184, %select_n3A_189 : vector<16xi32>
        %get3A_191 = arith.constant 144 : index
        %get3A_192 = tpu.vector_load %arg14[%get3A_191] {strides = array<i32>} : memref<640xf32, #tpu.memory_space<vmem>>, vector<16xf32>,
        %ge3A_193 = vector.broadcast %mul3A_139 : f32 to vector<16xf32>
        %ge3A_194 = arith.cmpf oge, %get3A_192, %ge3A_193 : vector<16xf32>
        %select_n3A_195 = arith.select %ge3A_194, %broadcast_in_dim3A_3, %broadcast_in_dim3A_5 : vector<16xi1>, vector<16xi32>
        %add3A_196 = arith.addi %add3A_190, %select_n3A_195 : vector<16xi32>
        %get3A_197 = arith.constant 160 : index
        %get3A_198 = tpu.vector_load %arg14[%get3A_197] {strides = array<i32>} : memref<640xf32, #tpu.memory_space<vmem>>, vector<16xf32>,
        %ge3A_199 = vector.broadcast %mul3A_139 : f32 to vector<16xf32>
        %ge3A_200 = arith.cmpf oge, %get3A_198, %ge3A_199 : vector<16xf32>
        %select_n3A_201 = arith.select %ge3A_200, %broadcast_in_dim3A_3, %broadcast_in_dim3A_5 : vector<16xi1>, vector<16xi32>
        %add3A_202 = arith.addi %add3A_196, %select_n3A_201 : vector<16xi32>
        %get3A_203 = arith.constant 176 : index
        %get3A_204 = tpu.vector_load %arg14[%get3A_203] {strides = array<i32>} : memref<640xf32, #tpu.memory_space<vmem>>, vector<16xf32>,
        %ge3A_205 = vector.broadcast %mul3A_139 : f32 to vector<16xf32>
        %ge3A_206 = arith.cmpf oge, %get3A_204, %ge3A_205 : vector<16xf32>
        %select_n3A_207 = arith.select %ge3A_206, %broadcast_in_dim3A_3, %broadcast_in_dim3A_5 : vector<16xi1>, vector<16xi32>
        %add3A_208 = arith.addi %add3A_202, %select_n3A_207 : vector<16xi32>
        %get3A_209 = arith.constant 192 : index
        %get3A_210 = tpu.vector_load %arg14[%get3A_209] {strides = array<i32>} : memref<640xf32, #tpu.memory_space<vmem>>, vector<16xf32>,
        %ge3A_211 = vector.broadcast %mul3A_139 : f32 to vector<16xf32>
        %ge3A_212 = arith.cmpf oge, %get3A_210, %ge3A_211 : vector<16xf32>
        %select_n3A_213 = arith.select %ge3A_212, %broadcast_in_dim3A_3, %broadcast_in_dim3A_5 : vector<16xi1>, vector<16xi32>
        %add3A_214 = arith.addi %add3A_208, %select_n3A_213 : vector<16xi32>
        %get3A_215 = arith.constant 208 : index
        %get3A_216 = tpu.vector_load %arg14[%get3A_215] {strides = array<i32>} : memref<640xf32, #tpu.memory_space<vmem>>, vector<16xf32>,
        %ge3A_217 = vector.broadcast %mul3A_139 : f32 to vector<16xf32>
        %ge3A_218 = arith.cmpf oge, %get3A_216, %ge3A_217 : vector<16xf32>
        %select_n3A_219 = arith.select %ge3A_218, %broadcast_in_dim3A_3, %broadcast_in_dim3A_5 : vector<16xi1>, vector<16xi32>
        %add3A_220 = arith.addi %add3A_214, %select_n3A_219 : vector<16xi32>
        %get3A_221 = arith.constant 224 : index
        %get3A_222 = tpu.vector_load %arg14[%get3A_221] {strides = array<i32>} : memref<640xf32, #tpu.memory_space<vmem>>, vector<16xf32>,
        %ge3A_223 = vector.broadcast %mul3A_139 : f32 to vector<16xf32>
        %ge3A_224 = arith.cmpf oge, %get3A_222, %ge3A_223 : vector<16xf32>
        %select_n3A_225 = arith.select %ge3A_224, %broadcast_in_dim3A_3, %broadcast_in_dim3A_5 : vector<16xi1>, vector<16xi32>
        %add3A_226 = arith.addi %add3A_220, %select_n3A_225 : vector<16xi32>
        %get3A_227 = arith.constant 240 : index
        %get3A_228 = tpu.vector_load %arg14[%get3A_227] {strides = array<i32>} : memref<640xf32, #tpu.memory_space<vmem>>, vector<16xf32>,
        %ge3A_229 = vector.broadcast %mul3A_139 : f32 to vector<16xf32>
        %ge3A_230 = arith.cmpf oge, %get3A_228, %ge3A_229 : vector<16xf32>
        %select_n3A_231 = arith.select %ge3A_230, %broadcast_in_dim3A_3, %broadcast_in_dim3A_5 : vector<16xi1>, vector<16xi32>
        %add3A_232 = arith.addi %add3A_226, %select_n3A_231 : vector<16xi32>
        %get3A_233 = arith.constant 256 : index
        %get3A_234 = tpu.vector_load %arg14[%get3A_233] {strides = array<i32>} : memref<640xf32, #tpu.memory_space<vmem>>, vector<16xf32>,
        %ge3A_235 = vector.broadcast %mul3A_139 : f32 to vector<16xf32>
        %ge3A_236 = arith.cmpf oge, %get3A_234, %ge3A_235 : vector<16xf32>
        %select_n3A_237 = arith.select %ge3A_236, %broadcast_in_dim3A_3, %broadcast_in_dim3A_5 : vector<16xi1>, vector<16xi32>
        %add3A_238 = arith.addi %add3A_232, %select_n3A_237 : vector<16xi32>
        %get3A_239 = arith.constant 272 : index
        %get3A_240 = tpu.vector_load %arg14[%get3A_239] {strides = array<i32>} : memref<640xf32, #tpu.memory_space<vmem>>, vector<16xf32>,
        %ge3A_241 = vector.broadcast %mul3A_139 : f32 to vector<16xf32>
        %ge3A_242 = arith.cmpf oge, %get3A_240, %ge3A_241 : vector<16xf32>
        %select_n3A_243 = arith.select %ge3A_242, %broadcast_in_dim3A_3, %broadcast_in_dim3A_5 : vector<16xi1>, vector<16xi32>
        %add3A_244 = arith.addi %add3A_238, %select_n3A_243 : vector<16xi32>
        %get3A_245 = arith.constant 288 : index
        %get3A_246 = tpu.vector_load %arg14[%get3A_245] {strides = array<i32>} : memref<640xf32, #tpu.memory_space<vmem>>, vector<16xf32>,
        %ge3A_247 = vector.broadcast %mul3A_139 : f32 to vector<16xf32>
        %ge3A_248 = arith.cmpf oge, %get3A_246, %ge3A_247 : vector<16xf32>
        %select_n3A_249 = arith.select %ge3A_248, %broadcast_in_dim3A_3, %broadcast_in_dim3A_5 : vector<16xi1>, vector<16xi32>
        %add3A_250 = arith.addi %add3A_244, %select_n3A_249 : vector<16xi32>
        %get3A_251 = arith.constant 304 : index
        %get3A_252 = tpu.vector_load %arg14[%get3A_251] {strides = array<i32>} : memref<640xf32, #tpu.memory_space<vmem>>, vector<16xf32>,
        %ge3A_253 = vector.broadcast %mul3A_139 : f32 to vector<16xf32>
        %ge3A_254 = arith.cmpf oge, %get3A_252, %ge3A_253 : vector<16xf32>
        %select_n3A_255 = arith.select %ge3A_254, %broadcast_in_dim3A_3, %broadcast_in_dim3A_5 : vector<16xi1>, vector<16xi32>
        %add3A_256 = arith.addi %add3A_250, %select_n3A_255 : vector<16xi32>
        %get3A_257 = arith.constant 320 : index
        %get3A_258 = tpu.vector_load %arg14[%get3A_257] {strides = array<i32>} : memref<640xf32, #tpu.memory_space<vmem>>, vector<16xf32>,
        %ge3A_259 = vector.broadcast %mul3A_139 : f32 to vector<16xf32>
        %ge3A_260 = arith.cmpf oge, %get3A_258, %ge3A_259 : vector<16xf32>
        %select_n3A_261 = arith.select %ge3A_260, %broadcast_in_dim3A_3, %broadcast_in_dim3A_5 : vector<16xi1>, vector<16xi32>
        %add3A_262 = arith.addi %add3A_256, %select_n3A_261 : vector<16xi32>
        %get3A_263 = arith.constant 336 : index
        %get3A_264 = tpu.vector_load %arg14[%get3A_263] {strides = array<i32>} : memref<640xf32, #tpu.memory_space<vmem>>, vector<16xf32>,
        %ge3A_265 = vector.broadcast %mul3A_139 : f32 to vector<16xf32>
        %ge3A_266 = arith.cmpf oge, %get3A_264, %ge3A_265 : vector<16xf32>
        %select_n3A_267 = arith.select %ge3A_266, %broadcast_in_dim3A_3, %broadcast_in_dim3A_5 : vector<16xi1>, vector<16xi32>
        %add3A_268 = arith.addi %add3A_262, %select_n3A_267 : vector<16xi32>
        %get3A_269 = arith.constant 352 : index
        %get3A_270 = tpu.vector_load %arg14[%get3A_269] {strides = array<i32>} : memref<640xf32, #tpu.memory_space<vmem>>, vector<16xf32>,
        %ge3A_271 = vector.broadcast %mul3A_139 : f32 to vector<16xf32>
        %ge3A_272 = arith.cmpf oge, %get3A_270, %ge3A_271 : vector<16xf32>
        %select_n3A_273 = arith.select %ge3A_272, %broadcast_in_dim3A_3, %broadcast_in_dim3A_5 : vector<16xi1>, vector<16xi32>
        %add3A_274 = arith.addi %add3A_268, %select_n3A_273 : vector<16xi32>
        %get3A_275 = arith.constant 368 : index
        %get3A_276 = tpu.vector_load %arg14[%get3A_275] {strides = array<i32>} : memref<640xf32, #tpu.memory_space<vmem>>, vector<16xf32>,
        %ge3A_277 = vector.broadcast %mul3A_139 : f32 to vector<16xf32>
        %ge3A_278 = arith.cmpf oge, %get3A_276, %ge3A_277 : vector<16xf32>
        %select_n3A_279 = arith.select %ge3A_278, %broadcast_in_dim3A_3, %broadcast_in_dim3A_5 : vector<16xi1>, vector<16xi32>
        %add3A_280 = arith.addi %add3A_274, %select_n3A_279 : vector<16xi32>
        %get3A_281 = arith.constant 384 : index
        %get3A_282 = tpu.vector_load %arg14[%get3A_281] {strides = array<i32>} : memref<640xf32, #tpu.memory_space<vmem>>, vector<16xf32>,
        %ge3A_283 = vector.broadcast %mul3A_139 : f32 to vector<16xf32>
        %ge3A_284 = arith.cmpf oge, %get3A_282, %ge3A_283 : vector<16xf32>
        %select_n3A_285 = arith.select %ge3A_284, %broadcast_in_dim3A_3, %broadcast_in_dim3A_5 : vector<16xi1>, vector<16xi32>
        %add3A_286 = arith.addi %add3A_280, %select_n3A_285 : vector<16xi32>
        %get3A_287 = arith.constant 400 : index
        %get3A_288 = tpu.vector_load %arg14[%get3A_287] {strides = array<i32>} : memref<640xf32, #tpu.memory_space<vmem>>, vector<16xf32>,
        %ge3A_289 = vector.broadcast %mul3A_139 : f32 to vector<16xf32>
        %ge3A_290 = arith.cmpf oge, %get3A_288, %ge3A_289 : vector<16xf32>
        %select_n3A_291 = arith.select %ge3A_290, %broadcast_in_dim3A_3, %broadcast_in_dim3A_5 : vector<16xi1>, vector<16xi32>
        %add3A_292 = arith.addi %add3A_286, %select_n3A_291 : vector<16xi32>
        %get3A_293 = arith.constant 416 : index
        %get3A_294 = tpu.vector_load %arg14[%get3A_293] {strides = array<i32>} : memref<640xf32, #tpu.memory_space<vmem>>, vector<16xf32>,
        %ge3A_295 = vector.broadcast %mul3A_139 : f32 to vector<16xf32>
        %ge3A_296 = arith.cmpf oge, %get3A_294, %ge3A_295 : vector<16xf32>
        %select_n3A_297 = arith.select %ge3A_296, %broadcast_in_dim3A_3, %broadcast_in_dim3A_5 : vector<16xi1>, vector<16xi32>
        %add3A_298 = arith.addi %add3A_292, %select_n3A_297 : vector<16xi32>
        %get3A_299 = arith.constant 432 : index
        %get3A_300 = tpu.vector_load %arg14[%get3A_299] {strides = array<i32>} : memref<640xf32, #tpu.memory_space<vmem>>, vector<16xf32>,
        %ge3A_301 = vector.broadcast %mul3A_139 : f32 to vector<16xf32>
        %ge3A_302 = arith.cmpf oge, %get3A_300, %ge3A_301 : vector<16xf32>
        %select_n3A_303 = arith.select %ge3A_302, %broadcast_in_dim3A_3, %broadcast_in_dim3A_5 : vector<16xi1>, vector<16xi32>
        %add3A_304 = arith.addi %add3A_298, %select_n3A_303 : vector<16xi32>
        %get3A_305 = arith.constant 448 : index
        %get3A_306 = tpu.vector_load %arg14[%get3A_305] {strides = array<i32>} : memref<640xf32, #tpu.memory_space<vmem>>, vector<16xf32>,
        %ge3A_307 = vector.broadcast %mul3A_139 : f32 to vector<16xf32>
        %ge3A_308 = arith.cmpf oge, %get3A_306, %ge3A_307 : vector<16xf32>
        %select_n3A_309 = arith.select %ge3A_308, %broadcast_in_dim3A_3, %broadcast_in_dim3A_5 : vector<16xi1>, vector<16xi32>
        %add3A_310 = arith.addi %add3A_304, %select_n3A_309 : vector<16xi32>
        %get3A_311 = arith.constant 464 : index
        %get3A_312 = tpu.vector_load %arg14[%get3A_311] {strides = array<i32>} : memref<640xf32, #tpu.memory_space<vmem>>, vector<16xf32>,
        %ge3A_313 = vector.broadcast %mul3A_139 : f32 to vector<16xf32>
        %ge3A_314 = arith.cmpf oge, %get3A_312, %ge3A_313 : vector<16xf32>
        %select_n3A_315 = arith.select %ge3A_314, %broadcast_in_dim3A_3, %broadcast_in_dim3A_5 : vector<16xi1>, vector<16xi32>
        %add3A_316 = arith.addi %add3A_310, %select_n3A_315 : vector<16xi32>
        %get3A_317 = arith.constant 480 : index
        %get3A_318 = tpu.vector_load %arg14[%get3A_317] {strides = array<i32>} : memref<640xf32, #tpu.memory_space<vmem>>, vector<16xf32>,
        %ge3A_319 = vector.broadcast %mul3A_139 : f32 to vector<16xf32>
        %ge3A_320 = arith.cmpf oge, %get3A_318, %ge3A_319 : vector<16xf32>
        %select_n3A_321 = arith.select %ge3A_320, %broadcast_in_dim3A_3, %broadcast_in_dim3A_5 : vector<16xi1>, vector<16xi32>
        %add3A_322 = arith.addi %add3A_316, %select_n3A_321 : vector<16xi32>
        %get3A_323 = arith.constant 496 : index
        %get3A_324 = tpu.vector_load %arg14[%get3A_323] {strides = array<i32>} : memref<640xf32, #tpu.memory_space<vmem>>, vector<16xf32>,
        %ge3A_325 = vector.broadcast %mul3A_139 : f32 to vector<16xf32>
        %ge3A_326 = arith.cmpf oge, %get3A_324, %ge3A_325 : vector<16xf32>
        %select_n3A_327 = arith.select %ge3A_326, %broadcast_in_dim3A_3, %broadcast_in_dim3A_5 : vector<16xi1>, vector<16xi32>
        %add3A_328 = arith.addi %add3A_322, %select_n3A_327 : vector<16xi32>
        %get3A_329 = arith.constant 512 : index
        %get3A_330 = tpu.vector_load %arg14[%get3A_329] {strides = array<i32>} : memref<640xf32, #tpu.memory_space<vmem>>, vector<16xf32>,
        %ge3A_331 = vector.broadcast %mul3A_139 : f32 to vector<16xf32>
        %ge3A_332 = arith.cmpf oge, %get3A_330, %ge3A_331 : vector<16xf32>
        %select_n3A_333 = arith.select %ge3A_332, %broadcast_in_dim3A_3, %broadcast_in_dim3A_5 : vector<16xi1>, vector<16xi32>
        %add3A_334 = arith.addi %add3A_328, %select_n3A_333 : vector<16xi32>
        %get3A_335 = arith.constant 528 : index
        %get3A_336 = tpu.vector_load %arg14[%get3A_335] {strides = array<i32>} : memref<640xf32, #tpu.memory_space<vmem>>, vector<16xf32>,
        %ge3A_337 = vector.broadcast %mul3A_139 : f32 to vector<16xf32>
        %ge3A_338 = arith.cmpf oge, %get3A_336, %ge3A_337 : vector<16xf32>
        %select_n3A_339 = arith.select %ge3A_338, %broadcast_in_dim3A_3, %broadcast_in_dim3A_5 : vector<16xi1>, vector<16xi32>
        %add3A_340 = arith.addi %add3A_334, %select_n3A_339 : vector<16xi32>
        %get3A_341 = arith.constant 544 : index
        %get3A_342 = tpu.vector_load %arg14[%get3A_341] {strides = array<i32>} : memref<640xf32, #tpu.memory_space<vmem>>, vector<16xf32>,
        %ge3A_343 = vector.broadcast %mul3A_139 : f32 to vector<16xf32>
        %ge3A_344 = arith.cmpf oge, %get3A_342, %ge3A_343 : vector<16xf32>
        %select_n3A_345 = arith.select %ge3A_344, %broadcast_in_dim3A_3, %broadcast_in_dim3A_5 : vector<16xi1>, vector<16xi32>
        %add3A_346 = arith.addi %add3A_340, %select_n3A_345 : vector<16xi32>
        %get3A_347 = arith.constant 560 : index
        %get3A_348 = tpu.vector_load %arg14[%get3A_347] {strides = array<i32>} : memref<640xf32, #tpu.memory_space<vmem>>, vector<16xf32>,
        %ge3A_349 = vector.broadcast %mul3A_139 : f32 to vector<16xf32>
        %ge3A_350 = arith.cmpf oge, %get3A_348, %ge3A_349 : vector<16xf32>
        %select_n3A_351 = arith.select %ge3A_350, %broadcast_in_dim3A_3, %broadcast_in_dim3A_5 : vector<16xi1>, vector<16xi32>
        %add3A_352 = arith.addi %add3A_346, %select_n3A_351 : vector<16xi32>
        %get3A_353 = arith.constant 576 : index
        %get3A_354 = tpu.vector_load %arg14[%get3A_353] {strides = array<i32>} : memref<640xf32, #tpu.memory_space<vmem>>, vector<16xf32>,
        %ge3A_355 = vector.broadcast %mul3A_139 : f32 to vector<16xf32>
        %ge3A_356 = arith.cmpf oge, %get3A_354, %ge3A_355 : vector<16xf32>
        %select_n3A_357 = arith.select %ge3A_356, %broadcast_in_dim3A_3, %broadcast_in_dim3A_5 : vector<16xi1>, vector<16xi32>
        %add3A_358 = arith.addi %add3A_352, %select_n3A_357 : vector<16xi32>
        %get3A_359 = arith.constant 592 : index
        %get3A_360 = tpu.vector_load %arg14[%get3A_359] {strides = array<i32>} : memref<640xf32, #tpu.memory_space<vmem>>, vector<16xf32>,
        %ge3A_361 = vector.broadcast %mul3A_139 : f32 to vector<16xf32>
        %ge3A_362 = arith.cmpf oge, %get3A_360, %ge3A_361 : vector<16xf32>
        %select_n3A_363 = arith.select %ge3A_362, %broadcast_in_dim3A_3, %broadcast_in_dim3A_5 : vector<16xi1>, vector<16xi32>
        %add3A_364 = arith.addi %add3A_358, %select_n3A_363 : vector<16xi32>
        %get3A_365 = arith.constant 608 : index
        %get3A_366 = tpu.vector_load %arg14[%get3A_365] {strides = array<i32>} : memref<640xf32, #tpu.memory_space<vmem>>, vector<16xf32>,
        %ge3A_367 = vector.broadcast %mul3A_139 : f32 to vector<16xf32>
        %ge3A_368 = arith.cmpf oge, %get3A_366, %ge3A_367 : vector<16xf32>
        %select_n3A_369 = arith.select %ge3A_368, %broadcast_in_dim3A_3, %broadcast_in_dim3A_5 : vector<16xi1>, vector<16xi32>
        %add3A_370 = arith.addi %add3A_364, %select_n3A_369 : vector<16xi32>
        %get3A_371 = arith.constant 624 : index
        %get3A_372 = tpu.vector_load %arg14[%get3A_371] {strides = array<i32>} : memref<640xf32, #tpu.memory_space<vmem>>, vector<16xf32>,
        %ge3A_373 = vector.broadcast %mul3A_139 : f32 to vector<16xf32>
        %ge3A_374 = arith.cmpf oge, %get3A_372, %ge3A_373 : vector<16xf32>
        %select_n3A_375 = arith.select %ge3A_374, %broadcast_in_dim3A_3, %broadcast_in_dim3A_5 : vector<16xi1>, vector<16xi32>
        %add3A_376 = arith.addi %add3A_370, %select_n3A_375 : vector<16xi32>
        %reduce_sum3A = arith.constant true
        %reduce_sum3A_377 = vector.broadcast %reduce_sum3A : i1 to vector<16xi1>
        %reduce_sum3A_378 = tpu.scan <sum>, %add3A_376 masked %reduce_sum3A_377 : vector<16xi32>, vector<16xi1> -> vector<16xi32>
        %reduce_sum3A_379 = vector.extract %reduce_sum3A_378[15] : i32 from vector<16xi32>
        %ge3A_380 = arith.constant 100 : i32
        %ge3A_381 = arith.cmpi sge, %reduce_sum3A_379, %ge3A_380 : i32
        %select_n3A_382 = arith.select %ge3A_381, %mul3A_139, %scan3A_135 : f32
        %select_n3A_383 = arith.select %ge3A_381, %scan3A_136, %mul3A_139 : f32
        scf.yield %select_n3A_382, %select_n3A_383 : f32, f32
      }
      %scan3A_18 = arith.constant 32 : i32
      %scan3A_19 = arith.constant 0 : i32
      %scan3A_20 = arith.constant 0 : i32
      %scan3A_21 = arith.constant 8 : i32
      %scan3A_22 = arith.addi %scan3A_20, %scan3A_21 : i32
      %scan3A_23 = arith.constant 1 : i32
      scf.for %scan3A_134 = %scan3A_20 to %scan3A_22 step %scan3A_23  : i32 {
        %mul3A_135 = arith.constant 16 : i32
        %mul3A_136 = arith.muli %scan3A_134, %mul3A_135 : i32
        %swap3A_137 = arith.index_cast %mul3A_136 : i32 to index
        %swap3A_138 = tpu.vector_load %arg15[%swap3A_137] {strides = array<i32>} : memref<272xi32, #tpu.memory_space<vmem>>, vector<16xi32>,
        tpu.vector_store %arg15[%swap3A_137], %broadcast_in_dim3A_5 {strides = array<i32>} : memref<272xi32, #tpu.memory_space<vmem>>, vector<16xi32>,
        %mul3A_139 = arith.constant 16 : i32
        %mul3A_140 = arith.muli %scan3A_134, %mul3A_139 : i32
        %add3A_141 = arith.constant 128 : i32
        %add3A_142 = arith.addi %add3A_141, %mul3A_140 : i32
        %swap3A_143 = arith.index_cast %add3A_142 : i32 to index
        %swap3A_144 = tpu.vector_load %arg15[%swap3A_143] {strides = array<i32>} : memref<272xi32, #tpu.memory_space<vmem>>, vector<16xi32>,
        tpu.vector_store %arg15[%swap3A_143], %broadcast_in_dim3A_5 {strides = array<i32>} : memref<272xi32, #tpu.memory_space<vmem>>, vector<16xi32>,
      }
      %scan3A_24 = arith.constant 8 : i32
      %swap3A = arith.constant 256 : index
      %swap3A_25 = tpu.vector_load %arg15[%swap3A] {strides = array<i32>} : memref<272xi32, #tpu.memory_space<vmem>>, vector<16xi32>,
      tpu.vector_store %arg15[%swap3A], %broadcast_in_dim3A_5 {strides = array<i32>} : memref<272xi32, #tpu.memory_space<vmem>>, vector<16xi32>,
      %scan3A_26 = arith.constant 0 : i32
      %scan3A_27 = arith.constant 0 : i32
      %scan3A_28 = arith.constant 160 : i32
      %scan3A_29 = arith.addi %scan3A_27, %scan3A_28 : i32
      %scan3A_30 = arith.constant 1 : i32
      %scan3A_31 = scf.for %scan3A_134 = %scan3A_27 to %scan3A_29 step %scan3A_30 iter_args(%scan3A_135 = %scan3A_26) -> (i32)  : i32 {
        %mul3A_136 = arith.constant 4 : i32
        %mul3A_137 = arith.muli %scan3A_134, %mul3A_136 : i32
        %add3A_138 = arith.constant 0 : i32
        %add3A_139 = arith.addi %mul3A_137, %add3A_138 : i32
        %mul3A_140 = arith.constant 16 : i32
        %mul3A_141 = arith.muli %add3A_139, %mul3A_140 : i32
        %get3A = arith.index_cast %mul3A_141 : i32 to index
        %get3A_142 = tpu.vector_load %arg11[%get3A] {strides = array<i32>} : memref<10256xf32, #tpu.memory_space<vmem>>, vector<16xf32>,
        %ge3A = vector.broadcast %scan3A_17#0 : f32 to vector<16xf32>
        %ge3A_143 = arith.cmpf oge, %get3A_142, %ge3A : vector<16xf32>
        %mul3A_144 = arith.constant 10240 : i32
        %mul3A_145 = arith.muli %add3A, %mul3A_144 : i32
        %mul3A_146 = arith.constant 16 : i32
        %mul3A_147 = arith.muli %add3A_139, %mul3A_146 : i32
        %add3A_148 = arith.addi %mul3A_145, %mul3A_147 : i32
        %add3A_149 = vector.broadcast %add3A_148 : i32 to vector<16xi32>
        %add3A_150 = arith.addi %add3A_149, %iota3A : vector<16xi32>
        %min3A_151 = arith.constant 256 : i32
        %min3A_152 = arith.minsi %scan3A_135, %min3A_151 : i32
        %swap3A_153 = arith.index_cast %min3A_152 : i32 to index
        %swap3A_154 = tpu.vector_load %arg15[%swap3A_153] masked %ge3A_143 {strides = array<i32>} : memref<272xi32, #tpu.memory_space<vmem>>, vector<16xi32>, vector<16xi1>
        tpu.vector_store %arg15[%swap3A_153], %add3A_150 masked %ge3A_143 {strides = array<i32>} : memref<272xi32, #tpu.memory_space<vmem>>, vector<16xi32>, vector<16xi1>
        %all_reduce_population_count3A = tpu.all_reduce %ge3A_143 {dim = 0 : i64, kind = #tpu.reduction_kind<sum>} : vector<16xi1> -> vector<16xi32>
        %slice3A = vector.extract_strided_slice %all_reduce_population_count3A {offsets = [0], sizes = [1], strides = [1]} : vector<16xi32> to vector<1xi32>
        %squeeze3A = vector.extract %slice3A[0] : i32 from vector<1xi32>
        %add3A_155 = arith.addi %scan3A_135, %squeeze3A : i32
        %mul3A_156 = arith.constant 4 : i32
        %mul3A_157 = arith.muli %scan3A_134, %mul3A_156 : i32
        %add3A_158 = arith.constant 1 : i32
        %add3A_159 = arith.addi %mul3A_157, %add3A_158 : i32
        %mul3A_160 = arith.constant 16 : i32
        %mul3A_161 = arith.muli %add3A_159, %mul3A_160 : i32
        %get3A_162 = arith.index_cast %mul3A_161 : i32 to index
        %get3A_163 = tpu.vector_load %arg11[%get3A_162] {strides = array<i32>} : memref<10256xf32, #tpu.memory_space<vmem>>, vector<16xf32>,
        %ge3A_164 = vector.broadcast %scan3A_17#0 : f32 to vector<16xf32>
        %ge3A_165 = arith.cmpf oge, %get3A_163, %ge3A_164 : vector<16xf32>
        %mul3A_166 = arith.constant 10240 : i32
        %mul3A_167 = arith.muli %add3A, %mul3A_166 : i32
        %mul3A_168 = arith.constant 16 : i32
        %mul3A_169 = arith.muli %add3A_159, %mul3A_168 : i32
        %add3A_170 = arith.addi %mul3A_167, %mul3A_169 : i32
        %add3A_171 = vector.broadcast %add3A_170 : i32 to vector<16xi32>
        %add3A_172 = arith.addi %add3A_171, %iota3A : vector<16xi32>
        %min3A_173 = arith.constant 256 : i32
        %min3A_174 = arith.minsi %add3A_155, %min3A_173 : i32
        %swap3A_175 = arith.index_cast %min3A_174 : i32 to index
        %swap3A_176 = tpu.vector_load %arg15[%swap3A_175] masked %ge3A_165 {strides = array<i32>} : memref<272xi32, #tpu.memory_space<vmem>>, vector<16xi32>, vector<16xi1>
        tpu.vector_store %arg15[%swap3A_175], %add3A_172 masked %ge3A_165 {strides = array<i32>} : memref<272xi32, #tpu.memory_space<vmem>>, vector<16xi32>, vector<16xi1>
        %all_reduce_population_count3A_177 = tpu.all_reduce %ge3A_165 {dim = 0 : i64, kind = #tpu.reduction_kind<sum>} : vector<16xi1> -> vector<16xi32>
        %slice3A_178 = vector.extract_strided_slice %all_reduce_population_count3A_177 {offsets = [0], sizes = [1], strides = [1]} : vector<16xi32> to vector<1xi32>
        %squeeze3A_179 = vector.extract %slice3A_178[0] : i32 from vector<1xi32>
        %add3A_180 = arith.addi %add3A_155, %squeeze3A_179 : i32
        %mul3A_181 = arith.constant 4 : i32
        %mul3A_182 = arith.muli %scan3A_134, %mul3A_181 : i32
        %add3A_183 = arith.constant 2 : i32
        %add3A_184 = arith.addi %mul3A_182, %add3A_183 : i32
        %mul3A_185 = arith.constant 16 : i32
        %mul3A_186 = arith.muli %add3A_184, %mul3A_185 : i32
        %get3A_187 = arith.index_cast %mul3A_186 : i32 to index
        %get3A_188 = tpu.vector_load %arg11[%get3A_187] {strides = array<i32>} : memref<10256xf32, #tpu.memory_space<vmem>>, vector<16xf32>,
        %ge3A_189 = vector.broadcast %scan3A_17#0 : f32 to vector<16xf32>
        %ge3A_190 = arith.cmpf oge, %get3A_188, %ge3A_189 : vector<16xf32>
        %mul3A_191 = arith.constant 10240 : i32
        %mul3A_192 = arith.muli %add3A, %mul3A_191 : i32
        %mul3A_193 = arith.constant 16 : i32
        %mul3A_194 = arith.muli %add3A_184, %mul3A_193 : i32
        %add3A_195 = arith.addi %mul3A_192, %mul3A_194 : i32
        %add3A_196 = vector.broadcast %add3A_195 : i32 to vector<16xi32>
        %add3A_197 = arith.addi %add3A_196, %iota3A : vector<16xi32>
        %min3A_198 = arith.constant 256 : i32
        %min3A_199 = arith.minsi %add3A_180, %min3A_198 : i32
        %swap3A_200 = arith.index_cast %min3A_199 : i32 to index
        %swap3A_201 = tpu.vector_load %arg15[%swap3A_200] masked %ge3A_190 {strides = array<i32>} : memref<272xi32, #tpu.memory_space<vmem>>, vector<16xi32>, vector<16xi1>
        tpu.vector_store %arg15[%swap3A_200], %add3A_197 masked %ge3A_190 {strides = array<i32>} : memref<272xi32, #tpu.memory_space<vmem>>, vector<16xi32>, vector<16xi1>
        %all_reduce_population_count3A_202 = tpu.all_reduce %ge3A_190 {dim = 0 : i64, kind = #tpu.reduction_kind<sum>} : vector<16xi1> -> vector<16xi32>
        %slice3A_203 = vector.extract_strided_slice %all_reduce_population_count3A_202 {offsets = [0], sizes = [1], strides = [1]} : vector<16xi32> to vector<1xi32>
        %squeeze3A_204 = vector.extract %slice3A_203[0] : i32 from vector<1xi32>
        %add3A_205 = arith.addi %add3A_180, %squeeze3A_204 : i32
        %mul3A_206 = arith.constant 4 : i32
        %mul3A_207 = arith.muli %scan3A_134, %mul3A_206 : i32
        %add3A_208 = arith.constant 3 : i32
        %add3A_209 = arith.addi %mul3A_207, %add3A_208 : i32
        %mul3A_210 = arith.constant 16 : i32
        %mul3A_211 = arith.muli %add3A_209, %mul3A_210 : i32
        %get3A_212 = arith.index_cast %mul3A_211 : i32 to index
        %get3A_213 = tpu.vector_load %arg11[%get3A_212] {strides = array<i32>} : memref<10256xf32, #tpu.memory_space<vmem>>, vector<16xf32>,
        %ge3A_214 = vector.broadcast %scan3A_17#0 : f32 to vector<16xf32>
        %ge3A_215 = arith.cmpf oge, %get3A_213, %ge3A_214 : vector<16xf32>
        %mul3A_216 = arith.constant 10240 : i32
        %mul3A_217 = arith.muli %add3A, %mul3A_216 : i32
        %mul3A_218 = arith.constant 16 : i32
        %mul3A_219 = arith.muli %add3A_209, %mul3A_218 : i32
        %add3A_220 = arith.addi %mul3A_217, %mul3A_219 : i32
        %add3A_221 = vector.broadcast %add3A_220 : i32 to vector<16xi32>
        %add3A_222 = arith.addi %add3A_221, %iota3A : vector<16xi32>
        %min3A_223 = arith.constant 256 : i32
        %min3A_224 = arith.minsi %add3A_205, %min3A_223 : i32
        %swap3A_225 = arith.index_cast %min3A_224 : i32 to index
        %swap3A_226 = tpu.vector_load %arg15[%swap3A_225] masked %ge3A_215 {strides = array<i32>} : memref<272xi32, #tpu.memory_space<vmem>>, vector<16xi32>, vector<16xi1>
        tpu.vector_store %arg15[%swap3A_225], %add3A_222 masked %ge3A_215 {strides = array<i32>} : memref<272xi32, #tpu.memory_space<vmem>>, vector<16xi32>, vector<16xi1>
        %all_reduce_population_count3A_227 = tpu.all_reduce %ge3A_215 {dim = 0 : i64, kind = #tpu.reduction_kind<sum>} : vector<16xi1> -> vector<16xi32>
        %slice3A_228 = vector.extract_strided_slice %all_reduce_population_count3A_227 {offsets = [0], sizes = [1], strides = [1]} : vector<16xi32> to vector<1xi32>
        %squeeze3A_229 = vector.extract %slice3A_228[0] : i32 from vector<1xi32>
        %add3A_230 = arith.addi %add3A_205, %squeeze3A_229 : i32
        scf.yield %add3A_230 : i32
      }
      %scan3A_32 = arith.constant 160 : i32
      %min3A = arith.constant 256 : i32
      %min3A_33 = arith.minsi %scan3A_31, %min3A : i32
      %swap3A_34 = arith.constant 0 : index
      %swap3A_35 = tpu.vector_load %arg16[%swap3A_34] {strides = array<i32>} : memref<32xi32, #tpu.memory_space<vmem>>, vector<16xi32>,
      tpu.vector_store %arg16[%swap3A_34], %broadcast_in_dim3A_5 {strides = array<i32>} : memref<32xi32, #tpu.memory_space<vmem>>, vector<16xi32>,
      %swap3A_36 = arith.constant 16 : index
      %swap3A_37 = tpu.vector_load %arg16[%swap3A_36] {strides = array<i32>} : memref<32xi32, #tpu.memory_space<vmem>>, vector<16xi32>,
      tpu.vector_store %arg16[%swap3A_36], %broadcast_in_dim3A_5 {strides = array<i32>} : memref<32xi32, #tpu.memory_space<vmem>>, vector<16xi32>,
      %while3A = arith.constant 0 : i32
      %while3A_38 = arith.constant 0 : i32
      %while3A_39 = arith.constant 0 : i32
      %while3A_40 = arith.subi %min3A_33, %while3A : i32
      %while3A_41 = arith.addi %while3A, %while3A_40 : i32
      %while3A_42 = arith.constant 1 : i32
      %while3A_43 = arith.divsi %while3A_40, %while3A_42 : i32
      %while3A_44 = arith.muli %while3A_43, %while3A_42 : i32
      %while3A_45 = arith.addi %while3A, %while3A_44 : i32
      %while3A_46 = arith.constant 1 : i32
      %while3A_47:2 = scf.for %while3A_134 = %while3A to %while3A_45 step %while3A_46 iter_args(%while3A_135 = %while3A_38, %while3A_136 = %while3A_39) -> (i32, i32)  : i32 {
        %get3A = arith.index_cast %while3A_134 : i32 to index
        %get3A_137 = tpu.vector_load %arg15[%get3A] {strides = array<i32>} : memref<272xi32, #tpu.memory_space<vmem>>, vector<16xi32>,
        %slice3A = vector.extract_strided_slice %get3A_137 {offsets = [0], sizes = [1], strides = [1]} : vector<16xi32> to vector<1xi32>
        %squeeze3A = vector.extract %slice3A[0] : i32 from vector<1xi32>
        %mul3A_138 = arith.constant 10240 : i32
        %mul3A_139 = arith.muli %add3A, %mul3A_138 : i32
        %sub3A = arith.subi %squeeze3A, %mul3A_139 : i32
        %get3A_140 = arith.index_cast %sub3A : i32 to index
        %get3A_141 = tpu.vector_load %arg11[%get3A_140] {strides = array<i32>} : memref<10256xf32, #tpu.memory_space<vmem>>, vector<16xf32>,
        %slice3A_142 = vector.extract_strided_slice %get3A_141 {offsets = [0], sizes = [1], strides = [1]} : vector<16xf32> to vector<1xf32>
        %squeeze3A_143 = vector.extract %slice3A_142[0] : f32 from vector<1xf32>
        %get3A_144 = arith.index_cast %sub3A : i32 to index
        %get3A_145 = tpu.vector_load %arg12[%get3A_144] {strides = array<i32>} : memref<10256xf32, #tpu.memory_space<vmem>>, vector<16xf32>,
        %slice3A_146 = vector.extract_strided_slice %get3A_145 {offsets = [0], sizes = [1], strides = [1]} : vector<16xf32> to vector<1xf32>
        %squeeze3A_147 = vector.extract %slice3A_146[0] : f32 from vector<1xf32>
        %get3A_148 = arith.index_cast %sub3A : i32 to index
        %get3A_149 = tpu.vector_load %arg13[%get3A_148] {strides = array<i32>} : memref<10256xi32, #tpu.memory_space<vmem>>, vector<16xi32>,
        %slice3A_150 = vector.extract_strided_slice %get3A_149 {offsets = [0], sizes = [1], strides = [1]} : vector<16xi32> to vector<1xi32>
        %squeeze3A_151 = vector.extract %slice3A_150[0] : i32 from vector<1xi32>
        %ge3A = arith.cmpf oge, %squeeze3A_147, %scan3A_17#0 : f32
        %eq3A = arith.constant 0 : i32
        %eq3A_152 = vector.broadcast %eq3A : i32 to vector<16xi32>
        %eq3A_153 = arith.cmpi eq, %iota3A, %eq3A_152 : vector<16xi32>
        %not3A = arith.constant true
        %not3A_154 = arith.xori %ge3A, %not3A : i1
        %and3A = vector.broadcast %not3A_154 : i1 to vector<16xi1>
        %and3A_155 = arith.andi %eq3A_153, %and3A : vector<16xi1>
        %min3A_156 = arith.constant 512 : i32
        %min3A_157 = arith.minsi %while3A_135, %min3A_156 : i32
        %broadcast_in_dim3A_158 = vector.broadcast %squeeze3A_143 : f32 to vector<16xf32>
        %swap3A_159 = arith.index_cast %min3A_157 : i32 to index
        %swap3A_160 = tpu.vector_load %arg18[%swap3A_159] masked %and3A_155 {strides = array<i32>} : memref<544xf32, #tpu.memory_space<vmem>>, vector<16xf32>, vector<16xi1>
        tpu.vector_store %arg18[%swap3A_159], %broadcast_in_dim3A_158 masked %and3A_155 {strides = array<i32>} : memref<544xf32, #tpu.memory_space<vmem>>, vector<16xf32>, vector<16xi1>
        %mul3A_161 = arith.constant 128 : i32
        %mul3A_162 = arith.muli %sub3A, %mul3A_161 : i32
        %add3A_163 = arith.addi %mul3A_162, %squeeze3A_151 : i32
        %broadcast_in_dim3A_164 = vector.broadcast %add3A_163 : i32 to vector<16xi32>
        %swap3A_165 = arith.index_cast %min3A_157 : i32 to index
        %swap3A_166 = tpu.vector_load %arg19[%swap3A_165] masked %and3A_155 {strides = array<i32>} : memref<544xi32, #tpu.memory_space<vmem>>, vector<16xi32>, vector<16xi1>
        tpu.vector_store %arg19[%swap3A_165], %broadcast_in_dim3A_164 masked %and3A_155 {strides = array<i32>} : memref<544xi32, #tpu.memory_space<vmem>>, vector<16xi32>, vector<16xi1>
        %and3A_167 = vector.broadcast %ge3A : i1 to vector<16xi1>
        %and3A_168 = arith.andi %eq3A_153, %and3A_167 : vector<16xi1>
        %min3A_169 = arith.constant 16 : i32
        %min3A_170 = arith.minsi %while3A_136, %min3A_169 : i32
        %broadcast_in_dim3A_171 = vector.broadcast %squeeze3A : i32 to vector<16xi32>
        %swap3A_172 = arith.index_cast %min3A_170 : i32 to index
        %swap3A_173 = tpu.vector_load %arg16[%swap3A_172] masked %and3A_168 {strides = array<i32>} : memref<32xi32, #tpu.memory_space<vmem>>, vector<16xi32>, vector<16xi1>
        tpu.vector_store %arg16[%swap3A_172], %broadcast_in_dim3A_171 masked %and3A_168 {strides = array<i32>} : memref<32xi32, #tpu.memory_space<vmem>>, vector<16xi32>, vector<16xi1>
        %convert_element_type3A_174 = arith.extui %ge3A : i1 to i32
        %add3A_175 = arith.constant 1 : i32
        %add3A_176 = arith.addi %while3A_135, %add3A_175 : i32
        %sub3A_177 = arith.subi %add3A_176, %convert_element_type3A_174 : i32
        %add3A_178 = arith.addi %while3A_136, %convert_element_type3A_174 : i32
        scf.yield %sub3A_177, %add3A_178 : i32, i32
      }
      %while3A_48 = arith.constant 1 : i32
      %while3A_49:2 = scf.for %while3A_134 = %while3A_45 to %while3A_41 step %while3A_48 iter_args(%while3A_135 = %while3A_47#0, %while3A_136 = %while3A_47#1) -> (i32, i32)  : i32 {
        %get3A = arith.index_cast %while3A_134 : i32 to index
        %get3A_137 = tpu.vector_load %arg15[%get3A] {strides = array<i32>} : memref<272xi32, #tpu.memory_space<vmem>>, vector<16xi32>,
        %slice3A = vector.extract_strided_slice %get3A_137 {offsets = [0], sizes = [1], strides = [1]} : vector<16xi32> to vector<1xi32>
        %squeeze3A = vector.extract %slice3A[0] : i32 from vector<1xi32>
        %mul3A_138 = arith.constant 10240 : i32
        %mul3A_139 = arith.muli %add3A, %mul3A_138 : i32
        %sub3A = arith.subi %squeeze3A, %mul3A_139 : i32
        %get3A_140 = arith.index_cast %sub3A : i32 to index
        %get3A_141 = tpu.vector_load %arg11[%get3A_140] {strides = array<i32>} : memref<10256xf32, #tpu.memory_space<vmem>>, vector<16xf32>,
        %slice3A_142 = vector.extract_strided_slice %get3A_141 {offsets = [0], sizes = [1], strides = [1]} : vector<16xf32> to vector<1xf32>
        %squeeze3A_143 = vector.extract %slice3A_142[0] : f32 from vector<1xf32>
        %get3A_144 = arith.index_cast %sub3A : i32 to index
        %get3A_145 = tpu.vector_load %arg12[%get3A_144] {strides = array<i32>} : memref<10256xf32, #tpu.memory_space<vmem>>, vector<16xf32>,
        %slice3A_146 = vector.extract_strided_slice %get3A_145 {offsets = [0], sizes = [1], strides = [1]} : vector<16xf32> to vector<1xf32>
        %squeeze3A_147 = vector.extract %slice3A_146[0] : f32 from vector<1xf32>
        %get3A_148 = arith.index_cast %sub3A : i32 to index
        %get3A_149 = tpu.vector_load %arg13[%get3A_148] {strides = array<i32>} : memref<10256xi32, #tpu.memory_space<vmem>>, vector<16xi32>,
        %slice3A_150 = vector.extract_strided_slice %get3A_149 {offsets = [0], sizes = [1], strides = [1]} : vector<16xi32> to vector<1xi32>
        %squeeze3A_151 = vector.extract %slice3A_150[0] : i32 from vector<1xi32>
        %ge3A = arith.cmpf oge, %squeeze3A_147, %scan3A_17#0 : f32
        %eq3A = arith.constant 0 : i32
        %eq3A_152 = vector.broadcast %eq3A : i32 to vector<16xi32>
        %eq3A_153 = arith.cmpi eq, %iota3A, %eq3A_152 : vector<16xi32>
        %not3A = arith.constant true
        %not3A_154 = arith.xori %ge3A, %not3A : i1
        %and3A = vector.broadcast %not3A_154 : i1 to vector<16xi1>
        %and3A_155 = arith.andi %eq3A_153, %and3A : vector<16xi1>
        %min3A_156 = arith.constant 512 : i32
        %min3A_157 = arith.minsi %while3A_135, %min3A_156 : i32
        %broadcast_in_dim3A_158 = vector.broadcast %squeeze3A_143 : f32 to vector<16xf32>
        %swap3A_159 = arith.index_cast %min3A_157 : i32 to index
        %swap3A_160 = tpu.vector_load %arg18[%swap3A_159] masked %and3A_155 {strides = array<i32>} : memref<544xf32, #tpu.memory_space<vmem>>, vector<16xf32>, vector<16xi1>
        tpu.vector_store %arg18[%swap3A_159], %broadcast_in_dim3A_158 masked %and3A_155 {strides = array<i32>} : memref<544xf32, #tpu.memory_space<vmem>>, vector<16xf32>, vector<16xi1>
        %mul3A_161 = arith.constant 128 : i32
        %mul3A_162 = arith.muli %sub3A, %mul3A_161 : i32
        %add3A_163 = arith.addi %mul3A_162, %squeeze3A_151 : i32
        %broadcast_in_dim3A_164 = vector.broadcast %add3A_163 : i32 to vector<16xi32>
        %swap3A_165 = arith.index_cast %min3A_157 : i32 to index
        %swap3A_166 = tpu.vector_load %arg19[%swap3A_165] masked %and3A_155 {strides = array<i32>} : memref<544xi32, #tpu.memory_space<vmem>>, vector<16xi32>, vector<16xi1>
        tpu.vector_store %arg19[%swap3A_165], %broadcast_in_dim3A_164 masked %and3A_155 {strides = array<i32>} : memref<544xi32, #tpu.memory_space<vmem>>, vector<16xi32>, vector<16xi1>
        %and3A_167 = vector.broadcast %ge3A : i1 to vector<16xi1>
        %and3A_168 = arith.andi %eq3A_153, %and3A_167 : vector<16xi1>
        %min3A_169 = arith.constant 16 : i32
        %min3A_170 = arith.minsi %while3A_136, %min3A_169 : i32
        %broadcast_in_dim3A_171 = vector.broadcast %squeeze3A : i32 to vector<16xi32>
        %swap3A_172 = arith.index_cast %min3A_170 : i32 to index
        %swap3A_173 = tpu.vector_load %arg16[%swap3A_172] masked %and3A_168 {strides = array<i32>} : memref<32xi32, #tpu.memory_space<vmem>>, vector<16xi32>, vector<16xi1>
        tpu.vector_store %arg16[%swap3A_172], %broadcast_in_dim3A_171 masked %and3A_168 {strides = array<i32>} : memref<32xi32, #tpu.memory_space<vmem>>, vector<16xi32>, vector<16xi1>
        %convert_element_type3A_174 = arith.extui %ge3A : i1 to i32
        %add3A_175 = arith.constant 1 : i32
        %add3A_176 = arith.addi %while3A_135, %add3A_175 : i32
        %sub3A_177 = arith.subi %add3A_176, %convert_element_type3A_174 : i32
        %add3A_178 = arith.addi %while3A_136, %convert_element_type3A_174 : i32
        scf.yield %sub3A_177, %add3A_178 : i32, i32
      }
      %min3A_50 = arith.constant 16 : i32
      %min3A_51 = arith.minsi %while3A_49#1, %min3A_50 : i32
      %dma_start3A = arith.constant 0 : i32
      %dma_start3A_52 = tpu.memref_slice %arg16[%dma_start3A] : memref<32xi32, #tpu.memory_space<vmem>> -> memref<16xi32, #tpu.memory_space<vmem>>
      %dma_start3A_53 = arith.constant 0 : i32
      %dma_start3A_54 = arith.constant 0 : i32
      %dma_start3A_55 = tpu.memref_slice %arg2[%dma_start3A_53, %dma_start3A_54] : memref<81920x128xf32, #tpu.memory_space<hbm>> -> memref<81920x128xf32, #tpu.memory_space<hbm>>
      tpu.enqueue_indirect_dma source(%dma_start3A_55 : memref<81920x128xf32, #tpu.memory_space<hbm>>) target(%arg17 : memref<16x128xf32, #tpu.memory_space<vmem>>) offsets(%dma_start3A_52 : memref<16xi32, #tpu.memory_space<vmem>>) semaphore(%arg32 : memref<!tpu.dma_semaphore, #tpu.memory_space<semaphore_mem>>)
      %dma_wait3A = arith.constant 0 : i32
      %dma_wait3A_56 = tpu.memref_slice %arg16[%dma_wait3A] : memref<32xi32, #tpu.memory_space<vmem>> -> memref<16xi32, #tpu.memory_space<vmem>>
      %dma_wait3A_57 = arith.constant 0 : i32
      %dma_wait3A_58 = arith.constant 0 : i32
      %dma_wait3A_59 = tpu.memref_slice %arg2[%dma_wait3A_57, %dma_wait3A_58] : memref<81920x128xf32, #tpu.memory_space<hbm>> -> memref<81920x128xf32, #tpu.memory_space<hbm>>
      tpu.wait_indirect_dma semaphore(%arg32 : memref<!tpu.dma_semaphore, #tpu.memory_space<semaphore_mem>>) src(%dma_wait3A_59 : memref<81920x128xf32, #tpu.memory_space<hbm>>) dst(%arg17 : memref<16x128xf32, #tpu.memory_space<vmem>>)
      %while3A_60 = arith.constant 0 : i32
      %while3A_61 = arith.subi %min3A_51, %while3A_60 : i32
      %while3A_62 = arith.addi %while3A_60, %while3A_61 : i32
      %while3A_63 = arith.constant 1 : i32
      %while3A_64 = arith.divsi %while3A_61, %while3A_63 : i32
      %while3A_65 = arith.muli %while3A_64, %while3A_63 : i32
      %while3A_66 = arith.addi %while3A_60, %while3A_65 : i32
      %while3A_67 = arith.constant 1 : i32
      %while3A_68 = scf.for %while3A_134 = %while3A_60 to %while3A_66 step %while3A_67 iter_args(%while3A_135 = %while3A_49#0) -> (i32)  : i32 {
        %get3A = arith.index_cast %while3A_134 : i32 to index
        %get3A_136 = tpu.vector_load %arg16[%get3A] {strides = array<i32>} : memref<32xi32, #tpu.memory_space<vmem>>, vector<16xi32>,
        %slice3A = vector.extract_strided_slice %get3A_136 {offsets = [0], sizes = [1], strides = [1]} : vector<16xi32> to vector<1xi32>
        %squeeze3A = vector.extract %slice3A[0] : i32 from vector<1xi32>
        %mul3A_137 = arith.constant 10240 : i32
        %mul3A_138 = arith.muli %add3A, %mul3A_137 : i32
        %sub3A = arith.subi %squeeze3A, %mul3A_138 : i32
        %get3A_139 = arith.index_cast %while3A_134 : i32 to index
        %get3A_140 = arith.constant 0 : index
        %get3A_141 = tpu.vector_load %arg17[%get3A_139, %get3A_140] {strides = array<i32>} : memref<16x128xf32, #tpu.memory_space<vmem>>, vector<16xf32>,
        %ge3A = vector.broadcast %scan3A_17#0 : f32 to vector<16xf32>
        %ge3A_142 = arith.cmpf oge, %get3A_141, %ge3A : vector<16xf32>
        %mul3A_143 = arith.constant 128 : i32
        %mul3A_144 = arith.muli %sub3A, %mul3A_143 : i32
        %add3A_145 = arith.constant 0 : i32
        %add3A_146 = arith.addi %mul3A_144, %add3A_145 : i32
        %add3A_147 = vector.broadcast %add3A_146 : i32 to vector<16xi32>
        %add3A_148 = arith.addi %add3A_147, %iota3A : vector<16xi32>
        %min3A_149 = arith.constant 512 : i32
        %min3A_150 = arith.minsi %while3A_135, %min3A_149 : i32
        %swap3A_151 = arith.index_cast %min3A_150 : i32 to index
        %swap3A_152 = tpu.vector_load %arg18[%swap3A_151] masked %ge3A_142 {strides = array<i32>} : memref<544xf32, #tpu.memory_space<vmem>>, vector<16xf32>, vector<16xi1>
        tpu.vector_store %arg18[%swap3A_151], %get3A_141 masked %ge3A_142 {strides = array<i32>} : memref<544xf32, #tpu.memory_space<vmem>>, vector<16xf32>, vector<16xi1>
        %swap3A_153 = arith.index_cast %min3A_150 : i32 to index
        %swap3A_154 = tpu.vector_load %arg19[%swap3A_153] masked %ge3A_142 {strides = array<i32>} : memref<544xi32, #tpu.memory_space<vmem>>, vector<16xi32>, vector<16xi1>
        tpu.vector_store %arg19[%swap3A_153], %add3A_148 masked %ge3A_142 {strides = array<i32>} : memref<544xi32, #tpu.memory_space<vmem>>, vector<16xi32>, vector<16xi1>
        %all_reduce_population_count3A = tpu.all_reduce %ge3A_142 {dim = 0 : i64, kind = #tpu.reduction_kind<sum>} : vector<16xi1> -> vector<16xi32>
        %slice3A_155 = vector.extract_strided_slice %all_reduce_population_count3A {offsets = [0], sizes = [1], strides = [1]} : vector<16xi32> to vector<1xi32>
        %squeeze3A_156 = vector.extract %slice3A_155[0] : i32 from vector<1xi32>
        %add3A_157 = arith.addi %while3A_135, %squeeze3A_156 : i32
        %get3A_158 = arith.index_cast %while3A_134 : i32 to index
        %get3A_159 = arith.constant 16 : index
        %get3A_160 = tpu.vector_load %arg17[%get3A_158, %get3A_159] {strides = array<i32>} : memref<16x128xf32, #tpu.memory_space<vmem>>, vector<16xf32>,
        %ge3A_161 = vector.broadcast %scan3A_17#0 : f32 to vector<16xf32>
        %ge3A_162 = arith.cmpf oge, %get3A_160, %ge3A_161 : vector<16xf32>
        %mul3A_163 = arith.constant 128 : i32
        %mul3A_164 = arith.muli %sub3A, %mul3A_163 : i32
        %add3A_165 = arith.constant 16 : i32
        %add3A_166 = arith.addi %mul3A_164, %add3A_165 : i32
        %add3A_167 = vector.broadcast %add3A_166 : i32 to vector<16xi32>
        %add3A_168 = arith.addi %add3A_167, %iota3A : vector<16xi32>
        %min3A_169 = arith.constant 512 : i32
        %min3A_170 = arith.minsi %add3A_157, %min3A_169 : i32
        %swap3A_171 = arith.index_cast %min3A_170 : i32 to index
        %swap3A_172 = tpu.vector_load %arg18[%swap3A_171] masked %ge3A_162 {strides = array<i32>} : memref<544xf32, #tpu.memory_space<vmem>>, vector<16xf32>, vector<16xi1>
        tpu.vector_store %arg18[%swap3A_171], %get3A_160 masked %ge3A_162 {strides = array<i32>} : memref<544xf32, #tpu.memory_space<vmem>>, vector<16xf32>, vector<16xi1>
        %swap3A_173 = arith.index_cast %min3A_170 : i32 to index
        %swap3A_174 = tpu.vector_load %arg19[%swap3A_173] masked %ge3A_162 {strides = array<i32>} : memref<544xi32, #tpu.memory_space<vmem>>, vector<16xi32>, vector<16xi1>
        tpu.vector_store %arg19[%swap3A_173], %add3A_168 masked %ge3A_162 {strides = array<i32>} : memref<544xi32, #tpu.memory_space<vmem>>, vector<16xi32>, vector<16xi1>
        %all_reduce_population_count3A_175 = tpu.all_reduce %ge3A_162 {dim = 0 : i64, kind = #tpu.reduction_kind<sum>} : vector<16xi1> -> vector<16xi32>
        %slice3A_176 = vector.extract_strided_slice %all_reduce_population_count3A_175 {offsets = [0], sizes = [1], strides = [1]} : vector<16xi32> to vector<1xi32>
        %squeeze3A_177 = vector.extract %slice3A_176[0] : i32 from vector<1xi32>
        %add3A_178 = arith.addi %add3A_157, %squeeze3A_177 : i32
        %get3A_179 = arith.index_cast %while3A_134 : i32 to index
        %get3A_180 = arith.constant 32 : index
        %get3A_181 = tpu.vector_load %arg17[%get3A_179, %get3A_180] {strides = array<i32>} : memref<16x128xf32, #tpu.memory_space<vmem>>, vector<16xf32>,
        %ge3A_182 = vector.broadcast %scan3A_17#0 : f32 to vector<16xf32>
        %ge3A_183 = arith.cmpf oge, %get3A_181, %ge3A_182 : vector<16xf32>
        %mul3A_184 = arith.constant 128 : i32
        %mul3A_185 = arith.muli %sub3A, %mul3A_184 : i32
        %add3A_186 = arith.constant 32 : i32
        %add3A_187 = arith.addi %mul3A_185, %add3A_186 : i32
        %add3A_188 = vector.broadcast %add3A_187 : i32 to vector<16xi32>
        %add3A_189 = arith.addi %add3A_188, %iota3A : vector<16xi32>
        %min3A_190 = arith.constant 512 : i32
        %min3A_191 = arith.minsi %add3A_178, %min3A_190 : i32
        %swap3A_192 = arith.index_cast %min3A_191 : i32 to index
        %swap3A_193 = tpu.vector_load %arg18[%swap3A_192] masked %ge3A_183 {strides = array<i32>} : memref<544xf32, #tpu.memory_space<vmem>>, vector<16xf32>, vector<16xi1>
        tpu.vector_store %arg18[%swap3A_192], %get3A_181 masked %ge3A_183 {strides = array<i32>} : memref<544xf32, #tpu.memory_space<vmem>>, vector<16xf32>, vector<16xi1>
        %swap3A_194 = arith.index_cast %min3A_191 : i32 to index
        %swap3A_195 = tpu.vector_load %arg19[%swap3A_194] masked %ge3A_183 {strides = array<i32>} : memref<544xi32, #tpu.memory_space<vmem>>, vector<16xi32>, vector<16xi1>
        tpu.vector_store %arg19[%swap3A_194], %add3A_189 masked %ge3A_183 {strides = array<i32>} : memref<544xi32, #tpu.memory_space<vmem>>, vector<16xi32>, vector<16xi1>
        %all_reduce_population_count3A_196 = tpu.all_reduce %ge3A_183 {dim = 0 : i64, kind = #tpu.reduction_kind<sum>} : vector<16xi1> -> vector<16xi32>
        %slice3A_197 = vector.extract_strided_slice %all_reduce_population_count3A_196 {offsets = [0], sizes = [1], strides = [1]} : vector<16xi32> to vector<1xi32>
        %squeeze3A_198 = vector.extract %slice3A_197[0] : i32 from vector<1xi32>
        %add3A_199 = arith.addi %add3A_178, %squeeze3A_198 : i32
        %get3A_200 = arith.index_cast %while3A_134 : i32 to index
        %get3A_201 = arith.constant 48 : index
        %get3A_202 = tpu.vector_load %arg17[%get3A_200, %get3A_201] {strides = array<i32>} : memref<16x128xf32, #tpu.memory_space<vmem>>, vector<16xf32>,
        %ge3A_203 = vector.broadcast %scan3A_17#0 : f32 to vector<16xf32>
        %ge3A_204 = arith.cmpf oge, %get3A_202, %ge3A_203 : vector<16xf32>
        %mul3A_205 = arith.constant 128 : i32
        %mul3A_206 = arith.muli %sub3A, %mul3A_205 : i32
        %add3A_207 = arith.constant 48 : i32
        %add3A_208 = arith.addi %mul3A_206, %add3A_207 : i32
        %add3A_209 = vector.broadcast %add3A_208 : i32 to vector<16xi32>
        %add3A_210 = arith.addi %add3A_209, %iota3A : vector<16xi32>
        %min3A_211 = arith.constant 512 : i32
        %min3A_212 = arith.minsi %add3A_199, %min3A_211 : i32
        %swap3A_213 = arith.index_cast %min3A_212 : i32 to index
        %swap3A_214 = tpu.vector_load %arg18[%swap3A_213] masked %ge3A_204 {strides = array<i32>} : memref<544xf32, #tpu.memory_space<vmem>>, vector<16xf32>, vector<16xi1>
        tpu.vector_store %arg18[%swap3A_213], %get3A_202 masked %ge3A_204 {strides = array<i32>} : memref<544xf32, #tpu.memory_space<vmem>>, vector<16xf32>, vector<16xi1>
        %swap3A_215 = arith.index_cast %min3A_212 : i32 to index
        %swap3A_216 = tpu.vector_load %arg19[%swap3A_215] masked %ge3A_204 {strides = array<i32>} : memref<544xi32, #tpu.memory_space<vmem>>, vector<16xi32>, vector<16xi1>
        tpu.vector_store %arg19[%swap3A_215], %add3A_210 masked %ge3A_204 {strides = array<i32>} : memref<544xi32, #tpu.memory_space<vmem>>, vector<16xi32>, vector<16xi1>
        %all_reduce_population_count3A_217 = tpu.all_reduce %ge3A_204 {dim = 0 : i64, kind = #tpu.reduction_kind<sum>} : vector<16xi1> -> vector<16xi32>
        %slice3A_218 = vector.extract_strided_slice %all_reduce_population_count3A_217 {offsets = [0], sizes = [1], strides = [1]} : vector<16xi32> to vector<1xi32>
        %squeeze3A_219 = vector.extract %slice3A_218[0] : i32 from vector<1xi32>
        %add3A_220 = arith.addi %add3A_199, %squeeze3A_219 : i32
        %get3A_221 = arith.index_cast %while3A_134 : i32 to index
        %get3A_222 = arith.constant 64 : index
        %get3A_223 = tpu.vector_load %arg17[%get3A_221, %get3A_222] {strides = array<i32>} : memref<16x128xf32, #tpu.memory_space<vmem>>, vector<16xf32>,
        %ge3A_224 = vector.broadcast %scan3A_17#0 : f32 to vector<16xf32>
        %ge3A_225 = arith.cmpf oge, %get3A_223, %ge3A_224 : vector<16xf32>
        %mul3A_226 = arith.constant 128 : i32
        %mul3A_227 = arith.muli %sub3A, %mul3A_226 : i32
        %add3A_228 = arith.constant 64 : i32
        %add3A_229 = arith.addi %mul3A_227, %add3A_228 : i32
        %add3A_230 = vector.broadcast %add3A_229 : i32 to vector<16xi32>
        %add3A_231 = arith.addi %add3A_230, %iota3A : vector<16xi32>
        %min3A_232 = arith.constant 512 : i32
        %min3A_233 = arith.minsi %add3A_220, %min3A_232 : i32
        %swap3A_234 = arith.index_cast %min3A_233 : i32 to index
        %swap3A_235 = tpu.vector_load %arg18[%swap3A_234] masked %ge3A_225 {strides = array<i32>} : memref<544xf32, #tpu.memory_space<vmem>>, vector<16xf32>, vector<16xi1>
        tpu.vector_store %arg18[%swap3A_234], %get3A_223 masked %ge3A_225 {strides = array<i32>} : memref<544xf32, #tpu.memory_space<vmem>>, vector<16xf32>, vector<16xi1>
        %swap3A_236 = arith.index_cast %min3A_233 : i32 to index
        %swap3A_237 = tpu.vector_load %arg19[%swap3A_236] masked %ge3A_225 {strides = array<i32>} : memref<544xi32, #tpu.memory_space<vmem>>, vector<16xi32>, vector<16xi1>
        tpu.vector_store %arg19[%swap3A_236], %add3A_231 masked %ge3A_225 {strides = array<i32>} : memref<544xi32, #tpu.memory_space<vmem>>, vector<16xi32>, vector<16xi1>
        %all_reduce_population_count3A_238 = tpu.all_reduce %ge3A_225 {dim = 0 : i64, kind = #tpu.reduction_kind<sum>} : vector<16xi1> -> vector<16xi32>
        %slice3A_239 = vector.extract_strided_slice %all_reduce_population_count3A_238 {offsets = [0], sizes = [1], strides = [1]} : vector<16xi32> to vector<1xi32>
        %squeeze3A_240 = vector.extract %slice3A_239[0] : i32 from vector<1xi32>
        %add3A_241 = arith.addi %add3A_220, %squeeze3A_240 : i32
        %get3A_242 = arith.index_cast %while3A_134 : i32 to index
        %get3A_243 = arith.constant 80 : index
        %get3A_244 = tpu.vector_load %arg17[%get3A_242, %get3A_243] {strides = array<i32>} : memref<16x128xf32, #tpu.memory_space<vmem>>, vector<16xf32>,
        %ge3A_245 = vector.broadcast %scan3A_17#0 : f32 to vector<16xf32>
        %ge3A_246 = arith.cmpf oge, %get3A_244, %ge3A_245 : vector<16xf32>
        %mul3A_247 = arith.constant 128 : i32
        %mul3A_248 = arith.muli %sub3A, %mul3A_247 : i32
        %add3A_249 = arith.constant 80 : i32
        %add3A_250 = arith.addi %mul3A_248, %add3A_249 : i32
        %add3A_251 = vector.broadcast %add3A_250 : i32 to vector<16xi32>
        %add3A_252 = arith.addi %add3A_251, %iota3A : vector<16xi32>
        %min3A_253 = arith.constant 512 : i32
        %min3A_254 = arith.minsi %add3A_241, %min3A_253 : i32
        %swap3A_255 = arith.index_cast %min3A_254 : i32 to index
        %swap3A_256 = tpu.vector_load %arg18[%swap3A_255] masked %ge3A_246 {strides = array<i32>} : memref<544xf32, #tpu.memory_space<vmem>>, vector<16xf32>, vector<16xi1>
        tpu.vector_store %arg18[%swap3A_255], %get3A_244 masked %ge3A_246 {strides = array<i32>} : memref<544xf32, #tpu.memory_space<vmem>>, vector<16xf32>, vector<16xi1>
        %swap3A_257 = arith.index_cast %min3A_254 : i32 to index
        %swap3A_258 = tpu.vector_load %arg19[%swap3A_257] masked %ge3A_246 {strides = array<i32>} : memref<544xi32, #tpu.memory_space<vmem>>, vector<16xi32>, vector<16xi1>
        tpu.vector_store %arg19[%swap3A_257], %add3A_252 masked %ge3A_246 {strides = array<i32>} : memref<544xi32, #tpu.memory_space<vmem>>, vector<16xi32>, vector<16xi1>
        %all_reduce_population_count3A_259 = tpu.all_reduce %ge3A_246 {dim = 0 : i64, kind = #tpu.reduction_kind<sum>} : vector<16xi1> -> vector<16xi32>
        %slice3A_260 = vector.extract_strided_slice %all_reduce_population_count3A_259 {offsets = [0], sizes = [1], strides = [1]} : vector<16xi32> to vector<1xi32>
        %squeeze3A_261 = vector.extract %slice3A_260[0] : i32 from vector<1xi32>
        %add3A_262 = arith.addi %add3A_241, %squeeze3A_261 : i32
        %get3A_263 = arith.index_cast %while3A_134 : i32 to index
        %get3A_264 = arith.constant 96 : index
        %get3A_265 = tpu.vector_load %arg17[%get3A_263, %get3A_264] {strides = array<i32>} : memref<16x128xf32, #tpu.memory_space<vmem>>, vector<16xf32>,
        %ge3A_266 = vector.broadcast %scan3A_17#0 : f32 to vector<16xf32>
        %ge3A_267 = arith.cmpf oge, %get3A_265, %ge3A_266 : vector<16xf32>
        %mul3A_268 = arith.constant 128 : i32
        %mul3A_269 = arith.muli %sub3A, %mul3A_268 : i32
        %add3A_270 = arith.constant 96 : i32
        %add3A_271 = arith.addi %mul3A_269, %add3A_270 : i32
        %add3A_272 = vector.broadcast %add3A_271 : i32 to vector<16xi32>
        %add3A_273 = arith.addi %add3A_272, %iota3A : vector<16xi32>
        %min3A_274 = arith.constant 512 : i32
        %min3A_275 = arith.minsi %add3A_262, %min3A_274 : i32
        %swap3A_276 = arith.index_cast %min3A_275 : i32 to index
        %swap3A_277 = tpu.vector_load %arg18[%swap3A_276] masked %ge3A_267 {strides = array<i32>} : memref<544xf32, #tpu.memory_space<vmem>>, vector<16xf32>, vector<16xi1>
        tpu.vector_store %arg18[%swap3A_276], %get3A_265 masked %ge3A_267 {strides = array<i32>} : memref<544xf32, #tpu.memory_space<vmem>>, vector<16xf32>, vector<16xi1>
        %swap3A_278 = arith.index_cast %min3A_275 : i32 to index
        %swap3A_279 = tpu.vector_load %arg19[%swap3A_278] masked %ge3A_267 {strides = array<i32>} : memref<544xi32, #tpu.memory_space<vmem>>, vector<16xi32>, vector<16xi1>
        tpu.vector_store %arg19[%swap3A_278], %add3A_273 masked %ge3A_267 {strides = array<i32>} : memref<544xi32, #tpu.memory_space<vmem>>, vector<16xi32>, vector<16xi1>
        %all_reduce_population_count3A_280 = tpu.all_reduce %ge3A_267 {dim = 0 : i64, kind = #tpu.reduction_kind<sum>} : vector<16xi1> -> vector<16xi32>
        %slice3A_281 = vector.extract_strided_slice %all_reduce_population_count3A_280 {offsets = [0], sizes = [1], strides = [1]} : vector<16xi32> to vector<1xi32>
        %squeeze3A_282 = vector.extract %slice3A_281[0] : i32 from vector<1xi32>
        %add3A_283 = arith.addi %add3A_262, %squeeze3A_282 : i32
        %get3A_284 = arith.index_cast %while3A_134 : i32 to index
        %get3A_285 = arith.constant 112 : index
        %get3A_286 = tpu.vector_load %arg17[%get3A_284, %get3A_285] {strides = array<i32>} : memref<16x128xf32, #tpu.memory_space<vmem>>, vector<16xf32>,
        %ge3A_287 = vector.broadcast %scan3A_17#0 : f32 to vector<16xf32>
        %ge3A_288 = arith.cmpf oge, %get3A_286, %ge3A_287 : vector<16xf32>
        %mul3A_289 = arith.constant 128 : i32
        %mul3A_290 = arith.muli %sub3A, %mul3A_289 : i32
        %add3A_291 = arith.constant 112 : i32
        %add3A_292 = arith.addi %mul3A_290, %add3A_291 : i32
        %add3A_293 = vector.broadcast %add3A_292 : i32 to vector<16xi32>
        %add3A_294 = arith.addi %add3A_293, %iota3A : vector<16xi32>
        %min3A_295 = arith.constant 512 : i32
        %min3A_296 = arith.minsi %add3A_283, %min3A_295 : i32
        %swap3A_297 = arith.index_cast %min3A_296 : i32 to index
        %swap3A_298 = tpu.vector_load %arg18[%swap3A_297] masked %ge3A_288 {strides = array<i32>} : memref<544xf32, #tpu.memory_space<vmem>>, vector<16xf32>, vector<16xi1>
        tpu.vector_store %arg18[%swap3A_297], %get3A_286 masked %ge3A_288 {strides = array<i32>} : memref<544xf32, #tpu.memory_space<vmem>>, vector<16xf32>, vector<16xi1>
        %swap3A_299 = arith.index_cast %min3A_296 : i32 to index
        %swap3A_300 = tpu.vector_load %arg19[%swap3A_299] masked %ge3A_288 {strides = array<i32>} : memref<544xi32, #tpu.memory_space<vmem>>, vector<16xi32>, vector<16xi1>
        tpu.vector_store %arg19[%swap3A_299], %add3A_294 masked %ge3A_288 {strides = array<i32>} : memref<544xi32, #tpu.memory_space<vmem>>, vector<16xi32>, vector<16xi1>
        %all_reduce_population_count3A_301 = tpu.all_reduce %ge3A_288 {dim = 0 : i64, kind = #tpu.reduction_kind<sum>} : vector<16xi1> -> vector<16xi32>
        %slice3A_302 = vector.extract_strided_slice %all_reduce_population_count3A_301 {offsets = [0], sizes = [1], strides = [1]} : vector<16xi32> to vector<1xi32>
        %squeeze3A_303 = vector.extract %slice3A_302[0] : i32 from vector<1xi32>
        %add3A_304 = arith.addi %add3A_283, %squeeze3A_303 : i32
        scf.yield %add3A_304 : i32
      }
      %while3A_69 = arith.constant 1 : i32
      %while3A_70 = scf.for %while3A_134 = %while3A_66 to %while3A_62 step %while3A_69 iter_args(%while3A_135 = %while3A_68) -> (i32)  : i32 {
        %get3A = arith.index_cast %while3A_134 : i32 to index
        %get3A_136 = tpu.vector_load %arg16[%get3A] {strides = array<i32>} : memref<32xi32, #tpu.memory_space<vmem>>, vector<16xi32>,
        %slice3A = vector.extract_strided_slice %get3A_136 {offsets = [0], sizes = [1], strides = [1]} : vector<16xi32> to vector<1xi32>
        %squeeze3A = vector.extract %slice3A[0] : i32 from vector<1xi32>
        %mul3A_137 = arith.constant 10240 : i32
        %mul3A_138 = arith.muli %add3A, %mul3A_137 : i32
        %sub3A = arith.subi %squeeze3A, %mul3A_138 : i32
        %get3A_139 = arith.index_cast %while3A_134 : i32 to index
        %get3A_140 = arith.constant 0 : index
        %get3A_141 = tpu.vector_load %arg17[%get3A_139, %get3A_140] {strides = array<i32>} : memref<16x128xf32, #tpu.memory_space<vmem>>, vector<16xf32>,
        %ge3A = vector.broadcast %scan3A_17#0 : f32 to vector<16xf32>
        %ge3A_142 = arith.cmpf oge, %get3A_141, %ge3A : vector<16xf32>
        %mul3A_143 = arith.constant 128 : i32
        %mul3A_144 = arith.muli %sub3A, %mul3A_143 : i32
        %add3A_145 = arith.constant 0 : i32
        %add3A_146 = arith.addi %mul3A_144, %add3A_145 : i32
        %add3A_147 = vector.broadcast %add3A_146 : i32 to vector<16xi32>
        %add3A_148 = arith.addi %add3A_147, %iota3A : vector<16xi32>
        %min3A_149 = arith.constant 512 : i32
        %min3A_150 = arith.minsi %while3A_135, %min3A_149 : i32
        %swap3A_151 = arith.index_cast %min3A_150 : i32 to index
        %swap3A_152 = tpu.vector_load %arg18[%swap3A_151] masked %ge3A_142 {strides = array<i32>} : memref<544xf32, #tpu.memory_space<vmem>>, vector<16xf32>, vector<16xi1>
        tpu.vector_store %arg18[%swap3A_151], %get3A_141 masked %ge3A_142 {strides = array<i32>} : memref<544xf32, #tpu.memory_space<vmem>>, vector<16xf32>, vector<16xi1>
        %swap3A_153 = arith.index_cast %min3A_150 : i32 to index
        %swap3A_154 = tpu.vector_load %arg19[%swap3A_153] masked %ge3A_142 {strides = array<i32>} : memref<544xi32, #tpu.memory_space<vmem>>, vector<16xi32>, vector<16xi1>
        tpu.vector_store %arg19[%swap3A_153], %add3A_148 masked %ge3A_142 {strides = array<i32>} : memref<544xi32, #tpu.memory_space<vmem>>, vector<16xi32>, vector<16xi1>
        %all_reduce_population_count3A = tpu.all_reduce %ge3A_142 {dim = 0 : i64, kind = #tpu.reduction_kind<sum>} : vector<16xi1> -> vector<16xi32>
        %slice3A_155 = vector.extract_strided_slice %all_reduce_population_count3A {offsets = [0], sizes = [1], strides = [1]} : vector<16xi32> to vector<1xi32>
        %squeeze3A_156 = vector.extract %slice3A_155[0] : i32 from vector<1xi32>
        %add3A_157 = arith.addi %while3A_135, %squeeze3A_156 : i32
        %get3A_158 = arith.index_cast %while3A_134 : i32 to index
        %get3A_159 = arith.constant 16 : index
        %get3A_160 = tpu.vector_load %arg17[%get3A_158, %get3A_159] {strides = array<i32>} : memref<16x128xf32, #tpu.memory_space<vmem>>, vector<16xf32>,
        %ge3A_161 = vector.broadcast %scan3A_17#0 : f32 to vector<16xf32>
        %ge3A_162 = arith.cmpf oge, %get3A_160, %ge3A_161 : vector<16xf32>
        %mul3A_163 = arith.constant 128 : i32
        %mul3A_164 = arith.muli %sub3A, %mul3A_163 : i32
        %add3A_165 = arith.constant 16 : i32
        %add3A_166 = arith.addi %mul3A_164, %add3A_165 : i32
        %add3A_167 = vector.broadcast %add3A_166 : i32 to vector<16xi32>
        %add3A_168 = arith.addi %add3A_167, %iota3A : vector<16xi32>
        %min3A_169 = arith.constant 512 : i32
        %min3A_170 = arith.minsi %add3A_157, %min3A_169 : i32
        %swap3A_171 = arith.index_cast %min3A_170 : i32 to index
        %swap3A_172 = tpu.vector_load %arg18[%swap3A_171] masked %ge3A_162 {strides = array<i32>} : memref<544xf32, #tpu.memory_space<vmem>>, vector<16xf32>, vector<16xi1>
        tpu.vector_store %arg18[%swap3A_171], %get3A_160 masked %ge3A_162 {strides = array<i32>} : memref<544xf32, #tpu.memory_space<vmem>>, vector<16xf32>, vector<16xi1>
        %swap3A_173 = arith.index_cast %min3A_170 : i32 to index
        %swap3A_174 = tpu.vector_load %arg19[%swap3A_173] masked %ge3A_162 {strides = array<i32>} : memref<544xi32, #tpu.memory_space<vmem>>, vector<16xi32>, vector<16xi1>
        tpu.vector_store %arg19[%swap3A_173], %add3A_168 masked %ge3A_162 {strides = array<i32>} : memref<544xi32, #tpu.memory_space<vmem>>, vector<16xi32>, vector<16xi1>
        %all_reduce_population_count3A_175 = tpu.all_reduce %ge3A_162 {dim = 0 : i64, kind = #tpu.reduction_kind<sum>} : vector<16xi1> -> vector<16xi32>
        %slice3A_176 = vector.extract_strided_slice %all_reduce_population_count3A_175 {offsets = [0], sizes = [1], strides = [1]} : vector<16xi32> to vector<1xi32>
        %squeeze3A_177 = vector.extract %slice3A_176[0] : i32 from vector<1xi32>
        %add3A_178 = arith.addi %add3A_157, %squeeze3A_177 : i32
        %get3A_179 = arith.index_cast %while3A_134 : i32 to index
        %get3A_180 = arith.constant 32 : index
        %get3A_181 = tpu.vector_load %arg17[%get3A_179, %get3A_180] {strides = array<i32>} : memref<16x128xf32, #tpu.memory_space<vmem>>, vector<16xf32>,
        %ge3A_182 = vector.broadcast %scan3A_17#0 : f32 to vector<16xf32>
        %ge3A_183 = arith.cmpf oge, %get3A_181, %ge3A_182 : vector<16xf32>
        %mul3A_184 = arith.constant 128 : i32
        %mul3A_185 = arith.muli %sub3A, %mul3A_184 : i32
        %add3A_186 = arith.constant 32 : i32
        %add3A_187 = arith.addi %mul3A_185, %add3A_186 : i32
        %add3A_188 = vector.broadcast %add3A_187 : i32 to vector<16xi32>
        %add3A_189 = arith.addi %add3A_188, %iota3A : vector<16xi32>
        %min3A_190 = arith.constant 512 : i32
        %min3A_191 = arith.minsi %add3A_178, %min3A_190 : i32
        %swap3A_192 = arith.index_cast %min3A_191 : i32 to index
        %swap3A_193 = tpu.vector_load %arg18[%swap3A_192] masked %ge3A_183 {strides = array<i32>} : memref<544xf32, #tpu.memory_space<vmem>>, vector<16xf32>, vector<16xi1>
        tpu.vector_store %arg18[%swap3A_192], %get3A_181 masked %ge3A_183 {strides = array<i32>} : memref<544xf32, #tpu.memory_space<vmem>>, vector<16xf32>, vector<16xi1>
        %swap3A_194 = arith.index_cast %min3A_191 : i32 to index
        %swap3A_195 = tpu.vector_load %arg19[%swap3A_194] masked %ge3A_183 {strides = array<i32>} : memref<544xi32, #tpu.memory_space<vmem>>, vector<16xi32>, vector<16xi1>
        tpu.vector_store %arg19[%swap3A_194], %add3A_189 masked %ge3A_183 {strides = array<i32>} : memref<544xi32, #tpu.memory_space<vmem>>, vector<16xi32>, vector<16xi1>
        %all_reduce_population_count3A_196 = tpu.all_reduce %ge3A_183 {dim = 0 : i64, kind = #tpu.reduction_kind<sum>} : vector<16xi1> -> vector<16xi32>
        %slice3A_197 = vector.extract_strided_slice %all_reduce_population_count3A_196 {offsets = [0], sizes = [1], strides = [1]} : vector<16xi32> to vector<1xi32>
        %squeeze3A_198 = vector.extract %slice3A_197[0] : i32 from vector<1xi32>
        %add3A_199 = arith.addi %add3A_178, %squeeze3A_198 : i32
        %get3A_200 = arith.index_cast %while3A_134 : i32 to index
        %get3A_201 = arith.constant 48 : index
        %get3A_202 = tpu.vector_load %arg17[%get3A_200, %get3A_201] {strides = array<i32>} : memref<16x128xf32, #tpu.memory_space<vmem>>, vector<16xf32>,
        %ge3A_203 = vector.broadcast %scan3A_17#0 : f32 to vector<16xf32>
        %ge3A_204 = arith.cmpf oge, %get3A_202, %ge3A_203 : vector<16xf32>
        %mul3A_205 = arith.constant 128 : i32
        %mul3A_206 = arith.muli %sub3A, %mul3A_205 : i32
        %add3A_207 = arith.constant 48 : i32
        %add3A_208 = arith.addi %mul3A_206, %add3A_207 : i32
        %add3A_209 = vector.broadcast %add3A_208 : i32 to vector<16xi32>
        %add3A_210 = arith.addi %add3A_209, %iota3A : vector<16xi32>
        %min3A_211 = arith.constant 512 : i32
        %min3A_212 = arith.minsi %add3A_199, %min3A_211 : i32
        %swap3A_213 = arith.index_cast %min3A_212 : i32 to index
        %swap3A_214 = tpu.vector_load %arg18[%swap3A_213] masked %ge3A_204 {strides = array<i32>} : memref<544xf32, #tpu.memory_space<vmem>>, vector<16xf32>, vector<16xi1>
        tpu.vector_store %arg18[%swap3A_213], %get3A_202 masked %ge3A_204 {strides = array<i32>} : memref<544xf32, #tpu.memory_space<vmem>>, vector<16xf32>, vector<16xi1>
        %swap3A_215 = arith.index_cast %min3A_212 : i32 to index
        %swap3A_216 = tpu.vector_load %arg19[%swap3A_215] masked %ge3A_204 {strides = array<i32>} : memref<544xi32, #tpu.memory_space<vmem>>, vector<16xi32>, vector<16xi1>
        tpu.vector_store %arg19[%swap3A_215], %add3A_210 masked %ge3A_204 {strides = array<i32>} : memref<544xi32, #tpu.memory_space<vmem>>, vector<16xi32>, vector<16xi1>
        %all_reduce_population_count3A_217 = tpu.all_reduce %ge3A_204 {dim = 0 : i64, kind = #tpu.reduction_kind<sum>} : vector<16xi1> -> vector<16xi32>
        %slice3A_218 = vector.extract_strided_slice %all_reduce_population_count3A_217 {offsets = [0], sizes = [1], strides = [1]} : vector<16xi32> to vector<1xi32>
        %squeeze3A_219 = vector.extract %slice3A_218[0] : i32 from vector<1xi32>
        %add3A_220 = arith.addi %add3A_199, %squeeze3A_219 : i32
        %get3A_221 = arith.index_cast %while3A_134 : i32 to index
        %get3A_222 = arith.constant 64 : index
        %get3A_223 = tpu.vector_load %arg17[%get3A_221, %get3A_222] {strides = array<i32>} : memref<16x128xf32, #tpu.memory_space<vmem>>, vector<16xf32>,
        %ge3A_224 = vector.broadcast %scan3A_17#0 : f32 to vector<16xf32>
        %ge3A_225 = arith.cmpf oge, %get3A_223, %ge3A_224 : vector<16xf32>
        %mul3A_226 = arith.constant 128 : i32
        %mul3A_227 = arith.muli %sub3A, %mul3A_226 : i32
        %add3A_228 = arith.constant 64 : i32
        %add3A_229 = arith.addi %mul3A_227, %add3A_228 : i32
        %add3A_230 = vector.broadcast %add3A_229 : i32 to vector<16xi32>
        %add3A_231 = arith.addi %add3A_230, %iota3A : vector<16xi32>
        %min3A_232 = arith.constant 512 : i32
        %min3A_233 = arith.minsi %add3A_220, %min3A_232 : i32
        %swap3A_234 = arith.index_cast %min3A_233 : i32 to index
        %swap3A_235 = tpu.vector_load %arg18[%swap3A_234] masked %ge3A_225 {strides = array<i32>} : memref<544xf32, #tpu.memory_space<vmem>>, vector<16xf32>, vector<16xi1>
        tpu.vector_store %arg18[%swap3A_234], %get3A_223 masked %ge3A_225 {strides = array<i32>} : memref<544xf32, #tpu.memory_space<vmem>>, vector<16xf32>, vector<16xi1>
        %swap3A_236 = arith.index_cast %min3A_233 : i32 to index
        %swap3A_237 = tpu.vector_load %arg19[%swap3A_236] masked %ge3A_225 {strides = array<i32>} : memref<544xi32, #tpu.memory_space<vmem>>, vector<16xi32>, vector<16xi1>
        tpu.vector_store %arg19[%swap3A_236], %add3A_231 masked %ge3A_225 {strides = array<i32>} : memref<544xi32, #tpu.memory_space<vmem>>, vector<16xi32>, vector<16xi1>
        %all_reduce_population_count3A_238 = tpu.all_reduce %ge3A_225 {dim = 0 : i64, kind = #tpu.reduction_kind<sum>} : vector<16xi1> -> vector<16xi32>
        %slice3A_239 = vector.extract_strided_slice %all_reduce_population_count3A_238 {offsets = [0], sizes = [1], strides = [1]} : vector<16xi32> to vector<1xi32>
        %squeeze3A_240 = vector.extract %slice3A_239[0] : i32 from vector<1xi32>
        %add3A_241 = arith.addi %add3A_220, %squeeze3A_240 : i32
        %get3A_242 = arith.index_cast %while3A_134 : i32 to index
        %get3A_243 = arith.constant 80 : index
        %get3A_244 = tpu.vector_load %arg17[%get3A_242, %get3A_243] {strides = array<i32>} : memref<16x128xf32, #tpu.memory_space<vmem>>, vector<16xf32>,
        %ge3A_245 = vector.broadcast %scan3A_17#0 : f32 to vector<16xf32>
        %ge3A_246 = arith.cmpf oge, %get3A_244, %ge3A_245 : vector<16xf32>
        %mul3A_247 = arith.constant 128 : i32
        %mul3A_248 = arith.muli %sub3A, %mul3A_247 : i32
        %add3A_249 = arith.constant 80 : i32
        %add3A_250 = arith.addi %mul3A_248, %add3A_249 : i32
        %add3A_251 = vector.broadcast %add3A_250 : i32 to vector<16xi32>
        %add3A_252 = arith.addi %add3A_251, %iota3A : vector<16xi32>
        %min3A_253 = arith.constant 512 : i32
        %min3A_254 = arith.minsi %add3A_241, %min3A_253 : i32
        %swap3A_255 = arith.index_cast %min3A_254 : i32 to index
        %swap3A_256 = tpu.vector_load %arg18[%swap3A_255] masked %ge3A_246 {strides = array<i32>} : memref<544xf32, #tpu.memory_space<vmem>>, vector<16xf32>, vector<16xi1>
        tpu.vector_store %arg18[%swap3A_255], %get3A_244 masked %ge3A_246 {strides = array<i32>} : memref<544xf32, #tpu.memory_space<vmem>>, vector<16xf32>, vector<16xi1>
        %swap3A_257 = arith.index_cast %min3A_254 : i32 to index
        %swap3A_258 = tpu.vector_load %arg19[%swap3A_257] masked %ge3A_246 {strides = array<i32>} : memref<544xi32, #tpu.memory_space<vmem>>, vector<16xi32>, vector<16xi1>
        tpu.vector_store %arg19[%swap3A_257], %add3A_252 masked %ge3A_246 {strides = array<i32>} : memref<544xi32, #tpu.memory_space<vmem>>, vector<16xi32>, vector<16xi1>
        %all_reduce_population_count3A_259 = tpu.all_reduce %ge3A_246 {dim = 0 : i64, kind = #tpu.reduction_kind<sum>} : vector<16xi1> -> vector<16xi32>
        %slice3A_260 = vector.extract_strided_slice %all_reduce_population_count3A_259 {offsets = [0], sizes = [1], strides = [1]} : vector<16xi32> to vector<1xi32>
        %squeeze3A_261 = vector.extract %slice3A_260[0] : i32 from vector<1xi32>
        %add3A_262 = arith.addi %add3A_241, %squeeze3A_261 : i32
        %get3A_263 = arith.index_cast %while3A_134 : i32 to index
        %get3A_264 = arith.constant 96 : index
        %get3A_265 = tpu.vector_load %arg17[%get3A_263, %get3A_264] {strides = array<i32>} : memref<16x128xf32, #tpu.memory_space<vmem>>, vector<16xf32>,
        %ge3A_266 = vector.broadcast %scan3A_17#0 : f32 to vector<16xf32>
        %ge3A_267 = arith.cmpf oge, %get3A_265, %ge3A_266 : vector<16xf32>
        %mul3A_268 = arith.constant 128 : i32
        %mul3A_269 = arith.muli %sub3A, %mul3A_268 : i32
        %add3A_270 = arith.constant 96 : i32
        %add3A_271 = arith.addi %mul3A_269, %add3A_270 : i32
        %add3A_272 = vector.broadcast %add3A_271 : i32 to vector<16xi32>
        %add3A_273 = arith.addi %add3A_272, %iota3A : vector<16xi32>
        %min3A_274 = arith.constant 512 : i32
        %min3A_275 = arith.minsi %add3A_262, %min3A_274 : i32
        %swap3A_276 = arith.index_cast %min3A_275 : i32 to index
        %swap3A_277 = tpu.vector_load %arg18[%swap3A_276] masked %ge3A_267 {strides = array<i32>} : memref<544xf32, #tpu.memory_space<vmem>>, vector<16xf32>, vector<16xi1>
        tpu.vector_store %arg18[%swap3A_276], %get3A_265 masked %ge3A_267 {strides = array<i32>} : memref<544xf32, #tpu.memory_space<vmem>>, vector<16xf32>, vector<16xi1>
        %swap3A_278 = arith.index_cast %min3A_275 : i32 to index
        %swap3A_279 = tpu.vector_load %arg19[%swap3A_278] masked %ge3A_267 {strides = array<i32>} : memref<544xi32, #tpu.memory_space<vmem>>, vector<16xi32>, vector<16xi1>
        tpu.vector_store %arg19[%swap3A_278], %add3A_273 masked %ge3A_267 {strides = array<i32>} : memref<544xi32, #tpu.memory_space<vmem>>, vector<16xi32>, vector<16xi1>
        %all_reduce_population_count3A_280 = tpu.all_reduce %ge3A_267 {dim = 0 : i64, kind = #tpu.reduction_kind<sum>} : vector<16xi1> -> vector<16xi32>
        %slice3A_281 = vector.extract_strided_slice %all_reduce_population_count3A_280 {offsets = [0], sizes = [1], strides = [1]} : vector<16xi32> to vector<1xi32>
        %squeeze3A_282 = vector.extract %slice3A_281[0] : i32 from vector<1xi32>
        %add3A_283 = arith.addi %add3A_262, %squeeze3A_282 : i32
        %get3A_284 = arith.index_cast %while3A_134 : i32 to index
        %get3A_285 = arith.constant 112 : index
        %get3A_286 = tpu.vector_load %arg17[%get3A_284, %get3A_285] {strides = array<i32>} : memref<16x128xf32, #tpu.memory_space<vmem>>, vector<16xf32>,
        %ge3A_287 = vector.broadcast %scan3A_17#0 : f32 to vector<16xf32>
        %ge3A_288 = arith.cmpf oge, %get3A_286, %ge3A_287 : vector<16xf32>
        %mul3A_289 = arith.constant 128 : i32
        %mul3A_290 = arith.muli %sub3A, %mul3A_289 : i32
        %add3A_291 = arith.constant 112 : i32
        %add3A_292 = arith.addi %mul3A_290, %add3A_291 : i32
        %add3A_293 = vector.broadcast %add3A_292 : i32 to vector<16xi32>
        %add3A_294 = arith.addi %add3A_293, %iota3A : vector<16xi32>
        %min3A_295 = arith.constant 512 : i32
        %min3A_296 = arith.minsi %add3A_283, %min3A_295 : i32
        %swap3A_297 = arith.index_cast %min3A_296 : i32 to index
        %swap3A_298 = tpu.vector_load %arg18[%swap3A_297] masked %ge3A_288 {strides = array<i32>} : memref<544xf32, #tpu.memory_space<vmem>>, vector<16xf32>, vector<16xi1>
        tpu.vector_store %arg18[%swap3A_297], %get3A_286 masked %ge3A_288 {strides = array<i32>} : memref<544xf32, #tpu.memory_space<vmem>>, vector<16xf32>, vector<16xi1>
        %swap3A_299 = arith.index_cast %min3A_296 : i32 to index
        %swap3A_300 = tpu.vector_load %arg19[%swap3A_299] masked %ge3A_288 {strides = array<i32>} : memref<544xi32, #tpu.memory_space<vmem>>, vector<16xi32>, vector<16xi1>
        tpu.vector_store %arg19[%swap3A_299], %add3A_294 masked %ge3A_288 {strides = array<i32>} : memref<544xi32, #tpu.memory_space<vmem>>, vector<16xi32>, vector<16xi1>
        %all_reduce_population_count3A_301 = tpu.all_reduce %ge3A_288 {dim = 0 : i64, kind = #tpu.reduction_kind<sum>} : vector<16xi1> -> vector<16xi32>
        %slice3A_302 = vector.extract_strided_slice %all_reduce_population_count3A_301 {offsets = [0], sizes = [1], strides = [1]} : vector<16xi32> to vector<1xi32>
        %squeeze3A_303 = vector.extract %slice3A_302[0] : i32 from vector<1xi32>
        %add3A_304 = arith.addi %add3A_283, %squeeze3A_303 : i32
        scf.yield %add3A_304 : i32
      }
      %min3A_71 = arith.constant 512 : i32
      %min3A_72 = arith.minsi %while3A_70, %min3A_71 : i32
      %add3A_73 = arith.constant 15 : i32
      %add3A_74 = arith.addi %min3A_72, %add3A_73 : i32
      %div3A = arith.constant 16 : i32
      %div3A_75 = arith.divsi %add3A_74, %div3A : i32
      %while3A_76 = arith.constant 0 : i32
      %while3A_77 = arith.constant 0 : i32
      %while3A_78 = arith.subi %div3A_75, %while3A_77 : i32
      %while3A_79 = arith.addi %while3A_77, %while3A_78 : i32
      %while3A_80 = arith.constant 1 : i32
      %while3A_81 = arith.divsi %while3A_78, %while3A_80 : i32
      %while3A_82 = arith.muli %while3A_81, %while3A_80 : i32
      %while3A_83 = arith.addi %while3A_77, %while3A_82 : i32
      %while3A_84 = arith.constant 1 : i32
      scf.for %while3A_134 = %while3A_77 to %while3A_83 step %while3A_84  : i32 {
        %mul3A_135 = arith.constant 16 : i32
        %mul3A_136 = arith.muli %while3A_134, %mul3A_135 : i32
        %swap3A_137 = arith.index_cast %mul3A_136 : i32 to index
        %swap3A_138 = tpu.vector_load %arg20[%swap3A_137] {strides = array<i32>} : memref<544xi32, #tpu.memory_space<vmem>>, vector<16xi32>,
        tpu.vector_store %arg20[%swap3A_137], %broadcast_in_dim3A_5 {strides = array<i32>} : memref<544xi32, #tpu.memory_space<vmem>>, vector<16xi32>,
      }
      %while3A_85 = arith.constant 1 : i32
      scf.for %while3A_134 = %while3A_83 to %while3A_79 step %while3A_85  : i32 {
        %mul3A_135 = arith.constant 16 : i32
        %mul3A_136 = arith.muli %while3A_134, %mul3A_135 : i32
        %swap3A_137 = arith.index_cast %mul3A_136 : i32 to index
        %swap3A_138 = tpu.vector_load %arg20[%swap3A_137] {strides = array<i32>} : memref<544xi32, #tpu.memory_space<vmem>>, vector<16xi32>,
        tpu.vector_store %arg20[%swap3A_137], %broadcast_in_dim3A_5 {strides = array<i32>} : memref<544xi32, #tpu.memory_space<vmem>>, vector<16xi32>,
      }
      %while3A_86 = arith.constant 0 : i32
      %while3A_87 = arith.constant 0 : i32
      %while3A_88 = arith.subi %min3A_72, %while3A_87 : i32
      %while3A_89 = arith.addi %while3A_87, %while3A_88 : i32
      %while3A_90 = arith.constant 1 : i32
      %while3A_91 = arith.divsi %while3A_88, %while3A_90 : i32
      %while3A_92 = arith.muli %while3A_91, %while3A_90 : i32
      %while3A_93 = arith.addi %while3A_87, %while3A_92 : i32
      %while3A_94 = arith.constant 1 : i32
      scf.for %while3A_134 = %while3A_87 to %while3A_93 step %while3A_94  : i32 {
        %get3A = arith.index_cast %while3A_134 : i32 to index
        %get3A_135 = tpu.vector_load %arg18[%get3A] {strides = array<i32>} : memref<544xf32, #tpu.memory_space<vmem>>, vector<16xf32>,
        %slice3A = vector.extract_strided_slice %get3A_135 {offsets = [0], sizes = [1], strides = [1]} : vector<16xf32> to vector<1xf32>
        %squeeze3A = vector.extract %slice3A[0] : f32 from vector<1xf32>
        %get3A_136 = arith.index_cast %while3A_134 : i32 to index
        %get3A_137 = tpu.vector_load %arg19[%get3A_136] {strides = array<i32>} : memref<544xi32, #tpu.memory_space<vmem>>, vector<16xi32>,
        %slice3A_138 = vector.extract_strided_slice %get3A_137 {offsets = [0], sizes = [1], strides = [1]} : vector<16xi32> to vector<1xi32>
        %squeeze3A_139 = vector.extract %slice3A_138[0] : i32 from vector<1xi32>
        %add3A_140 = arith.constant 1 : i32
        %add3A_141 = arith.addi %div3A_75, %add3A_140 : i32
        %div3A_142 = arith.constant 2 : i32
        %div3A_143 = arith.divsi %add3A_141, %div3A_142 : i32
        %while3A_144 = arith.constant 0 : i32
        %while3A_145 = arith.constant 0 : i32
        %while3A_146 = arith.subi %div3A_143, %while3A_145 : i32
        %while3A_147 = arith.addi %while3A_145, %while3A_146 : i32
        %while3A_148 = arith.constant 1 : i32
        %while3A_149 = arith.divsi %while3A_146, %while3A_148 : i32
        %while3A_150 = arith.muli %while3A_149, %while3A_148 : i32
        %while3A_151 = arith.addi %while3A_145, %while3A_150 : i32
        %while3A_152 = arith.constant 1 : i32
        scf.for %while3A_154 = %while3A_145 to %while3A_151 step %while3A_152  : i32 {
          %mul3A_155 = arith.constant 2 : i32
          %mul3A_156 = arith.muli %while3A_154, %mul3A_155 : i32
          %add3A_157 = arith.constant 0 : i32
          %add3A_158 = arith.addi %mul3A_156, %add3A_157 : i32
          %mul3A_159 = arith.constant 16 : i32
          %mul3A_160 = arith.muli %add3A_158, %mul3A_159 : i32
          %get3A_161 = arith.index_cast %mul3A_160 : i32 to index
          %get3A_162 = tpu.vector_load %arg18[%get3A_161] {strides = array<i32>} : memref<544xf32, #tpu.memory_space<vmem>>, vector<16xf32>,
          %mul3A_163 = arith.constant 16 : i32
          %mul3A_164 = arith.muli %add3A_158, %mul3A_163 : i32
          %get3A_165 = arith.index_cast %mul3A_164 : i32 to index
          %get3A_166 = tpu.vector_load %arg19[%get3A_165] {strides = array<i32>} : memref<544xi32, #tpu.memory_space<vmem>>, vector<16xi32>,
          %gt3A = vector.broadcast %squeeze3A : f32 to vector<16xf32>
          %gt3A_167 = arith.cmpf ogt, %gt3A, %get3A_162 : vector<16xf32>
          %eq3A = vector.broadcast %squeeze3A : f32 to vector<16xf32>
          %eq3A_168 = arith.cmpf oeq, %eq3A, %get3A_162 : vector<16xf32>
          %lt3A_169 = vector.broadcast %squeeze3A_139 : i32 to vector<16xi32>
          %lt3A_170 = arith.cmpi slt, %lt3A_169, %get3A_166 : vector<16xi32>
          %and3A = arith.andi %eq3A_168, %lt3A_170 : vector<16xi1>
          %or3A = arith.ori %gt3A_167, %and3A : vector<16xi1>
          %mul3A_171 = arith.constant 16 : i32
          %mul3A_172 = arith.muli %add3A_158, %mul3A_171 : i32
          %get3A_173 = arith.index_cast %mul3A_172 : i32 to index
          %get3A_174 = tpu.vector_load %arg20[%get3A_173] {strides = array<i32>} : memref<544xi32, #tpu.memory_space<vmem>>, vector<16xi32>,
          %select_n3A = arith.select %or3A, %broadcast_in_dim3A_3, %broadcast_in_dim3A_5 : vector<16xi1>, vector<16xi32>
          %add3A_175 = arith.addi %get3A_174, %select_n3A : vector<16xi32>
          %mul3A_176 = arith.constant 16 : i32
          %mul3A_177 = arith.muli %add3A_158, %mul3A_176 : i32
          %swap3A_178 = arith.index_cast %mul3A_177 : i32 to index
          %swap3A_179 = tpu.vector_load %arg20[%swap3A_178] {strides = array<i32>} : memref<544xi32, #tpu.memory_space<vmem>>, vector<16xi32>,
          tpu.vector_store %arg20[%swap3A_178], %add3A_175 {strides = array<i32>} : memref<544xi32, #tpu.memory_space<vmem>>, vector<16xi32>,
          %mul3A_180 = arith.constant 2 : i32
          %mul3A_181 = arith.muli %while3A_154, %mul3A_180 : i32
          %add3A_182 = arith.constant 1 : i32
          %add3A_183 = arith.addi %mul3A_181, %add3A_182 : i32
          %mul3A_184 = arith.constant 16 : i32
          %mul3A_185 = arith.muli %add3A_183, %mul3A_184 : i32
          %get3A_186 = arith.index_cast %mul3A_185 : i32 to index
          %get3A_187 = tpu.vector_load %arg18[%get3A_186] {strides = array<i32>} : memref<544xf32, #tpu.memory_space<vmem>>, vector<16xf32>,
          %mul3A_188 = arith.constant 16 : i32
          %mul3A_189 = arith.muli %add3A_183, %mul3A_188 : i32
          %get3A_190 = arith.index_cast %mul3A_189 : i32 to index
          %get3A_191 = tpu.vector_load %arg19[%get3A_190] {strides = array<i32>} : memref<544xi32, #tpu.memory_space<vmem>>, vector<16xi32>,
          %gt3A_192 = vector.broadcast %squeeze3A : f32 to vector<16xf32>
          %gt3A_193 = arith.cmpf ogt, %gt3A_192, %get3A_187 : vector<16xf32>
          %eq3A_194 = vector.broadcast %squeeze3A : f32 to vector<16xf32>
          %eq3A_195 = arith.cmpf oeq, %eq3A_194, %get3A_187 : vector<16xf32>
          %lt3A_196 = vector.broadcast %squeeze3A_139 : i32 to vector<16xi32>
          %lt3A_197 = arith.cmpi slt, %lt3A_196, %get3A_191 : vector<16xi32>
          %and3A_198 = arith.andi %eq3A_195, %lt3A_197 : vector<16xi1>
          %or3A_199 = arith.ori %gt3A_193, %and3A_198 : vector<16xi1>
          %mul3A_200 = arith.constant 16 : i32
          %mul3A_201 = arith.muli %add3A_183, %mul3A_200 : i32
          %get3A_202 = arith.index_cast %mul3A_201 : i32 to index
          %get3A_203 = tpu.vector_load %arg20[%get3A_202] {strides = array<i32>} : memref<544xi32, #tpu.memory_space<vmem>>, vector<16xi32>,
          %select_n3A_204 = arith.select %or3A_199, %broadcast_in_dim3A_3, %broadcast_in_dim3A_5 : vector<16xi1>, vector<16xi32>
          %add3A_205 = arith.addi %get3A_203, %select_n3A_204 : vector<16xi32>
          %mul3A_206 = arith.constant 16 : i32
          %mul3A_207 = arith.muli %add3A_183, %mul3A_206 : i32
          %swap3A_208 = arith.index_cast %mul3A_207 : i32 to index
          %swap3A_209 = tpu.vector_load %arg20[%swap3A_208] {strides = array<i32>} : memref<544xi32, #tpu.memory_space<vmem>>, vector<16xi32>,
          tpu.vector_store %arg20[%swap3A_208], %add3A_205 {strides = array<i32>} : memref<544xi32, #tpu.memory_space<vmem>>, vector<16xi32>,
        }
        %while3A_153 = arith.constant 1 : i32
        scf.for %while3A_154 = %while3A_151 to %while3A_147 step %while3A_153  : i32 {
          %mul3A_155 = arith.constant 2 : i32
          %mul3A_156 = arith.muli %while3A_154, %mul3A_155 : i32
          %add3A_157 = arith.constant 0 : i32
          %add3A_158 = arith.addi %mul3A_156, %add3A_157 : i32
          %mul3A_159 = arith.constant 16 : i32
          %mul3A_160 = arith.muli %add3A_158, %mul3A_159 : i32
          %get3A_161 = arith.index_cast %mul3A_160 : i32 to index
          %get3A_162 = tpu.vector_load %arg18[%get3A_161] {strides = array<i32>} : memref<544xf32, #tpu.memory_space<vmem>>, vector<16xf32>,
          %mul3A_163 = arith.constant 16 : i32
          %mul3A_164 = arith.muli %add3A_158, %mul3A_163 : i32
          %get3A_165 = arith.index_cast %mul3A_164 : i32 to index
          %get3A_166 = tpu.vector_load %arg19[%get3A_165] {strides = array<i32>} : memref<544xi32, #tpu.memory_space<vmem>>, vector<16xi32>,
          %gt3A = vector.broadcast %squeeze3A : f32 to vector<16xf32>
          %gt3A_167 = arith.cmpf ogt, %gt3A, %get3A_162 : vector<16xf32>
          %eq3A = vector.broadcast %squeeze3A : f32 to vector<16xf32>
          %eq3A_168 = arith.cmpf oeq, %eq3A, %get3A_162 : vector<16xf32>
          %lt3A_169 = vector.broadcast %squeeze3A_139 : i32 to vector<16xi32>
          %lt3A_170 = arith.cmpi slt, %lt3A_169, %get3A_166 : vector<16xi32>
          %and3A = arith.andi %eq3A_168, %lt3A_170 : vector<16xi1>
          %or3A = arith.ori %gt3A_167, %and3A : vector<16xi1>
          %mul3A_171 = arith.constant 16 : i32
          %mul3A_172 = arith.muli %add3A_158, %mul3A_171 : i32
          %get3A_173 = arith.index_cast %mul3A_172 : i32 to index
          %get3A_174 = tpu.vector_load %arg20[%get3A_173] {strides = array<i32>} : memref<544xi32, #tpu.memory_space<vmem>>, vector<16xi32>,
          %select_n3A = arith.select %or3A, %broadcast_in_dim3A_3, %broadcast_in_dim3A_5 : vector<16xi1>, vector<16xi32>
          %add3A_175 = arith.addi %get3A_174, %select_n3A : vector<16xi32>
          %mul3A_176 = arith.constant 16 : i32
          %mul3A_177 = arith.muli %add3A_158, %mul3A_176 : i32
          %swap3A_178 = arith.index_cast %mul3A_177 : i32 to index
          %swap3A_179 = tpu.vector_load %arg20[%swap3A_178] {strides = array<i32>} : memref<544xi32, #tpu.memory_space<vmem>>, vector<16xi32>,
          tpu.vector_store %arg20[%swap3A_178], %add3A_175 {strides = array<i32>} : memref<544xi32, #tpu.memory_space<vmem>>, vector<16xi32>,
          %mul3A_180 = arith.constant 2 : i32
          %mul3A_181 = arith.muli %while3A_154, %mul3A_180 : i32
          %add3A_182 = arith.constant 1 : i32
          %add3A_183 = arith.addi %mul3A_181, %add3A_182 : i32
          %mul3A_184 = arith.constant 16 : i32
          %mul3A_185 = arith.muli %add3A_183, %mul3A_184 : i32
          %get3A_186 = arith.index_cast %mul3A_185 : i32 to index
          %get3A_187 = tpu.vector_load %arg18[%get3A_186] {strides = array<i32>} : memref<544xf32, #tpu.memory_space<vmem>>, vector<16xf32>,
          %mul3A_188 = arith.constant 16 : i32
          %mul3A_189 = arith.muli %add3A_183, %mul3A_188 : i32
          %get3A_190 = arith.index_cast %mul3A_189 : i32 to index
          %get3A_191 = tpu.vector_load %arg19[%get3A_190] {strides = array<i32>} : memref<544xi32, #tpu.memory_space<vmem>>, vector<16xi32>,
          %gt3A_192 = vector.broadcast %squeeze3A : f32 to vector<16xf32>
          %gt3A_193 = arith.cmpf ogt, %gt3A_192, %get3A_187 : vector<16xf32>
          %eq3A_194 = vector.broadcast %squeeze3A : f32 to vector<16xf32>
          %eq3A_195 = arith.cmpf oeq, %eq3A_194, %get3A_187 : vector<16xf32>
          %lt3A_196 = vector.broadcast %squeeze3A_139 : i32 to vector<16xi32>
          %lt3A_197 = arith.cmpi slt, %lt3A_196, %get3A_191 : vector<16xi32>
          %and3A_198 = arith.andi %eq3A_195, %lt3A_197 : vector<16xi1>
          %or3A_199 = arith.ori %gt3A_193, %and3A_198 : vector<16xi1>
          %mul3A_200 = arith.constant 16 : i32
          %mul3A_201 = arith.muli %add3A_183, %mul3A_200 : i32
          %get3A_202 = arith.index_cast %mul3A_201 : i32 to index
          %get3A_203 = tpu.vector_load %arg20[%get3A_202] {strides = array<i32>} : memref<544xi32, #tpu.memory_space<vmem>>, vector<16xi32>,
          %select_n3A_204 = arith.select %or3A_199, %broadcast_in_dim3A_3, %broadcast_in_dim3A_5 : vector<16xi1>, vector<16xi32>
          %add3A_205 = arith.addi %get3A_203, %select_n3A_204 : vector<16xi32>
          %mul3A_206 = arith.constant 16 : i32
          %mul3A_207 = arith.muli %add3A_183, %mul3A_206 : i32
          %swap3A_208 = arith.index_cast %mul3A_207 : i32 to index
          %swap3A_209 = tpu.vector_load %arg20[%swap3A_208] {strides = array<i32>} : memref<544xi32, #tpu.memory_space<vmem>>, vector<16xi32>,
          tpu.vector_store %arg20[%swap3A_208], %add3A_205 {strides = array<i32>} : memref<544xi32, #tpu.memory_space<vmem>>, vector<16xi32>,
        }
      }
      %while3A_95 = arith.constant 1 : i32
      scf.for %while3A_134 = %while3A_93 to %while3A_89 step %while3A_95  : i32 {
        %get3A = arith.index_cast %while3A_134 : i32 to index
        %get3A_135 = tpu.vector_load %arg18[%get3A] {strides = array<i32>} : memref<544xf32, #tpu.memory_space<vmem>>, vector<16xf32>,
        %slice3A = vector.extract_strided_slice %get3A_135 {offsets = [0], sizes = [1], strides = [1]} : vector<16xf32> to vector<1xf32>
        %squeeze3A = vector.extract %slice3A[0] : f32 from vector<1xf32>
        %get3A_136 = arith.index_cast %while3A_134 : i32 to index
        %get3A_137 = tpu.vector_load %arg19[%get3A_136] {strides = array<i32>} : memref<544xi32, #tpu.memory_space<vmem>>, vector<16xi32>,
        %slice3A_138 = vector.extract_strided_slice %get3A_137 {offsets = [0], sizes = [1], strides = [1]} : vector<16xi32> to vector<1xi32>
        %squeeze3A_139 = vector.extract %slice3A_138[0] : i32 from vector<1xi32>
        %add3A_140 = arith.constant 1 : i32
        %add3A_141 = arith.addi %div3A_75, %add3A_140 : i32
        %div3A_142 = arith.constant 2 : i32
        %div3A_143 = arith.divsi %add3A_141, %div3A_142 : i32
        %while3A_144 = arith.constant 0 : i32
        %while3A_145 = arith.constant 0 : i32
        %while3A_146 = arith.subi %div3A_143, %while3A_145 : i32
        %while3A_147 = arith.addi %while3A_145, %while3A_146 : i32
        %while3A_148 = arith.constant 1 : i32
        %while3A_149 = arith.divsi %while3A_146, %while3A_148 : i32
        %while3A_150 = arith.muli %while3A_149, %while3A_148 : i32
        %while3A_151 = arith.addi %while3A_145, %while3A_150 : i32
        %while3A_152 = arith.constant 1 : i32
        scf.for %while3A_154 = %while3A_145 to %while3A_151 step %while3A_152  : i32 {
          %mul3A_155 = arith.constant 2 : i32
          %mul3A_156 = arith.muli %while3A_154, %mul3A_155 : i32
          %add3A_157 = arith.constant 0 : i32
          %add3A_158 = arith.addi %mul3A_156, %add3A_157 : i32
          %mul3A_159 = arith.constant 16 : i32
          %mul3A_160 = arith.muli %add3A_158, %mul3A_159 : i32
          %get3A_161 = arith.index_cast %mul3A_160 : i32 to index
          %get3A_162 = tpu.vector_load %arg18[%get3A_161] {strides = array<i32>} : memref<544xf32, #tpu.memory_space<vmem>>, vector<16xf32>,
          %mul3A_163 = arith.constant 16 : i32
          %mul3A_164 = arith.muli %add3A_158, %mul3A_163 : i32
          %get3A_165 = arith.index_cast %mul3A_164 : i32 to index
          %get3A_166 = tpu.vector_load %arg19[%get3A_165] {strides = array<i32>} : memref<544xi32, #tpu.memory_space<vmem>>, vector<16xi32>,
          %gt3A = vector.broadcast %squeeze3A : f32 to vector<16xf32>
          %gt3A_167 = arith.cmpf ogt, %gt3A, %get3A_162 : vector<16xf32>
          %eq3A = vector.broadcast %squeeze3A : f32 to vector<16xf32>
          %eq3A_168 = arith.cmpf oeq, %eq3A, %get3A_162 : vector<16xf32>
          %lt3A_169 = vector.broadcast %squeeze3A_139 : i32 to vector<16xi32>
          %lt3A_170 = arith.cmpi slt, %lt3A_169, %get3A_166 : vector<16xi32>
          %and3A = arith.andi %eq3A_168, %lt3A_170 : vector<16xi1>
          %or3A = arith.ori %gt3A_167, %and3A : vector<16xi1>
          %mul3A_171 = arith.constant 16 : i32
          %mul3A_172 = arith.muli %add3A_158, %mul3A_171 : i32
          %get3A_173 = arith.index_cast %mul3A_172 : i32 to index
          %get3A_174 = tpu.vector_load %arg20[%get3A_173] {strides = array<i32>} : memref<544xi32, #tpu.memory_space<vmem>>, vector<16xi32>,
          %select_n3A = arith.select %or3A, %broadcast_in_dim3A_3, %broadcast_in_dim3A_5 : vector<16xi1>, vector<16xi32>
          %add3A_175 = arith.addi %get3A_174, %select_n3A : vector<16xi32>
          %mul3A_176 = arith.constant 16 : i32
          %mul3A_177 = arith.muli %add3A_158, %mul3A_176 : i32
          %swap3A_178 = arith.index_cast %mul3A_177 : i32 to index
          %swap3A_179 = tpu.vector_load %arg20[%swap3A_178] {strides = array<i32>} : memref<544xi32, #tpu.memory_space<vmem>>, vector<16xi32>,
          tpu.vector_store %arg20[%swap3A_178], %add3A_175 {strides = array<i32>} : memref<544xi32, #tpu.memory_space<vmem>>, vector<16xi32>,
          %mul3A_180 = arith.constant 2 : i32
          %mul3A_181 = arith.muli %while3A_154, %mul3A_180 : i32
          %add3A_182 = arith.constant 1 : i32
          %add3A_183 = arith.addi %mul3A_181, %add3A_182 : i32
          %mul3A_184 = arith.constant 16 : i32
          %mul3A_185 = arith.muli %add3A_183, %mul3A_184 : i32
          %get3A_186 = arith.index_cast %mul3A_185 : i32 to index
          %get3A_187 = tpu.vector_load %arg18[%get3A_186] {strides = array<i32>} : memref<544xf32, #tpu.memory_space<vmem>>, vector<16xf32>,
          %mul3A_188 = arith.constant 16 : i32
          %mul3A_189 = arith.muli %add3A_183, %mul3A_188 : i32
          %get3A_190 = arith.index_cast %mul3A_189 : i32 to index
          %get3A_191 = tpu.vector_load %arg19[%get3A_190] {strides = array<i32>} : memref<544xi32, #tpu.memory_space<vmem>>, vector<16xi32>,
          %gt3A_192 = vector.broadcast %squeeze3A : f32 to vector<16xf32>
          %gt3A_193 = arith.cmpf ogt, %gt3A_192, %get3A_187 : vector<16xf32>
          %eq3A_194 = vector.broadcast %squeeze3A : f32 to vector<16xf32>
          %eq3A_195 = arith.cmpf oeq, %eq3A_194, %get3A_187 : vector<16xf32>
          %lt3A_196 = vector.broadcast %squeeze3A_139 : i32 to vector<16xi32>
          %lt3A_197 = arith.cmpi slt, %lt3A_196, %get3A_191 : vector<16xi32>
          %and3A_198 = arith.andi %eq3A_195, %lt3A_197 : vector<16xi1>
          %or3A_199 = arith.ori %gt3A_193, %and3A_198 : vector<16xi1>
          %mul3A_200 = arith.constant 16 : i32
          %mul3A_201 = arith.muli %add3A_183, %mul3A_200 : i32
          %get3A_202 = arith.index_cast %mul3A_201 : i32 to index
          %get3A_203 = tpu.vector_load %arg20[%get3A_202] {strides = array<i32>} : memref<544xi32, #tpu.memory_space<vmem>>, vector<16xi32>,
          %select_n3A_204 = arith.select %or3A_199, %broadcast_in_dim3A_3, %broadcast_in_dim3A_5 : vector<16xi1>, vector<16xi32>
          %add3A_205 = arith.addi %get3A_203, %select_n3A_204 : vector<16xi32>
          %mul3A_206 = arith.constant 16 : i32
          %mul3A_207 = arith.muli %add3A_183, %mul3A_206 : i32
          %swap3A_208 = arith.index_cast %mul3A_207 : i32 to index
          %swap3A_209 = tpu.vector_load %arg20[%swap3A_208] {strides = array<i32>} : memref<544xi32, #tpu.memory_space<vmem>>, vector<16xi32>,
          tpu.vector_store %arg20[%swap3A_208], %add3A_205 {strides = array<i32>} : memref<544xi32, #tpu.memory_space<vmem>>, vector<16xi32>,
        }
        %while3A_153 = arith.constant 1 : i32
        scf.for %while3A_154 = %while3A_151 to %while3A_147 step %while3A_153  : i32 {
          %mul3A_155 = arith.constant 2 : i32
          %mul3A_156 = arith.muli %while3A_154, %mul3A_155 : i32
          %add3A_157 = arith.constant 0 : i32
          %add3A_158 = arith.addi %mul3A_156, %add3A_157 : i32
          %mul3A_159 = arith.constant 16 : i32
          %mul3A_160 = arith.muli %add3A_158, %mul3A_159 : i32
          %get3A_161 = arith.index_cast %mul3A_160 : i32 to index
          %get3A_162 = tpu.vector_load %arg18[%get3A_161] {strides = array<i32>} : memref<544xf32, #tpu.memory_space<vmem>>, vector<16xf32>,
          %mul3A_163 = arith.constant 16 : i32
          %mul3A_164 = arith.muli %add3A_158, %mul3A_163 : i32
          %get3A_165 = arith.index_cast %mul3A_164 : i32 to index
          %get3A_166 = tpu.vector_load %arg19[%get3A_165] {strides = array<i32>} : memref<544xi32, #tpu.memory_space<vmem>>, vector<16xi32>,
          %gt3A = vector.broadcast %squeeze3A : f32 to vector<16xf32>
          %gt3A_167 = arith.cmpf ogt, %gt3A, %get3A_162 : vector<16xf32>
          %eq3A = vector.broadcast %squeeze3A : f32 to vector<16xf32>
          %eq3A_168 = arith.cmpf oeq, %eq3A, %get3A_162 : vector<16xf32>
          %lt3A_169 = vector.broadcast %squeeze3A_139 : i32 to vector<16xi32>
          %lt3A_170 = arith.cmpi slt, %lt3A_169, %get3A_166 : vector<16xi32>
          %and3A = arith.andi %eq3A_168, %lt3A_170 : vector<16xi1>
          %or3A = arith.ori %gt3A_167, %and3A : vector<16xi1>
          %mul3A_171 = arith.constant 16 : i32
          %mul3A_172 = arith.muli %add3A_158, %mul3A_171 : i32
          %get3A_173 = arith.index_cast %mul3A_172 : i32 to index
          %get3A_174 = tpu.vector_load %arg20[%get3A_173] {strides = array<i32>} : memref<544xi32, #tpu.memory_space<vmem>>, vector<16xi32>,
          %select_n3A = arith.select %or3A, %broadcast_in_dim3A_3, %broadcast_in_dim3A_5 : vector<16xi1>, vector<16xi32>
          %add3A_175 = arith.addi %get3A_174, %select_n3A : vector<16xi32>
          %mul3A_176 = arith.constant 16 : i32
          %mul3A_177 = arith.muli %add3A_158, %mul3A_176 : i32
          %swap3A_178 = arith.index_cast %mul3A_177 : i32 to index
          %swap3A_179 = tpu.vector_load %arg20[%swap3A_178] {strides = array<i32>} : memref<544xi32, #tpu.memory_space<vmem>>, vector<16xi32>,
          tpu.vector_store %arg20[%swap3A_178], %add3A_175 {strides = array<i32>} : memref<544xi32, #tpu.memory_space<vmem>>, vector<16xi32>,
          %mul3A_180 = arith.constant 2 : i32
          %mul3A_181 = arith.muli %while3A_154, %mul3A_180 : i32
          %add3A_182 = arith.constant 1 : i32
          %add3A_183 = arith.addi %mul3A_181, %add3A_182 : i32
          %mul3A_184 = arith.constant 16 : i32
          %mul3A_185 = arith.muli %add3A_183, %mul3A_184 : i32
          %get3A_186 = arith.index_cast %mul3A_185 : i32 to index
          %get3A_187 = tpu.vector_load %arg18[%get3A_186] {strides = array<i32>} : memref<544xf32, #tpu.memory_space<vmem>>, vector<16xf32>,
          %mul3A_188 = arith.constant 16 : i32
          %mul3A_189 = arith.muli %add3A_183, %mul3A_188 : i32
          %get3A_190 = arith.index_cast %mul3A_189 : i32 to index
          %get3A_191 = tpu.vector_load %arg19[%get3A_190] {strides = array<i32>} : memref<544xi32, #tpu.memory_space<vmem>>, vector<16xi32>,
          %gt3A_192 = vector.broadcast %squeeze3A : f32 to vector<16xf32>
          %gt3A_193 = arith.cmpf ogt, %gt3A_192, %get3A_187 : vector<16xf32>
          %eq3A_194 = vector.broadcast %squeeze3A : f32 to vector<16xf32>
          %eq3A_195 = arith.cmpf oeq, %eq3A_194, %get3A_187 : vector<16xf32>
          %lt3A_196 = vector.broadcast %squeeze3A_139 : i32 to vector<16xi32>
          %lt3A_197 = arith.cmpi slt, %lt3A_196, %get3A_191 : vector<16xi32>
          %and3A_198 = arith.andi %eq3A_195, %lt3A_197 : vector<16xi1>
          %or3A_199 = arith.ori %gt3A_193, %and3A_198 : vector<16xi1>
          %mul3A_200 = arith.constant 16 : i32
          %mul3A_201 = arith.muli %add3A_183, %mul3A_200 : i32
          %get3A_202 = arith.index_cast %mul3A_201 : i32 to index
          %get3A_203 = tpu.vector_load %arg20[%get3A_202] {strides = array<i32>} : memref<544xi32, #tpu.memory_space<vmem>>, vector<16xi32>,
          %select_n3A_204 = arith.select %or3A_199, %broadcast_in_dim3A_3, %broadcast_in_dim3A_5 : vector<16xi1>, vector<16xi32>
          %add3A_205 = arith.addi %get3A_203, %select_n3A_204 : vector<16xi32>
          %mul3A_206 = arith.constant 16 : i32
          %mul3A_207 = arith.muli %add3A_183, %mul3A_206 : i32
          %swap3A_208 = arith.index_cast %mul3A_207 : i32 to index
          %swap3A_209 = tpu.vector_load %arg20[%swap3A_208] {strides = array<i32>} : memref<544xi32, #tpu.memory_space<vmem>>, vector<16xi32>,
          tpu.vector_store %arg20[%swap3A_208], %add3A_205 {strides = array<i32>} : memref<544xi32, #tpu.memory_space<vmem>>, vector<16xi32>,
        }
      }
      %while3A_96 = arith.constant 0 : i32
      %while3A_97 = arith.constant 0 : i32
      %while3A_98 = arith.subi %div3A_75, %while3A_97 : i32
      %while3A_99 = arith.addi %while3A_97, %while3A_98 : i32
      %while3A_100 = arith.constant 1 : i32
      %while3A_101 = arith.divsi %while3A_98, %while3A_100 : i32
      %while3A_102 = arith.muli %while3A_101, %while3A_100 : i32
      %while3A_103 = arith.addi %while3A_97, %while3A_102 : i32
      %while3A_104 = arith.constant 1 : i32
      scf.for %while3A_134 = %while3A_97 to %while3A_103 step %while3A_104  : i32 {
        %mul3A_135 = arith.constant 16 : i32
        %mul3A_136 = arith.muli %while3A_134, %mul3A_135 : i32
        %get3A = arith.index_cast %mul3A_136 : i32 to index
        %get3A_137 = tpu.vector_load %arg18[%get3A] {strides = array<i32>} : memref<544xf32, #tpu.memory_space<vmem>>, vector<16xf32>,
        %mul3A_138 = arith.constant 16 : i32
        %mul3A_139 = arith.muli %while3A_134, %mul3A_138 : i32
        %get3A_140 = arith.index_cast %mul3A_139 : i32 to index
        %get3A_141 = tpu.vector_load %arg19[%get3A_140] {strides = array<i32>} : memref<544xi32, #tpu.memory_space<vmem>>, vector<16xi32>,
        %mul3A_142 = arith.constant 16 : i32
        %mul3A_143 = arith.muli %while3A_134, %mul3A_142 : i32
        %get3A_144 = arith.index_cast %mul3A_143 : i32 to index
        %get3A_145 = tpu.vector_load %arg20[%get3A_144] {strides = array<i32>} : memref<544xi32, #tpu.memory_space<vmem>>, vector<16xi32>,
        %lt3A_146 = arith.constant 100 : i32
        %lt3A_147 = vector.broadcast %lt3A_146 : i32 to vector<16xi32>
        %lt3A_148 = arith.cmpi slt, %get3A_145, %lt3A_147 : vector<16xi32>
        %mul3A_149 = arith.constant 16 : i32
        %mul3A_150 = arith.muli %while3A_134, %mul3A_149 : i32
        %add3A_151 = vector.broadcast %mul3A_150 : i32 to vector<16xi32>
        %add3A_152 = arith.addi %add3A_151, %iota3A : vector<16xi32>
        %lt3A_153 = vector.broadcast %min3A_72 : i32 to vector<16xi32>
        %lt3A_154 = arith.cmpi slt, %add3A_152, %lt3A_153 : vector<16xi32>
        %and3A = arith.andi %lt3A_148, %lt3A_154 : vector<16xi1>
        tpu.vector_store_idx %arg21[%get3A_145], %get3A_137 masked %and3A : memref<128xf32, #tpu.memory_space<vmem>>[vector<16xi32>], vector<16xf32>, vector<16xi1>
        tpu.vector_store_idx %arg22[%get3A_145], %get3A_141 masked %and3A : memref<128xi32, #tpu.memory_space<vmem>>[vector<16xi32>], vector<16xi32>, vector<16xi1>
      }
      %while3A_105 = arith.constant 1 : i32
      scf.for %while3A_134 = %while3A_103 to %while3A_99 step %while3A_105  : i32 {
        %mul3A_135 = arith.constant 16 : i32
        %mul3A_136 = arith.muli %while3A_134, %mul3A_135 : i32
        %get3A = arith.index_cast %mul3A_136 : i32 to index
        %get3A_137 = tpu.vector_load %arg18[%get3A] {strides = array<i32>} : memref<544xf32, #tpu.memory_space<vmem>>, vector<16xf32>,
        %mul3A_138 = arith.constant 16 : i32
        %mul3A_139 = arith.muli %while3A_134, %mul3A_138 : i32
        %get3A_140 = arith.index_cast %mul3A_139 : i32 to index
        %get3A_141 = tpu.vector_load %arg19[%get3A_140] {strides = array<i32>} : memref<544xi32, #tpu.memory_space<vmem>>, vector<16xi32>,
        %mul3A_142 = arith.constant 16 : i32
        %mul3A_143 = arith.muli %while3A_134, %mul3A_142 : i32
        %get3A_144 = arith.index_cast %mul3A_143 : i32 to index
        %get3A_145 = tpu.vector_load %arg20[%get3A_144] {strides = array<i32>} : memref<544xi32, #tpu.memory_space<vmem>>, vector<16xi32>,
        %lt3A_146 = arith.constant 100 : i32
        %lt3A_147 = vector.broadcast %lt3A_146 : i32 to vector<16xi32>
        %lt3A_148 = arith.cmpi slt, %get3A_145, %lt3A_147 : vector<16xi32>
        %mul3A_149 = arith.constant 16 : i32
        %mul3A_150 = arith.muli %while3A_134, %mul3A_149 : i32
        %add3A_151 = vector.broadcast %mul3A_150 : i32 to vector<16xi32>
        %add3A_152 = arith.addi %add3A_151, %iota3A : vector<16xi32>
        %lt3A_153 = vector.broadcast %min3A_72 : i32 to vector<16xi32>
        %lt3A_154 = arith.cmpi slt, %add3A_152, %lt3A_153 : vector<16xi32>
        %and3A = arith.andi %lt3A_148, %lt3A_154 : vector<16xi1>
        tpu.vector_store_idx %arg21[%get3A_145], %get3A_137 masked %and3A : memref<128xf32, #tpu.memory_space<vmem>>[vector<16xi32>], vector<16xf32>, vector<16xi1>
        tpu.vector_store_idx %arg22[%get3A_145], %get3A_141 masked %and3A : memref<128xi32, #tpu.memory_space<vmem>>[vector<16xi32>], vector<16xi32>, vector<16xi1>
      }
      %scan3A_106 = arith.constant 0 : i32
      %scan3A_107 = arith.constant 0 : i32
      %scan3A_108 = arith.constant 8 : i32
      %scan3A_109 = arith.addi %scan3A_107, %scan3A_108 : i32
      %scan3A_110 = arith.constant 1 : i32
      scf.for %scan3A_134 = %scan3A_107 to %scan3A_109 step %scan3A_110  : i32 {
        %mul3A_135 = arith.constant 16 : i32
        %mul3A_136 = arith.muli %scan3A_134, %mul3A_135 : i32
        %add3A_137 = vector.broadcast %mul3A_136 : i32 to vector<16xi32>
        %add3A_138 = arith.addi %add3A_137, %iota3A : vector<16xi32>
        %lt3A_139 = arith.constant 100 : i32
        %lt3A_140 = vector.broadcast %lt3A_139 : i32 to vector<16xi32>
        %lt3A_141 = arith.cmpi slt, %add3A_138, %lt3A_140 : vector<16xi32>
        %mul3A_142 = arith.constant 16 : i32
        %mul3A_143 = arith.muli %scan3A_134, %mul3A_142 : i32
        %get3A = arith.index_cast %mul3A_143 : i32 to index
        %get3A_144 = tpu.vector_load %arg22[%get3A] {strides = array<i32>} : memref<128xi32, #tpu.memory_space<vmem>>, vector<16xi32>,
        %select_n3A = arith.select %lt3A_141, %get3A_144, %broadcast_in_dim3A_5 : vector<16xi1>, vector<16xi32>
        %rem3A = arith.constant 16384 : i32
        %rem3A_145 = vector.broadcast %rem3A : i32 to vector<16xi32>
        %rem3A_146 = arith.remsi %select_n3A, %rem3A_145 : vector<16xi32>
        %mul3A_147 = arith.constant 2 : i32
        %mul3A_148 = arith.muli %add3A, %mul3A_147 : i32
        %mul3A_149 = arith.constant 16384 : i32
        %mul3A_150 = arith.muli %mul3A_148, %mul3A_149 : i32
        %add3A_151 = vector.broadcast %mul3A_150 : i32 to vector<16xi32>
        %add3A_152 = arith.addi %add3A_151, %rem3A_146 : vector<16xi32>
        %mul3A_153 = arith.constant 16 : i32
        %mul3A_154 = arith.muli %scan3A_134, %mul3A_153 : i32
        %swap3A_155 = arith.index_cast %mul3A_154 : i32 to index
        %swap3A_156 = tpu.vector_load %arg23[%swap3A_155] {strides = array<i32>} : memref<128xi32, #tpu.memory_space<vmem>>, vector<16xi32>,
        tpu.vector_store %arg23[%swap3A_155], %add3A_152 {strides = array<i32>} : memref<128xi32, #tpu.memory_space<vmem>>, vector<16xi32>,
        %mul3A_157 = arith.constant 2 : i32
        %mul3A_158 = arith.muli %add3A, %mul3A_157 : i32
        %mul3A_159 = arith.constant 16384 : i32
        %mul3A_160 = arith.muli %mul3A_158, %mul3A_159 : i32
        %add3A_161 = arith.constant 16384 : i32
        %add3A_162 = arith.addi %mul3A_160, %add3A_161 : i32
        %add3A_163 = vector.broadcast %add3A_162 : i32 to vector<16xi32>
        %add3A_164 = arith.addi %add3A_163, %rem3A_146 : vector<16xi32>
        %mul3A_165 = arith.constant 16 : i32
        %mul3A_166 = arith.muli %scan3A_134, %mul3A_165 : i32
        %swap3A_167 = arith.index_cast %mul3A_166 : i32 to index
        %swap3A_168 = tpu.vector_load %arg24[%swap3A_167] {strides = array<i32>} : memref<128xi32, #tpu.memory_space<vmem>>, vector<16xi32>,
        tpu.vector_store %arg24[%swap3A_167], %add3A_164 {strides = array<i32>} : memref<128xi32, #tpu.memory_space<vmem>>, vector<16xi32>,
      }
      %scan3A_111 = arith.constant 8 : i32
      %dma_start3A_112 = arith.constant 0 : i32
      %dma_start3A_113 = tpu.memref_slice %arg6[%dma_start3A_112] : memref<262144xf32, #tpu.memory_space<hbm>> -> memref<262144xf32, #tpu.memory_space<hbm>>
      tpu.enqueue_indirect_dma source(%dma_start3A_113 : memref<262144xf32, #tpu.memory_space<hbm>>) target(%arg25 : memref<128xf32, #tpu.memory_space<vmem>>) offsets(%arg23 : memref<128xi32, #tpu.memory_space<vmem>>) semaphore(%arg32 : memref<!tpu.dma_semaphore, #tpu.memory_space<semaphore_mem>>)
      %dma_start3A_114 = arith.constant 0 : i32
      %dma_start3A_115 = tpu.memref_slice %arg6[%dma_start3A_114] : memref<262144xf32, #tpu.memory_space<hbm>> -> memref<262144xf32, #tpu.memory_space<hbm>>
      tpu.enqueue_indirect_dma source(%dma_start3A_115 : memref<262144xf32, #tpu.memory_space<hbm>>) target(%arg26 : memref<128xf32, #tpu.memory_space<vmem>>) offsets(%arg24 : memref<128xi32, #tpu.memory_space<vmem>>) semaphore(%arg32 : memref<!tpu.dma_semaphore, #tpu.memory_space<semaphore_mem>>)
      %dma_start3A_116 = arith.constant 0 : i32
      %dma_start3A_117 = tpu.memref_slice %arg7[%dma_start3A_116] : memref<262144xf32, #tpu.memory_space<hbm>> -> memref<262144xf32, #tpu.memory_space<hbm>>
      tpu.enqueue_indirect_dma source(%dma_start3A_117 : memref<262144xf32, #tpu.memory_space<hbm>>) target(%arg27 : memref<128xf32, #tpu.memory_space<vmem>>) offsets(%arg23 : memref<128xi32, #tpu.memory_space<vmem>>) semaphore(%arg32 : memref<!tpu.dma_semaphore, #tpu.memory_space<semaphore_mem>>)
      %dma_start3A_118 = arith.constant 0 : i32
      %dma_start3A_119 = tpu.memref_slice %arg7[%dma_start3A_118] : memref<262144xf32, #tpu.memory_space<hbm>> -> memref<262144xf32, #tpu.memory_space<hbm>>
      tpu.enqueue_indirect_dma source(%dma_start3A_119 : memref<262144xf32, #tpu.memory_space<hbm>>) target(%arg28 : memref<128xf32, #tpu.memory_space<vmem>>) offsets(%arg24 : memref<128xi32, #tpu.memory_space<vmem>>) semaphore(%arg32 : memref<!tpu.dma_semaphore, #tpu.memory_space<semaphore_mem>>)
      %dma_wait3A_120 = arith.constant 0 : i32
      %dma_wait3A_121 = tpu.memref_slice %arg6[%dma_wait3A_120] : memref<262144xf32, #tpu.memory_space<hbm>> -> memref<262144xf32, #tpu.memory_space<hbm>>
      tpu.wait_indirect_dma semaphore(%arg32 : memref<!tpu.dma_semaphore, #tpu.memory_space<semaphore_mem>>) src(%dma_wait3A_121 : memref<262144xf32, #tpu.memory_space<hbm>>) dst(%arg25 : memref<128xf32, #tpu.memory_space<vmem>>)
      %dma_wait3A_122 = arith.constant 0 : i32
      %dma_wait3A_123 = tpu.memref_slice %arg6[%dma_wait3A_122] : memref<262144xf32, #tpu.memory_space<hbm>> -> memref<262144xf32, #tpu.memory_space<hbm>>
      tpu.wait_indirect_dma semaphore(%arg32 : memref<!tpu.dma_semaphore, #tpu.memory_space<semaphore_mem>>) src(%dma_wait3A_123 : memref<262144xf32, #tpu.memory_space<hbm>>) dst(%arg26 : memref<128xf32, #tpu.memory_space<vmem>>)
      %dma_wait3A_124 = arith.constant 0 : i32
      %dma_wait3A_125 = tpu.memref_slice %arg7[%dma_wait3A_124] : memref<262144xf32, #tpu.memory_space<hbm>> -> memref<262144xf32, #tpu.memory_space<hbm>>
      tpu.wait_indirect_dma semaphore(%arg32 : memref<!tpu.dma_semaphore, #tpu.memory_space<semaphore_mem>>) src(%dma_wait3A_125 : memref<262144xf32, #tpu.memory_space<hbm>>) dst(%arg27 : memref<128xf32, #tpu.memory_space<vmem>>)
      %dma_wait3A_126 = arith.constant 0 : i32
      %dma_wait3A_127 = tpu.memref_slice %arg7[%dma_wait3A_126] : memref<262144xf32, #tpu.memory_space<hbm>> -> memref<262144xf32, #tpu.memory_space<hbm>>
      tpu.wait_indirect_dma semaphore(%arg32 : memref<!tpu.dma_semaphore, #tpu.memory_space<semaphore_mem>>) src(%dma_wait3A_127 : memref<262144xf32, #tpu.memory_space<hbm>>) dst(%arg28 : memref<128xf32, #tpu.memory_space<vmem>>)
      %scan3A_128 = arith.constant 0 : i32
      %scan3A_129 = arith.constant 0 : i32
      %scan3A_130 = arith.constant 8 : i32
      %scan3A_131 = arith.addi %scan3A_129, %scan3A_130 : i32
      %scan3A_132 = arith.constant 1 : i32
      scf.for %scan3A_134 = %scan3A_129 to %scan3A_131 step %scan3A_132  : i32 {
        %mul3A_135 = arith.constant 16 : i32
        %mul3A_136 = arith.muli %scan3A_134, %mul3A_135 : i32
        %add3A_137 = vector.broadcast %mul3A_136 : i32 to vector<16xi32>
        %add3A_138 = arith.addi %add3A_137, %iota3A : vector<16xi32>
        %lt3A_139 = arith.constant 100 : i32
        %lt3A_140 = vector.broadcast %lt3A_139 : i32 to vector<16xi32>
        %lt3A_141 = arith.cmpi slt, %add3A_138, %lt3A_140 : vector<16xi32>
        %mul3A_142 = arith.constant 16 : i32
        %mul3A_143 = arith.muli %scan3A_134, %mul3A_142 : i32
        %get3A = arith.index_cast %mul3A_143 : i32 to index
        %get3A_144 = tpu.vector_load %arg22[%get3A] {strides = array<i32>} : memref<128xi32, #tpu.memory_space<vmem>>, vector<16xi32>,
        %select_n3A = arith.select %lt3A_141, %get3A_144, %broadcast_in_dim3A_5 : vector<16xi1>, vector<16xi32>
        %mul3A_145 = arith.constant 16 : i32
        %mul3A_146 = arith.muli %scan3A_134, %mul3A_145 : i32
        %get3A_147 = arith.index_cast %mul3A_146 : i32 to index
        %get3A_148 = tpu.vector_load %arg21[%get3A_147] {strides = array<i32>} : memref<128xf32, #tpu.memory_space<vmem>>, vector<16xf32>,
        %div3A_149 = arith.constant 16384 : i32
        %div3A_150 = vector.broadcast %div3A_149 : i32 to vector<16xi32>
        %div3A_151 = arith.divsi %select_n3A, %div3A_150 : vector<16xi32>
        %rem3A = arith.constant 16384 : i32
        %rem3A_152 = vector.broadcast %rem3A : i32 to vector<16xi32>
        %rem3A_153 = arith.remsi %select_n3A, %rem3A_152 : vector<16xi32>
        %div3A_154 = arith.constant 128 : i32
        %div3A_155 = vector.broadcast %div3A_154 : i32 to vector<16xi32>
        %div3A_156 = arith.divsi %rem3A_153, %div3A_155 : vector<16xi32>
        %rem3A_157 = arith.constant 128 : i32
        %rem3A_158 = vector.broadcast %rem3A_157 : i32 to vector<16xi32>
        %rem3A_159 = arith.remsi %rem3A_153, %rem3A_158 : vector<16xi32>
        %mul3A_160 = arith.constant 16 : i32
        %mul3A_161 = arith.muli %scan3A_134, %mul3A_160 : i32
        %get3A_162 = arith.index_cast %mul3A_161 : i32 to index
        %get3A_163 = tpu.vector_load %arg25[%get3A_162] {strides = array<i32>} : memref<128xf32, #tpu.memory_space<vmem>>, vector<16xf32>,
        %mul3A_164 = arith.constant 16 : i32
        %mul3A_165 = arith.muli %scan3A_134, %mul3A_164 : i32
        %get3A_166 = arith.index_cast %mul3A_165 : i32 to index
        %get3A_167 = tpu.vector_load %arg26[%get3A_166] {strides = array<i32>} : memref<128xf32, #tpu.memory_space<vmem>>, vector<16xf32>,
        %mul3A_168 = arith.constant 16 : i32
        %mul3A_169 = arith.muli %scan3A_134, %mul3A_168 : i32
        %get3A_170 = arith.index_cast %mul3A_169 : i32 to index
        %get3A_171 = tpu.vector_load %arg27[%get3A_170] {strides = array<i32>} : memref<128xf32, #tpu.memory_space<vmem>>, vector<16xf32>,
        %mul3A_172 = arith.constant 16 : i32
        %mul3A_173 = arith.muli %scan3A_134, %mul3A_172 : i32
        %get3A_174 = arith.index_cast %mul3A_173 : i32 to index
        %get3A_175 = tpu.vector_load %arg28[%get3A_174] {strides = array<i32>} : memref<128xf32, #tpu.memory_space<vmem>>, vector<16xf32>,
        %convert_element_type3A_176 = arith.sitofp %rem3A_159 : vector<16xi32> to vector<16xf32>
        %add3A_177 = arith.addf %convert_element_type3A_176, %get3A_163 : vector<16xf32>
        %convert_element_type3A_178 = arith.sitofp %div3A_156 : vector<16xi32> to vector<16xf32>
        %add3A_179 = arith.addf %convert_element_type3A_178, %get3A_167 : vector<16xf32>
        %div3A_180 = arith.constant 2.000000e+00 : f32
        %div3A_181 = vector.broadcast %div3A_180 : f32 to vector<16xf32>
        %div3A_182 = arith.divf %get3A_171, %div3A_181 : vector<16xf32>
        %div3A_183 = arith.constant 2.000000e+00 : f32
        %div3A_184 = vector.broadcast %div3A_183 : f32 to vector<16xf32>
        %div3A_185 = arith.divf %get3A_175, %div3A_184 : vector<16xf32>
        %broadcast_in_dim3A_186 = arith.constant -1.000000e+00 : f32
        %broadcast_in_dim3A_187 = vector.broadcast %broadcast_in_dim3A_186 : f32 to vector<16xf32>
        %gt3A = arith.constant 0.00999999977 : f32
        %gt3A_188 = vector.broadcast %gt3A : f32 to vector<16xf32>
        %gt3A_189 = arith.cmpf ogt, %get3A_148, %gt3A_188 : vector<16xf32>
        %convert_element_type3A_190 = arith.sitofp %div3A_151 : vector<16xi32> to vector<16xf32>
        %select_n3A_191 = arith.select %gt3A_189, %convert_element_type3A_190, %broadcast_in_dim3A_187 : vector<16xi1>, vector<16xf32>
        %mul3A_192 = arith.constant 16 : i32
        %mul3A_193 = arith.muli %scan3A_134, %mul3A_192 : i32
        %swap3A_194 = arith.index_cast %mul3A_193 : i32 to index
        %swap3A_195 = tpu.vector_load %arg29[%swap3A_194] {strides = array<i32>} : memref<128xf32, #tpu.memory_space<vmem>>, vector<16xf32>,
        tpu.vector_store %arg29[%swap3A_194], %select_n3A_191 {strides = array<i32>} : memref<128xf32, #tpu.memory_space<vmem>>, vector<16xf32>,
        %select_n3A_196 = arith.select %gt3A_189, %get3A_148, %broadcast_in_dim3A_187 : vector<16xi1>, vector<16xf32>
        %mul3A_197 = arith.constant 16 : i32
        %mul3A_198 = arith.muli %scan3A_134, %mul3A_197 : i32
        %swap3A_199 = arith.index_cast %mul3A_198 : i32 to index
        %swap3A_200 = tpu.vector_load %arg30[%swap3A_199] {strides = array<i32>} : memref<128xf32, #tpu.memory_space<vmem>>, vector<16xf32>,
        tpu.vector_store %arg30[%swap3A_199], %select_n3A_196 {strides = array<i32>} : memref<128xf32, #tpu.memory_space<vmem>>, vector<16xf32>,
        %mul3A_201 = arith.constant 4 : i32
        %mul3A_202 = vector.broadcast %mul3A_201 : i32 to vector<16xi32>
        %mul3A_203 = arith.muli %add3A_138, %mul3A_202 : vector<16xi32>
        %sub3A = arith.subf %add3A_177, %div3A_182 : vector<16xf32>
        %select_n3A_204 = arith.select %gt3A_189, %sub3A, %broadcast_in_dim3A_187 : vector<16xi1>, vector<16xf32>
        %mul3A_205 = arith.constant 4.000000e+00 : f32
        %mul3A_206 = vector.broadcast %mul3A_205 : f32 to vector<16xf32>
        %mul3A_207 = arith.mulf %select_n3A_204, %mul3A_206 : vector<16xf32>
        tpu.vector_store_idx %arg31[%mul3A_203], %mul3A_207 : memref<512xf32, #tpu.memory_space<vmem>>[vector<16xi32>], vector<16xf32>,
        %add3A_208 = arith.constant 1 : i32
        %add3A_209 = vector.broadcast %add3A_208 : i32 to vector<16xi32>
        %add3A_210 = arith.addi %mul3A_203, %add3A_209 : vector<16xi32>
        %sub3A_211 = arith.subf %add3A_179, %div3A_185 : vector<16xf32>
        %select_n3A_212 = arith.select %gt3A_189, %sub3A_211, %broadcast_in_dim3A_187 : vector<16xi1>, vector<16xf32>
        %mul3A_213 = arith.constant 4.000000e+00 : f32
        %mul3A_214 = vector.broadcast %mul3A_213 : f32 to vector<16xf32>
        %mul3A_215 = arith.mulf %select_n3A_212, %mul3A_214 : vector<16xf32>
        tpu.vector_store_idx %arg31[%add3A_210], %mul3A_215 : memref<512xf32, #tpu.memory_space<vmem>>[vector<16xi32>], vector<16xf32>,
        %add3A_216 = arith.constant 2 : i32
        %add3A_217 = vector.broadcast %add3A_216 : i32 to vector<16xi32>
        %add3A_218 = arith.addi %mul3A_203, %add3A_217 : vector<16xi32>
        %add3A_219 = arith.addf %add3A_177, %div3A_182 : vector<16xf32>
        %select_n3A_220 = arith.select %gt3A_189, %add3A_219, %broadcast_in_dim3A_187 : vector<16xi1>, vector<16xf32>
        %mul3A_221 = arith.constant 4.000000e+00 : f32
        %mul3A_222 = vector.broadcast %mul3A_221 : f32 to vector<16xf32>
        %mul3A_223 = arith.mulf %select_n3A_220, %mul3A_222 : vector<16xf32>
        tpu.vector_store_idx %arg31[%add3A_218], %mul3A_223 : memref<512xf32, #tpu.memory_space<vmem>>[vector<16xi32>], vector<16xf32>,
        %add3A_224 = arith.constant 3 : i32
        %add3A_225 = vector.broadcast %add3A_224 : i32 to vector<16xi32>
        %add3A_226 = arith.addi %mul3A_203, %add3A_225 : vector<16xi32>
        %add3A_227 = arith.addf %add3A_179, %div3A_185 : vector<16xf32>
        %select_n3A_228 = arith.select %gt3A_189, %add3A_227, %broadcast_in_dim3A_187 : vector<16xi1>, vector<16xf32>
        %mul3A_229 = arith.constant 4.000000e+00 : f32
        %mul3A_230 = vector.broadcast %mul3A_229 : f32 to vector<16xf32>
        %mul3A_231 = arith.mulf %select_n3A_228, %mul3A_230 : vector<16xf32>
        tpu.vector_store_idx %arg31[%add3A_226], %mul3A_231 : memref<512xf32, #tpu.memory_space<vmem>>[vector<16xi32>], vector<16xf32>,
      }
      %scan3A_133 = arith.constant 8 : i32
      "tpu.region"() ({
        %run_scoped3A = tpu.sem_alloc : memref<!tpu.dma_semaphore, #tpu.memory_space<semaphore_mem>>
        %dma_start3A_134 = arith.constant 0 : i32
        %dma_start3A_135 = tpu.memref_slice %arg8[%add3A, %dma_start3A_134] : memref<8x128xf32, #tpu.memory_space<hbm>> -> memref<1x128xf32, #tpu.memory_space<hbm>>
        %dma_start3A_136 = tpu.memref_squeeze %dma_start3A_135 : memref<1x128xf32, #tpu.memory_space<hbm>> -> memref<128xf32, #tpu.memory_space<hbm>>
        %dma_start3A_137 = arith.constant 0 : i32
        %dma_start3A_138 = tpu.memref_slice %arg8[%add3A, %dma_start3A_137] : memref<8x128xf32, #tpu.memory_space<hbm>> -> memref<1x128xf32, #tpu.memory_space<hbm>>
        %dma_start3A_139 = tpu.memref_squeeze %dma_start3A_138 : memref<1x128xf32, #tpu.memory_space<hbm>> -> memref<128xf32, #tpu.memory_space<hbm>>
        tpu.enqueue_dma source(%arg29 : memref<128xf32, #tpu.memory_space<vmem>>) target(%dma_start3A_139 : memref<128xf32, #tpu.memory_space<hbm>>) target_semaphore(%run_scoped3A : memref<!tpu.dma_semaphore, #tpu.memory_space<semaphore_mem>>)
        %dma_wait3A_140 = arith.constant 0 : i32
        %dma_wait3A_141 = tpu.memref_slice %arg8[%add3A, %dma_wait3A_140] : memref<8x128xf32, #tpu.memory_space<hbm>> -> memref<1x128xf32, #tpu.memory_space<hbm>>
        %dma_wait3A_142 = tpu.memref_squeeze %dma_wait3A_141 : memref<1x128xf32, #tpu.memory_space<hbm>> -> memref<128xf32, #tpu.memory_space<hbm>>
        %dma_wait3A_143 = arith.constant 0 : i32
        %dma_wait3A_144 = tpu.memref_slice %arg8[%add3A, %dma_wait3A_143] : memref<8x128xf32, #tpu.memory_space<hbm>> -> memref<1x128xf32, #tpu.memory_space<hbm>>
        %dma_wait3A_145 = tpu.memref_squeeze %dma_wait3A_144 : memref<1x128xf32, #tpu.memory_space<hbm>> -> memref<128xf32, #tpu.memory_space<hbm>>
        tpu.wait_dma2 semaphore(%run_scoped3A : memref<!tpu.dma_semaphore, #tpu.memory_space<semaphore_mem>>) src(%arg29 : memref<128xf32, #tpu.memory_space<vmem>>) dst(%dma_wait3A_145 : memref<128xf32, #tpu.memory_space<hbm>>)
        tpu.yield
      }) : () -> ()
      "tpu.region"() ({
        %run_scoped3A = tpu.sem_alloc : memref<!tpu.dma_semaphore, #tpu.memory_space<semaphore_mem>>
        %dma_start3A_134 = arith.constant 0 : i32
        %dma_start3A_135 = tpu.memref_slice %arg9[%add3A, %dma_start3A_134] : memref<8x128xf32, #tpu.memory_space<hbm>> -> memref<1x128xf32, #tpu.memory_space<hbm>>
        %dma_start3A_136 = tpu.memref_squeeze %dma_start3A_135 : memref<1x128xf32, #tpu.memory_space<hbm>> -> memref<128xf32, #tpu.memory_space<hbm>>
        %dma_start3A_137 = arith.constant 0 : i32
        %dma_start3A_138 = tpu.memref_slice %arg9[%add3A, %dma_start3A_137] : memref<8x128xf32, #tpu.memory_space<hbm>> -> memref<1x128xf32, #tpu.memory_space<hbm>>
        %dma_start3A_139 = tpu.memref_squeeze %dma_start3A_138 : memref<1x128xf32, #tpu.memory_space<hbm>> -> memref<128xf32, #tpu.memory_space<hbm>>
        tpu.enqueue_dma source(%arg30 : memref<128xf32, #tpu.memory_space<vmem>>) target(%dma_start3A_139 : memref<128xf32, #tpu.memory_space<hbm>>) target_semaphore(%run_scoped3A : memref<!tpu.dma_semaphore, #tpu.memory_space<semaphore_mem>>)
        %dma_wait3A_140 = arith.constant 0 : i32
        %dma_wait3A_141 = tpu.memref_slice %arg9[%add3A, %dma_wait3A_140] : memref<8x128xf32, #tpu.memory_space<hbm>> -> memref<1x128xf32, #tpu.memory_space<hbm>>
        %dma_wait3A_142 = tpu.memref_squeeze %dma_wait3A_141 : memref<1x128xf32, #tpu.memory_space<hbm>> -> memref<128xf32, #tpu.memory_space<hbm>>
        %dma_wait3A_143 = arith.constant 0 : i32
        %dma_wait3A_144 = tpu.memref_slice %arg9[%add3A, %dma_wait3A_143] : memref<8x128xf32, #tpu.memory_space<hbm>> -> memref<1x128xf32, #tpu.memory_space<hbm>>
        %dma_wait3A_145 = tpu.memref_squeeze %dma_wait3A_144 : memref<1x128xf32, #tpu.memory_space<hbm>> -> memref<128xf32, #tpu.memory_space<hbm>>
        tpu.wait_dma2 semaphore(%run_scoped3A : memref<!tpu.dma_semaphore, #tpu.memory_space<semaphore_mem>>) src(%arg30 : memref<128xf32, #tpu.memory_space<vmem>>) dst(%dma_wait3A_145 : memref<128xf32, #tpu.memory_space<hbm>>)
        tpu.yield
      }) : () -> ()
      "tpu.region"() ({
        %run_scoped3A = tpu.sem_alloc : memref<!tpu.dma_semaphore, #tpu.memory_space<semaphore_mem>>
        %dma_start3A_134 = arith.constant 0 : i32
        %dma_start3A_135 = tpu.memref_slice %arg10[%add3A, %dma_start3A_134] : memref<8x512xf32, #tpu.memory_space<hbm>> -> memref<1x512xf32, #tpu.memory_space<hbm>>
        %dma_start3A_136 = tpu.memref_squeeze %dma_start3A_135 : memref<1x512xf32, #tpu.memory_space<hbm>> -> memref<512xf32, #tpu.memory_space<hbm>>
        %dma_start3A_137 = arith.constant 0 : i32
        %dma_start3A_138 = tpu.memref_slice %arg10[%add3A, %dma_start3A_137] : memref<8x512xf32, #tpu.memory_space<hbm>> -> memref<1x512xf32, #tpu.memory_space<hbm>>
        %dma_start3A_139 = tpu.memref_squeeze %dma_start3A_138 : memref<1x512xf32, #tpu.memory_space<hbm>> -> memref<512xf32, #tpu.memory_space<hbm>>
        tpu.enqueue_dma source(%arg31 : memref<512xf32, #tpu.memory_space<vmem>>) target(%dma_start3A_139 : memref<512xf32, #tpu.memory_space<hbm>>) target_semaphore(%run_scoped3A : memref<!tpu.dma_semaphore, #tpu.memory_space<semaphore_mem>>)
        %dma_wait3A_140 = arith.constant 0 : i32
        %dma_wait3A_141 = tpu.memref_slice %arg10[%add3A, %dma_wait3A_140] : memref<8x512xf32, #tpu.memory_space<hbm>> -> memref<1x512xf32, #tpu.memory_space<hbm>>
        %dma_wait3A_142 = tpu.memref_squeeze %dma_wait3A_141 : memref<1x512xf32, #tpu.memory_space<hbm>> -> memref<512xf32, #tpu.memory_space<hbm>>
        %dma_wait3A_143 = arith.constant 0 : i32
        %dma_wait3A_144 = tpu.memref_slice %arg10[%add3A, %dma_wait3A_143] : memref<8x512xf32, #tpu.memory_space<hbm>> -> memref<1x512xf32, #tpu.memory_space<hbm>>
        %dma_wait3A_145 = tpu.memref_squeeze %dma_wait3A_144 : memref<1x512xf32, #tpu.memory_space<hbm>> -> memref<512xf32, #tpu.memory_space<hbm>>
        tpu.wait_dma2 semaphore(%run_scoped3A : memref<!tpu.dma_semaphore, #tpu.memory_space<semaphore_mem>>) src(%arg31 : memref<512xf32, #tpu.memory_space<vmem>>) dst(%dma_wait3A_145 : memref<512xf32, #tpu.memory_space<hbm>>)
        tpu.yield
      }) : () -> ()
    } else {
    }
    return
  }
}

module attributes {stable_mosaic.version = 14 : i64} {
  func.func @_nms_body(%arg0: i32, %arg1: memref<1x80x128x128xf32, #tpu.memory_space<vmem>>, %arg2: memref<1x80x128x128xf32, #tpu.memory_space<vmem>>, %arg3: memref<1x80x128xf32, #tpu.memory_space<vmem>>, %arg4: memref<1x80x128xf32, #tpu.memory_space<vmem>>, %arg5: memref<1x80x128xi32, #tpu.memory_space<vmem>>) attributes {dimension_semantics = [#tpu.dimension_semantics<arbitrary>], iteration_bounds = array<i64: 8>, scalar_prefetch = 0 : i64, scratch_operands = 0 : i64, tpu.core_type = #tpu.core_type<tc>, window_params = [{transform_indices = @transform_0, window_bounds = array<i64: 1, 80, 128, 128>}, {transform_indices = @transform_1, window_bounds = array<i64: 1, 80, 128, 128>}, {transform_indices = @transform_2, window_bounds = array<i64: 1, 80, 128>}, {transform_indices = @transform_3, window_bounds = array<i64: 1, 80, 128>}, {transform_indices = @transform_4, window_bounds = array<i64: 1, 80, 128>}]} {
    %get3A = arith.constant 0 : index
    %get3A_0 = arith.constant 0 : index
    %get3A_1 = arith.constant 0 : index
    %get3A_2 = arith.constant 0 : index
    %get3A_3 = vector.load %arg1[%get3A, %get3A_0, %get3A_1, %get3A_2] : memref<1x80x128x128xf32, #tpu.memory_space<vmem>>, vector<1x80x128x128xf32>
    %get3A_4 = vector.shape_cast %get3A_3 : vector<1x80x128x128xf32> to vector<80x128x128xf32>
    %broadcast_in_dim3A = arith.constant 0xFF800000 : f32
    %broadcast_in_dim3A_5 = vector.broadcast %broadcast_in_dim3A : f32 to vector<80x1x128xf32>
    %slice3A = vector.extract_strided_slice %get3A_4 {offsets = [0, 1, 0], sizes = [80, 127, 128], strides = [1, 1, 1]} : vector<80x128x128xf32> to vector<80x127x128xf32>
    %concatenate3A = tpu.concatenate %slice3A, %broadcast_in_dim3A_5 in 1 : vector<80x127x128xf32>, vector<80x1x128xf32> -> vector<80x128x128xf32>
    %slice3A_6 = vector.extract_strided_slice %get3A_4 {offsets = [0, 0, 0], sizes = [80, 127, 128], strides = [1, 1, 1]} : vector<80x128x128xf32> to vector<80x127x128xf32>
    %concatenate3A_7 = tpu.concatenate %broadcast_in_dim3A_5, %slice3A_6 in 1 : vector<80x1x128xf32>, vector<80x127x128xf32> -> vector<80x128x128xf32>
    %max3A = arith.maximumf %concatenate3A, %get3A_4 : vector<80x128x128xf32>
    %max3A_8 = arith.maximumf %max3A, %concatenate3A_7 : vector<80x128x128xf32>
    %broadcast_in_dim3A_9 = arith.constant 0xFF800000 : f32
    %broadcast_in_dim3A_10 = vector.broadcast %broadcast_in_dim3A_9 : f32 to vector<80x128x1xf32>
    %slice3A_11 = vector.extract_strided_slice %max3A_8 {offsets = [0, 0, 1], sizes = [80, 128, 127], strides = [1, 1, 1]} : vector<80x128x128xf32> to vector<80x128x127xf32>
    %concatenate3A_12 = tpu.concatenate %slice3A_11, %broadcast_in_dim3A_10 in 2 : vector<80x128x127xf32>, vector<80x128x1xf32> -> vector<80x128x128xf32>
    %slice3A_13 = vector.extract_strided_slice %max3A_8 {offsets = [0, 0, 0], sizes = [80, 128, 127], strides = [1, 1, 1]} : vector<80x128x128xf32> to vector<80x128x127xf32>
    %concatenate3A_14 = tpu.concatenate %broadcast_in_dim3A_10, %slice3A_13 in 2 : vector<80x128x1xf32>, vector<80x128x127xf32> -> vector<80x128x128xf32>
    %max3A_15 = arith.maximumf %concatenate3A_12, %max3A_8 : vector<80x128x128xf32>
    %max3A_16 = arith.maximumf %max3A_15, %concatenate3A_14 : vector<80x128x128xf32>
    %eq3A = arith.cmpf oeq, %max3A_16, %get3A_4 : vector<80x128x128xf32>
    %jit3A = arith.constant 0.000000e+00 : f32
    %broadcast_in_dim3A_17 = vector.broadcast %jit3A : f32 to vector<80x128x128xf32>
    %select_n3A = arith.select %eq3A, %get3A_4, %broadcast_in_dim3A_17 : vector<80x128x128xi1>, vector<80x128x128xf32>
    %swap3A = arith.constant 0 : index
    %swap3A_18 = arith.constant 0 : index
    %swap3A_19 = arith.constant 0 : index
    %swap3A_20 = arith.constant 0 : index
    %swap3A_21 = vector.load %arg2[%swap3A, %swap3A_18, %swap3A_19, %swap3A_20] : memref<1x80x128x128xf32, #tpu.memory_space<vmem>>, vector<1x80x128x128xf32>
    %swap3A_22 = vector.shape_cast %swap3A_21 : vector<1x80x128x128xf32> to vector<80x128x128xf32>
    %swap3A_23 = vector.shape_cast %select_n3A : vector<80x128x128xf32> to vector<1x80x128x128xf32>
    tpu.vector_store %arg2[%swap3A, %swap3A_18, %swap3A_19, %swap3A_20], %swap3A_23 {strides = array<i32>} : memref<1x80x128x128xf32, #tpu.memory_space<vmem>>, vector<1x80x128x128xf32>,
    %transpose3A = tpu.transpose %select_n3A, [0, 2, 1] : vector<80x128x128xf32> -> vector<80x128x128xf32>
    %reduce_max3A = arith.constant dense<0xFF800000> : vector<80x128xf32>
    %reduce_max3A_24 = vector.multi_reduction <maximumf>, %transpose3A, %reduce_max3A [1] : vector<80x128x128xf32> to vector<80x128xf32>
    %swap3A_25 = arith.constant 0 : index
    %swap3A_26 = arith.constant 0 : index
    %swap3A_27 = arith.constant 0 : index
    %swap3A_28 = vector.load %arg3[%swap3A_25, %swap3A_26, %swap3A_27] : memref<1x80x128xf32, #tpu.memory_space<vmem>>, vector<1x80x128xf32>
    %swap3A_29 = vector.shape_cast %swap3A_28 : vector<1x80x128xf32> to vector<80x128xf32>
    %swap3A_30 = vector.shape_cast %reduce_max3A_24 : vector<80x128xf32> to vector<1x80x128xf32>
    tpu.vector_store %arg3[%swap3A_25, %swap3A_26, %swap3A_27], %swap3A_30 {strides = array<i32>} : memref<1x80x128xf32, #tpu.memory_space<vmem>>, vector<1x80x128xf32>,
    %iota3A = tpu.iota {dimensions = array<i32: 1>} : vector<80x128x128xi32>
    %broadcast_in_dim3A_31 = vector.shape_cast %reduce_max3A_24 : vector<80x128xf32> to vector<80x1x128xf32>
    %eq3A_32 = vector.broadcast %broadcast_in_dim3A_31 : vector<80x1x128xf32> to vector<80x128x128xf32>
    %eq3A_33 = arith.cmpf oeq, %transpose3A, %eq3A_32 : vector<80x128x128xf32>
    %jit3A_34 = arith.constant 128 : i32
    %broadcast_in_dim3A_35 = vector.broadcast %jit3A_34 : i32 to vector<80x128x128xi32>
    %select_n3A_36 = arith.select %eq3A_33, %iota3A, %broadcast_in_dim3A_35 : vector<80x128x128xi1>, vector<80x128x128xi32>
    %reduce_min3A = arith.constant dense<2147483647> : vector<80x128xi32>
    %reduce_min3A_37 = vector.multi_reduction <minsi>, %select_n3A_36, %reduce_min3A [1] : vector<80x128x128xi32> to vector<80x128xi32>
    %swap3A_38 = arith.constant 0 : index
    %swap3A_39 = arith.constant 0 : index
    %swap3A_40 = arith.constant 0 : index
    %swap3A_41 = vector.load %arg5[%swap3A_38, %swap3A_39, %swap3A_40] : memref<1x80x128xi32, #tpu.memory_space<vmem>>, vector<1x80x128xi32>
    %swap3A_42 = vector.shape_cast %swap3A_41 : vector<1x80x128xi32> to vector<80x128xi32>
    %swap3A_43 = vector.shape_cast %reduce_min3A_37 : vector<80x128xi32> to vector<1x80x128xi32>
    tpu.vector_store %arg5[%swap3A_38, %swap3A_39, %swap3A_40], %swap3A_43 {strides = array<i32>} : memref<1x80x128xi32, #tpu.memory_space<vmem>>, vector<1x80x128xi32>,
    %broadcast_in_dim3A_44 = vector.shape_cast %reduce_min3A_37 : vector<80x128xi32> to vector<80x1x128xi32>
    %eq3A_45 = vector.broadcast %broadcast_in_dim3A_44 : vector<80x1x128xi32> to vector<80x128x128xi32>
    %eq3A_46 = arith.cmpi eq, %iota3A, %eq3A_45 : vector<80x128x128xi32>
    %jit3A_47 = arith.constant -1.000000e+00 : f32
    %broadcast_in_dim3A_48 = vector.broadcast %jit3A_47 : f32 to vector<80x128x128xf32>
    %select_n3A_49 = arith.select %eq3A_46, %broadcast_in_dim3A_48, %transpose3A : vector<80x128x128xi1>, vector<80x128x128xf32>
    %reduce_max3A_50 = arith.constant dense<0xFF800000> : vector<80x128xf32>
    %reduce_max3A_51 = vector.multi_reduction <maximumf>, %select_n3A_49, %reduce_max3A_50 [1] : vector<80x128x128xf32> to vector<80x128xf32>
    %swap3A_52 = arith.constant 0 : index
    %swap3A_53 = arith.constant 0 : index
    %swap3A_54 = arith.constant 0 : index
    %swap3A_55 = vector.load %arg4[%swap3A_52, %swap3A_53, %swap3A_54] : memref<1x80x128xf32, #tpu.memory_space<vmem>>, vector<1x80x128xf32>
    %swap3A_56 = vector.shape_cast %swap3A_55 : vector<1x80x128xf32> to vector<80x128xf32>
    %swap3A_57 = vector.shape_cast %reduce_max3A_51 : vector<80x128xf32> to vector<1x80x128xf32>
    tpu.vector_store %arg4[%swap3A_52, %swap3A_53, %swap3A_54], %swap3A_57 {strides = array<i32>} : memref<1x80x128xf32, #tpu.memory_space<vmem>>, vector<1x80x128xf32>,
    return
  }
  func.func @transform_0(%arg0: i32) -> (i32, i32, i32, i32) {
    %c0_i32 = arith.constant 0 : i32
    %c0_i32_0 = arith.constant 0 : i32
    %c0_i32_1 = arith.constant 0 : i32
    %c0_i32_2 = arith.constant 0 : i32
    return %arg0, %c0_i32, %c0_i32_0, %c0_i32_1 : i32, i32, i32, i32
  }
  func.func @transform_1(%arg0: i32) -> (i32, i32, i32, i32) {
    %c0_i32 = arith.constant 0 : i32
    %c0_i32_0 = arith.constant 0 : i32
    %c0_i32_1 = arith.constant 0 : i32
    %c0_i32_2 = arith.constant 0 : i32
    return %arg0, %c0_i32, %c0_i32_0, %c0_i32_1 : i32, i32, i32, i32
  }
  func.func @transform_2(%arg0: i32) -> (i32, i32, i32) {
    %c0_i32 = arith.constant 0 : i32
    %c0_i32_0 = arith.constant 0 : i32
    %c0_i32_1 = arith.constant 0 : i32
    return %arg0, %c0_i32, %c0_i32_0 : i32, i32, i32
  }
  func.func @transform_3(%arg0: i32) -> (i32, i32, i32) {
    %c0_i32 = arith.constant 0 : i32
    %c0_i32_0 = arith.constant 0 : i32
    %c0_i32_1 = arith.constant 0 : i32
    return %arg0, %c0_i32, %c0_i32_0 : i32, i32, i32
  }
  func.func @transform_4(%arg0: i32) -> (i32, i32, i32) {
    %c0_i32 = arith.constant 0 : i32
    %c0_i32_0 = arith.constant 0 : i32
    %c0_i32_1 = arith.constant 0 : i32
    return %arg0, %c0_i32, %c0_i32_0 : i32, i32, i32
  }
}

</mosaic_0001>

<sc_bundles>
// kernel: kernel.4.cloned.1.call-start
scs
__scs_entry_jumppad:
0x0: {  	(pc) =	sbr.rel $0x88, $3  }
0x1: {  	(tag) =	ssettag $0x0;
	lr =	simm.s32 $0x1  }
0x2: {  	[smem:$0x3F9E] =	sst lr;
	_ =	strace $0xD0000000  }
0x3: {  	_ = 	snop  }
0x4: {  	_ = 	snop  }
0x5: {  	_ = 	snop  }
0x6: {  	_ = 	snop  }
0x7: {  	_ = 	snop  }
__scs_overlays_trampoline_lowered:
0x8: {  	[smem:$0x3FAD] =	sst s0  }
0x9: {  	[smem:$0x3FAE] =	sst s1  }
0xa: {  	[smem:$0x3FAF] =	sst s2  }
0xb: {  	[smem:$0x3FB0] =	sst s3  }
0xc: {  	[smem:$0x3FB1] =	sst s4  }
0xd: {  	[smem:$0x3FB2] =	sst s5  }
0xe: {  	[smem:$0x3FB3] =	sst s6  }
0xf: {  	[smem:$0x3FB4] =	sst s7  }
0x10: {  	[smem:$0x3FB5] =	sst s8  }
0x11: {  	[smem:$0x3FB6] =	sst s9;
	s0 =	simm.s32 @!p0 $0x0  }
0x12: {  	s1 =	sld [smem:$0x3F9C];
	s0 =	simm.s32 @p0 $0x1  }
0x13: {  	[smem:$0x3FB7] =	sst s0;
	s0 =	simm.s32 @!p1 $0x0  }
0x14: {  	s2 =	sld [smem:$0x3F9B];
	s0 =	simm.s32 @p1 $0x1  }
0x15: {  	[smem:$0x3FB8] =	sst s0;
	s0 =	simm.s32 @!p2 $0x0  }
0x16: {  	s3 =	sld [smem:$0x3FDB];
	s0 =	simm.s32 @p2 $0x1  }
0x17: {  	s4 =	simm.s32 $0x1BF5;
	[smem:$0x3FBA] =	sst s0  }
0x18: {  	s0 =	sld [smem:$0x3F9D];
	_ =	swait.ge [sflag:s4], $0x0  }
0x19: {  	s7 =	sld [smem:$0x3F9E]  }
0x1a: {  	s8 =	sadd.s32 $0xFFFFE003, lr  }
0x1b: {  	s9 =	sadd.s32 $0xFFFFFEF7, lr;
	s5 =	simm.s32 $0xFFFFFFFF;
	p2 =	slt.u32 s8, $0xFFFFF086  }
0x1c: {  	p1 =	slt.u32 s9, $0xF7A;
	s5 =	simm.s32 @!p2 $0x0  }
0x1d: {  	s5 =	simm.s32 @p1 $0x1;
	p0 =	seq.s32 s7, s2  }
0x1e: {  	s7 =	smul.u32 @!p0 $0xF7A, s2;
	p2 =	seq.s32 @!p0 s5, $0x0  }
0x1f: {  	s9 =	smul.u32 $0xF7A, s1;
	s8 =	simm.s32 @!p0 $0x1BF5;
	p2 =	por !p2, p0  }
0x20: {  	[sflag:s8] =	ssyncset.s32 @!p0 $0xFFFFF086;
	s6 =	sadd.s32 @!p0 s3, s7;
	s7 =	simm.s32 @!p0 $0x108  }
0x21: {  	s3 =	sadd.s32 s3, s9;
	s6 =	sadd.s32 @!p0 $0x88, s6;
	s7 =	simm.s32 @p2 $0x1082  }
0x22: {  	[simem:s7], [sflag:s8] =	dma.local @!p0 [hbm:s6], $0xF7A  }
0x23: {  	s9 =	sor.u32 $0xD0000000, s2;
	s6 =	simm.s32 $0x108;
	_ =	swait.ge @!p0 [sflag:s8], $0x0  }
0x24: {  	s3 =	sadd.s32 $0x88, s3;
	s6 =	simm.s32 @!p1 $0x1082;
	[sflag:s4] =	ssyncset.s32 $0xFFFFF086  }
0x25: {  	[simem:s6], [sflag:s4] =	dma.local [hbm:s3], $0xF7A  }
0x26: {  	[smem:$0x3F9E] =	sst s1;
	(tag) =	ssettag s2;
	_ =	strace s9  }
0x27: {  	s1 =	sld [smem:$0x3FAE]  }
0x28: {  	s2 =	sld [smem:$0x3FAF]  }
0x29: {  	s4 =	sld [smem:$0x3FB1]  }
0x2a: {  	p0 =	seq.s32 s5, $0x0;
	s5 =	sld [smem:$0x3FB2]  }
0x2b: {  	s6 =	sld [smem:$0x3FB3]  }
0x2c: {  	s7 =	sld [smem:$0x3FB4]  }
0x2d: {  	s3 =	simm.s32 $0x108;
	s8 =	sld [smem:$0x3FB5]  }
0x2e: {  	s3 =	simm.s32 @!p0 $0x1082;
	s9 =	sld [smem:$0x3FB6]  }
0x2f: {  	lr =	sadd.s32 s0, s3;
	s0 =	sld [smem:$0x3FAD]  }
0x30: {  	s3 =	sld [smem:$0x3FB0]  }
0x31: {  	[smem:$0x3FB9] =	sst s10  }
0x32: {  	s10 =	sld [smem:$0x3FB7];
	_ =	sdelay $0x3  }
0x33: {  	p0 =	seq.s32 s10, $0x1;
	s10 =	sld [smem:$0x3FB9];
	_ =	sdelay $0x3  }
0x34: {  	[smem:$0x3FB9] =	sst s10  }
0x35: {  	s10 =	sld [smem:$0x3FB8];
	_ =	sdelay $0x3  }
0x36: {  	p1 =	seq.s32 s10, $0x1;
	s10 =	sld [smem:$0x3FB9];
	_ =	sdelay $0x3  }
0x37: {  	[smem:$0x3FB9] =	sst s10  }
0x38: {  	s10 =	sld [smem:$0x3FBA]  }
0x39: {  	_ = 	snop;
	(pc) =	sbr.ind lr, $3  }
0x3a: {  	_ = 	snop  }
0x3b: {  	_ = 	snop  }
0x3c: {  	p2 =	seq.s32 s10, $0x1;
	s10 =	sld [smem:$0x3FB9]  }
0x3d: {  	_ =	shalt  }
0x3e: {  	_ =	shalt  }
0x3f: {  	_ =	shalt  }
0x40: {  	_ =	shalt  }
0x41: {  	_ =	shalt  }
0x42: {  	_ =	shalt  }
0x43: {  	_ =	shalt  }
0x44: {  	_ =	shalt  }
0x45: {  	_ =	shalt  }
0x46: {  	_ =	shalt  }
0x47: {  	_ =	shalt  }
0x48: {  	_ =	shalt  }
0x49: {  	_ =	shalt  }
0x4a: {  	_ =	shalt  }
0x4b: {  	_ =	shalt  }
0x4c: {  	_ =	shalt  }
0x4d: {  	_ =	shalt  }
0x4e: {  	_ =	shalt  }
0x4f: {  	_ =	shalt  }
0x50: {  	_ =	shalt  }
0x51: {  	_ =	shalt  }
0x52: {  	_ =	shalt  }
0x53: {  	_ =	shalt  }
0x54: {  	_ =	shalt  }
0x55: {  	_ =	shalt  }
0x56: {  	_ =	shalt  }
0x57: {  	_ =	shalt  }
0x58: {  	_ =	shalt  }
0x59: {  	_ =	shalt  }
0x5a: {  	_ =	shalt  }
0x5b: {  	_ =	shalt  }
0x5c: {  	_ =	shalt  }
0x5d: {  	_ =	shalt  }
0x5e: {  	_ =	shalt  }
0x5f: {  	_ =	shalt  }
0x60: {  	_ =	shalt  }
0x61: {  	_ =	shalt  }
0x62: {  	_ =	shalt  }
0x63: {  	_ =	shalt  }
0x64: {  	_ =	shalt  }
0x65: {  	_ =	shalt  }
0x66: {  	_ =	shalt  }
0x67: {  	_ =	shalt  }
0x68: {  	_ =	shalt  }
0x69: {  	_ =	shalt  }
0x6a: {  	_ =	shalt  }
0x6b: {  	_ =	shalt  }
0x6c: {  	_ =	shalt  }
0x6d: {  	_ =	shalt  }
0x6e: {  	_ =	shalt  }
0x6f: {  	_ =	shalt  }
0x70: {  	_ =	shalt  }
0x71: {  	_ =	shalt  }
0x72: {  	_ =	shalt  }
0x73: {  	_ =	shalt  }
0x74: {  	_ =	shalt  }
0x75: {  	_ =	shalt  }
0x76: {  	_ =	shalt  }
0x77: {  	_ =	shalt  }
0x78: {  	_ =	shalt  }
0x79: {  	_ =	shalt  }
0x7a: {  	_ =	shalt  }
0x7b: {  	_ =	shalt  }
0x7c: {  	_ =	shalt  }
0x7d: {  	_ =	shalt  }
0x7e: {  	_ =	shalt  }
0x7f: {  	_ =	shalt  }
0x80: {  	_ =	shalt  }
0x81: {  	_ =	shalt  }
0x82: {  	_ =	shalt  }
0x83: {  	_ =	shalt  }
0x84: {  	_ =	shalt  }
0x85: {  	_ =	shalt  }
0x86: {  	_ =	shalt  }
0x87: {  	_ =	shalt  }
.Lfunc_end0:
.L_simem_size_0:
called_computation_lowered:
.L_overlay_start_0:
0x88: {  	s2 =	sld [smem:$0x3FD9]  }
0x89: {  	s3 =	sld [smem:$0x3FFE];
	_ =	sdelay $0x1  }
0x8a: {  	s1 =	srdreg.scid  }
0x8b: {  	s0 =	sand.u32 $0x1, s1  }
0x8c: {  	s14 =	sshll.u32 s0, $0xA;
	s2 =	sadd.s32 s3, s2  }
0x8d: {  	s2 =	sadd.s32 s2, s14  }
0x8e: {  	[smem:$0x3FC5] =	sst s2  }
0x8f: {  	_ = 	snop  }
0x90: {  	s2 =	sld [smem:$0x3FD0];
	_ =	sdelay $0x1  }
0x91: {  	s15 =	sld [smem:$0x3FC8]  }
0x92: {  	s5 =	simm.s32 $0xA;
	s6 =	simm.s32 $0x10;
	s4 =	sld [smem:$0x3FC7]  }
0x93: {  	[smem:s6], [sflag:s5] =	dma.local [hbm:s2], $0x1  }
0x94: {  	_ =	swait.eq [sflag:s5], $0x1  }
0x95: {  	s16 =	sld [smem:$0x10];
	[sflag:s5] =	ssyncset.done $0x0  }
0x96: {  	s17 =	sld [smem:$0x11];
	[sflag:s5] =	ssyncadd.s32 $0xFFFFFFFF  }
0x97: {  	s18 =	sld [smem:$0x12];
	(tm) =	ssettm $0x1  }
0x98: {  	s7 =	sld [smem:$0x3FFB];
	_ =	sdelay $0x3  }
0x99: {  	_ =	strace s7  }
0x9a: {  	s7 =	sld [smem:$0x3FFC];
	_ =	sdelay $0x3  }
0x9b: {  	_ =	strace s7  }
0x9c: {  	s7 =	sld [smem:$0x3FFD];
	_ =	sdelay $0x3  }
0x9d: {  	_ =	strace s7  }
0x9e: {  	_ =	strace $0x8FFFFFFF  }
0x9f: {  	s19 =	sld [smem:$0x3FDB];
	_ =	sdelay $0x1  }
0xa0: {  	s8 =	simm.s32 $_scs_section_size  }
0xa1: {  	s9 =	simm.s32 $_size__tile_overlayer_lowered;
	s10 =	simm.s32 $_tile_overlayer_lowered  }
0xa2: {  	s22 =	simm.s32 $0x1BFF;
	s21 =	sshll.u32 s10, $0x1;
	s7 =	sadd.s32 s8, s19  }
0xa3: {  	s11 =	simm.s32 $0x0;
	s20 =	sshll.u32 s9, $0x1;
	s9 =	sadd.s32 s21, s7  }
0xa4: {  	[timem:s11], [sflag:s22] =	dma.local [hbm:s9], s20  }
0xa5: {  	_ =	swait.ge [sflag:s22], s20  }
0xa6: {  	s8 =	ssub.s32 $0x0, s20;
	[sflag:s22] =	ssyncset.done $0x0  }
0xa7: {  	[sflag:s22] =	ssyncadd.s32 s8;
	_ =	sdelay $0x1  }
0xa8: {  	s23 =	simm.s32 $0x1B8B  }
0xa9: {  	_ =	swait.ge [sflag:s23], $0x1  }
0xaa: {  	[sflag:s23] =	ssyncset.done $0x0  }
0xab: {  	s25 =	simm.s32 $0x1B8E;
	s24 =	sld [smem:$0x3FFE];
	[sflag:s23] =	ssyncadd.s32 $0xFFFFFFFF  }
0xac: {  	s26 =	simm.s32 $execute0_lowered;
	[smem:$0x3FD2] =	sst s25  }
0xad: {  	s9 =	sshll.u32 s26, $0x1;
	_ =	strace $0x80000046;
	[dreg:$0x1] =	wrdreg $0xFFFFFFFF  }
0xae: {  	s28 =	simm.s32 $_size_execute0_lowered;
	s7 =	sadd.s32 s7, s9;
	[dreg:$0x0] =	wrdreg $0x0  }
0xaf: {  	s9 =	sshll.u32 s28, $0x1;
	[dreg:$0x2] =	wrdreg s7  }
0xb0: {  	[dreg:$0x3] =	wrdreg s9  }
0xb1: {  	[dreg:$0x4] =	wrdreg $0xC0  }
0xb2: {  	_ =	task [dreg:s11], $0x5FFFF  }
0xb3: {  	[dreg:$0x1] =	wrdreg $0xFFFFFFFF  }
0xb4: {  	[dreg:$0x0] =	wrdreg $0x60  }
0xb5: {  	[dreg:$0x2] =	wrdreg s24  }
0xb6: {  	[dreg:$0x3] =	wrdreg s15  }
0xb7: {  	[dreg:$0x4] =	wrdreg s4  }
0xb8: {  	[dreg:$0x5] =	wrdreg s16  }
0xb9: {  	[dreg:$0x6] =	wrdreg s17  }
0xba: {  	[dreg:$0x7] =	wrdreg s18  }
0xbb: {  	[dreg:$0x8] =	wrdreg $0x9  }
0xbc: {  	_ =	task.clear_ibuf [dreg:s11], $0x9FFFF;
	_ =	strace $0x90000046  }
0xbd: {  	s29 =	simm.s32 $0x9;
	_ =	strace $0x80000048  }
0xbe: {  	_ =	swait.ge [sflag:s29], $0x1  }
0xbf: {  	[sflag:s29] =	ssyncadd.s32 $0xFFFFFFFF  }
0xc0: {  	_ =	strace $0x90000048  }
0xc1: {  	_ =	sfence  }
0xc2: {  	s30 =	sld [smem:$0x0];
	_ =	sdelay $0x2  }
0xc3: {  	s31 =	sshll.u32 s1, $0xD;
	s1 =	sshrl.u32 s1, $0x2  }
0xc4: {  	s3 =	sand.u32 $0x4000, s31;
	s1 =	sadd.s32 s1, s30  }
0xc5: {  	s0 =	sor.u32 s3, s0;
	s1 =	sshll.u32 s1, $0x11  }
0xc6: {  	s0 =	sor.u32 s1, s0  }
0xc7: {  	s0 =	sadd.s32 $0x8F2B, s0  }
0xc8: {  	[sflag:s0] =	ssyncadd.remote.s32 $0x1  }
0xc9: {  	_ =	sfence.sel $0xFFFF  }
0xca: {  	[dreg:$0x0] =	wrdreg $0xFFFFFFFF;
	(pc) =	sbr.abs _section_cstart, $3  }
0xcb: {  	[dreg:$0x1] =	wrdreg $0xFFFFFFFF  }
0xcc: {  	_ =	task.clear_ibuf [dreg:s11], $0x2FFFF;
	_ =	strace $0x9FFFFFFF  }
0xcd: {  	(tm) =	ssettm $0x7FFFFFFF  }
tec
execute0_lowered:
.L_overlay_start_1:
0x0: {  	(tag) =	ssettag $0x1  }
0x1: {  	s6 =	rddreg [dreg:$0x0]  }
0x2: {  	s4 =	rddreg [dreg:$0x3]  }
0x3: {  	s1 =	rddreg [dreg:$0x4];
	s3 =	simm.s32 $0x0  }
0x4: {  	[smem:$0x7FF] =	sst s3  }
0x5: {  	s0 =	rddreg [dreg:$0x5];
	v0 =	vimm.f32 $2.000000000e+00;
	_ =	strace $0x80000047  }
0x6: {  	(erf) = vrcp.f32 v0;
	_ =	sdelay $0x2  }
0x7: {  	s2 =	stileid.u32  }
0x8: {  	p0 =	sgt.u32 s2, $0x3  }
.Ltmp0:
0x9: {  	_ = 	snop;
	(pc) =	sbr.rel @p0 .LBB2_30-.Ltmp0, $2  }
0xa: {  	_ =	sdelay $0x2  }
0xb: {  	v0 =	vpop (erf)  }
0xc: {  	s5 =	srdreg.scid;
	s2 =	stileid.u32  }
0xd: {  	s25 =	sadd.s32 $0xC00, s6;
	s13 =	sadd.s32 $0x145C00, s6;
	s16 =	simm.s32 $0x400  }
0xe: {  	s17 =	simm.s32 $0x2;
	s20 =	simm.s32 $0x1;
	s23 =	simm.s32 $0x8D80  }
0xf: {  	s11 =	sand.u32 $0x1, s5;
	s24 =	sshll.u32 s2, $0x1;
	s15 =	smul.u32 $0x5000, s2  }
0x10: {  	s28 =	simm.s32 $0x8F00;
	s9 =	sor.u32 s11, s24;
	s31 =	smul.u32 $0x2800, s11  }
0x11: {  	[dreg:$0x8] =	wrdreg s25;
	s14 =	ssub.s32 $0x2, s11;
	s10 =	smul.u32 $0x1FFD800, s9  }
0x12: {  	s24 =	simm.s32 $0x8E00;
	s12 =	sshll.u32 s9, $0x4;
	s8 =	smul.u32 $0xFFFFD800, s9  }
0x13: {  	s18 =	sshll.u32 s9, $0xF;
	s29 =	sshrl.u32 s14, $0x1;
	s7 =	sadd.s32 s12, s6  }
0x14: {  	v1 =	vlaneseq.u32;
	s19 =	sor.u32 $0x4000, s18;
	s9 =	sadd.s32 s4, s12;
	s30 =	ssub.s32 s14, s29  }
0x15: {  	v5 =	vmul.u32 $0xFFFFFFFF, v1;
	s11 =	sadd.s32 s0, s12;
	s14 =	sadd.s32 s31, s15;
	s0 =	simm.s32 $0x9280  }
0x16: {  	v4 =	vimm.s32 $0x0;
	s15 =	simm.s32 $0x80;
	s26 =	sadd.s32 $0x143400, s7;
	s7 =	sadd.s32 $0x140C00, s7  }
0x17: {  	vm0 =	vmxor vm0, vm0;
	vm1 =	vmmov $0x1;
	v5 =	vadd.s32 $0x64, v5;
	[dreg:$0x7] =	wrdreg s10;
	s10 =	sadd.s32 s1, s12;
	s12 =	sadd.s32 s13, s12  }
0x18: {  	v2 =	vmov s18;
	s13 =	smax.u32 s30, $0x1;
	v3 =	vmov s19;
	v6 =	vmov s8;
	s19 =	simm.s32 $0x0;
	[dreg:$0x9] =	wrdreg s26  }
.LBB2_2:
0x19: {  	s1 =	simm.s32 $0x0  }
0x1a: {  	[tilespmem:s1], [sflag:$0x2] =	stream.strided.gather [hbm4b:s12+s15], $0x2800, s16, s15, $0x38;
	[tilespmem:$0x9480] =	vst v63  }
0x1b: {  	_ =	swait.ge [sflag:s17], $0x2800  }
0x1c: {  	[sflag:s17] =	ssyncset.done $0x0  }
0x1d: {  	s4 =	simm.s32 $0x2880;
	s2 =	rddreg [dreg:$0x9];
	[sflag:s17] =	ssyncadd.s32 $0xFFFFD800  }
0x1e: {  	[tilespmem:s4], [sflag:$0x2] =	stream.strided.gather [hbm4b:s2+s15], $0x2800, s16, s15, $0x38;
	[tilespmem:$0x9480] =	vst v63  }
0x1f: {  	_ =	swait.ge [sflag:s17], $0x2800  }
0x20: {  	[sflag:s17] =	ssyncset.done $0x0  }
0x21: {  	s30 =	simm.s32 $0x5100;
	[sflag:s17] =	ssyncadd.s32 $0xFFFFD800  }
0x22: {  	[tilespmem:s30], [sflag:$0x2] =	stream.strided.gather [hbm4b:s7+s15], $0x2800, s16, s15, $0x38;
	[tilespmem:$0x9480] =	vst v63  }
0x23: {  	_ =	swait.ge [sflag:s17], $0x2800  }
0x24: {  	[sflag:s17] =	ssyncset.done $0x0  }
0x25: {  	s31 =	sand.u32 $0x3F0, s1;
	[sflag:s17] =	ssyncadd.s32 $0xFFFFD800  }
0x26: {  	v7 =	vld [tilespmem:s31+$0x280]  }
0x27: {  	v8 =	vld [tilespmem:s1+$0x0]  }
0x28: {  	v9 =	vld [tilespmem:s31+$0x500]  }
0x29: {  	v10 =	vld [tilespmem:s31+$0x780]  }
0x2a: {  	v11 =	vld [tilespmem:s31+$0xA00]  }
0x2b: {  	v12 =	vld [tilespmem:s31+$0xC80]  }
0x2c: {  	v7 =	vmax.f32 v8, v7;
	v8 =	vld [tilespmem:s31+$0xF00]  }
0x2d: {  	v56 =	vld [tilespmem:s31+$0x1180];
	v7 =	vmax.f32 v7, v9  }
0x2e: {  	v57 =	vld [tilespmem:s31+$0x1400];
	v7 =	vmax.f32 v7, v10  }
0x2f: {  	v58 =	vld [tilespmem:s31+$0x1680];
	v7 =	vmax.f32 v7, v11  }
0x30: {  	v59 =	vld [tilespmem:s31+$0x1900];
	v7 =	vmax.f32 v7, v12  }
0x31: {  	v7 =	vmax.f32 v7, v8;
	v8 =	vld [tilespmem:s31+$0x1B80]  }
0x32: {  	v60 =	vld [tilespmem:s31+$0x1E00];
	v7 =	vmax.f32 v7, v56  }
0x33: {  	v61 =	vld [tilespmem:s31+$0x2080];
	v7 =	vmax.f32 v7, v57  }
0x34: {  	v62 =	vld [tilespmem:s31+$0x2300];
	v7 =	vmax.f32 v7, v58  }
0x35: {  	v63 =	vld [tilespmem:s31+$0x2580];
	v7 =	vmax.f32 v7, v59  }
0x36: {  	v7 =	vmax.f32 v7, v8  }
0x37: {  	v7 =	vmax.f32 v7, v60  }
0x38: {  	v7 =	vmax.f32 v7, v61  }
0x39: {  	v7 =	vmax.f32 v7, v62  }
0x3a: {  	s21 =	simm.s32 $0x7980;
	s1 =	simm.s32 $0x10;
	v7 =	vmax.f32 v7, v63  }
0x3b: {  	s4 =	sand.u32 $0x3F0, s1;
	[tilespmem:s21+$0x0] =	vst v7  }
0x3c: {  	s18 =	simm.s32 $0x20;
	v7 =	vld [tilespmem:s4+$0x280]  }
.LBB2_3:
0x3d: {  	p0 =	seq.s32 s18, $0x270;
	v8 =	vld [tilespmem:s1+$0x0]  }
0x3e: {  	v9 =	vld [tilespmem:s4+$0x500]  }
0x3f: {  	v10 =	vld [tilespmem:s4+$0x780]  }
0x40: {  	v11 =	vld [tilespmem:s4+$0xA00]  }
0x41: {  	v12 =	vld [tilespmem:s4+$0xC80]  }
0x42: {  	v7 =	vmax.f32 v8, v7;
	v8 =	vld [tilespmem:s4+$0xF00]  }
0x43: {  	v7 =	vmax.f32 v7, v9;
	v9 =	vld [tilespmem:s4+$0x1180]  }
0x44: {  	v7 =	vmax.f32 v7, v10;
	v10 =	vld [tilespmem:s4+$0x1400]  }
0x45: {  	v7 =	vmax.f32 v7, v11;
	v11 =	vld [tilespmem:s4+$0x1680]  }
0x46: {  	v7 =	vmax.f32 v7, v12;
	v12 =	vld [tilespmem:s4+$0x1900]  }
0x47: {  	v7 =	vmax.f32 v7, v8;
	v8 =	vld [tilespmem:s4+$0x1B80]  }
0x48: {  	v7 =	vmax.f32 v7, v9;
	v9 =	vld [tilespmem:s4+$0x1E00]  }
0x49: {  	v7 =	vmax.f32 v7, v10;
	v10 =	vld [tilespmem:s4+$0x2080]  }
0x4a: {  	v7 =	vmax.f32 v7, v11;
	v11 =	vld [tilespmem:s4+$0x2300]  }
0x4b: {  	v7 =	vmax.f32 v7, v12;
	v12 =	vld [tilespmem:s4+$0x2580]  }
0x4c: {  	v7 =	vmax.f32 v7, v8  }
0x4d: {  	v7 =	vmax.f32 v7, v9  }
.Ltmp1:
0x4e: {  	v7 =	vmax.f32 v7, v10;
	(pc) =	sbr.rel @!p0 .LBB2_3-.Ltmp1, $4  }
0x4f: {  	v7 =	vmax.f32 v7, v11  }
0x50: {  	s21 =	sadd.s32 $0x10, s21;
	v7 =	vmax.f32 v7, v12  }
0x51: {  	s4 =	sand.u32 $0x3F0, s18;
	[tilespmem:s21+$0x0] =	vst v7  }
0x52: {  	s1 =	sadd.s32 $0x10, s1;
	s18 =	sadd.s32 $0x10, s18;
	v7 =	vld [tilespmem:s4+$0x280]  }
0x53: {  	v8 =	vld [tilespmem:s1+$0x0]  }
0x54: {  	v9 =	vld [tilespmem:s4+$0x500]  }
0x55: {  	v10 =	vld [tilespmem:s4+$0x780]  }
0x56: {  	v11 =	vld [tilespmem:s4+$0xA00]  }
0x57: {  	v12 =	vld [tilespmem:s4+$0xC80]  }
0x58: {  	v7 =	vmax.f32 v8, v7;
	v8 =	vld [tilespmem:s4+$0xF00]  }
0x59: {  	v7 =	vmax.f32 v7, v9;
	v9 =	vld [tilespmem:s4+$0x1180]  }
0x5a: {  	v7 =	vmax.f32 v7, v10;
	v10 =	vld [tilespmem:s4+$0x1400]  }
0x5b: {  	v7 =	vmax.f32 v7, v11;
	v11 =	vld [tilespmem:s4+$0x1680]  }
0x5c: {  	v7 =	vmax.f32 v7, v12;
	v12 =	vld [tilespmem:s4+$0x1900]  }
0x5d: {  	v7 =	vmax.f32 v7, v8;
	v8 =	vld [tilespmem:s4+$0x1B80]  }
0x5e: {  	v7 =	vmax.f32 v7, v9;
	v9 =	vld [tilespmem:s4+$0x1E00]  }
0x5f: {  	v7 =	vmax.f32 v7, v10;
	v10 =	vld [tilespmem:s4+$0x2080]  }
0x60: {  	v7 =	vmax.f32 v7, v11;
	v11 =	vld [tilespmem:s4+$0x2300]  }
0x61: {  	v7 =	vmax.f32 v7, v12;
	v12 =	vld [tilespmem:s4+$0x2580]  }
0x62: {  	v7 =	vmax.f32 v7, v8  }
0x63: {  	v7 =	vmax.f32 v7, v9  }
0x64: {  	v7 =	vmax.f32 v7, v10  }
0x65: {  	v7 =	vmax.f32 v7, v11  }
0x66: {  	s31 =	sadd.s32 $0x10, s21;
	v7 =	vmax.f32 v7, v12  }
0x67: {  	[tilespmem:s31+$0x0] =	vst v7  }
0x68: {  	v45 =	vld [tilespmem:$0x7980]  }
0x69: {  	v46 =	vld [tilespmem:$0x7990]  }
0x6a: {  	v44 =	vld [tilespmem:$0x79A0]  }
0x6b: {  	v43 =	vld [tilespmem:$0x79B0]  }
0x6c: {  	v42 =	vld [tilespmem:$0x79C0]  }
0x6d: {  	v41 =	vld [tilespmem:$0x79D0]  }
0x6e: {  	v40 =	vld [tilespmem:$0x79E0]  }
0x6f: {  	v39 =	vld [tilespmem:$0x79F0]  }
0x70: {  	v38 =	vld [tilespmem:$0x7A00]  }
0x71: {  	v37 =	vld [tilespmem:$0x7A10]  }
0x72: {  	v36 =	vld [tilespmem:$0x7A20]  }
0x73: {  	v35 =	vld [tilespmem:$0x7A30]  }
0x74: {  	v34 =	vld [tilespmem:$0x7A40]  }
0x75: {  	v33 =	vld [tilespmem:$0x7A50]  }
0x76: {  	v32 =	vld [tilespmem:$0x7A60]  }
0x77: {  	v31 =	vld [tilespmem:$0x7A70]  }
0x78: {  	v30 =	vld [tilespmem:$0x7A80]  }
0x79: {  	v29 =	vld [tilespmem:$0x7A90]  }
0x7a: {  	v28 =	vld [tilespmem:$0x7AA0]  }
0x7b: {  	v27 =	vld [tilespmem:$0x7AB0]  }
0x7c: {  	v26 =	vld [tilespmem:$0x7AC0]  }
0x7d: {  	v25 =	vld [tilespmem:$0x7AD0]  }
0x7e: {  	v24 =	vld [tilespmem:$0x7AE0]  }
0x7f: {  	v23 =	vld [tilespmem:$0x7AF0]  }
0x80: {  	v22 =	vld [tilespmem:$0x7B00]  }
0x81: {  	v21 =	vld [tilespmem:$0x7B10]  }
0x82: {  	v20 =	vld [tilespmem:$0x7B20]  }
0x83: {  	v19 =	vld [tilespmem:$0x7B30]  }
0x84: {  	v18 =	vld [tilespmem:$0x7B40]  }
0x85: {  	v17 =	vld [tilespmem:$0x7B50]  }
0x86: {  	v16 =	vld [tilespmem:$0x7B60]  }
0x87: {  	v15 =	vld [tilespmem:$0x7B70]  }
0x88: {  	v14 =	vld [tilespmem:$0x7B80]  }
0x89: {  	v13 =	vld [tilespmem:$0x7B90]  }
0x8a: {  	v12 =	vld [tilespmem:$0x7BA0]  }
0x8b: {  	v11 =	vld [tilespmem:$0x7BB0]  }
0x8c: {  	v10 =	vld [tilespmem:$0x7BC0]  }
0x8d: {  	v9 =	vld [tilespmem:$0x7BD0]  }
0x8e: {  	s21 =	simm.f32 $0.0e+00;
	s22 =	simm.f32 $1.000000000e+00;
	v7 =	vld [tilespmem:$0x7BE0]  }
0x8f: {  	s26 =	simm.s32 $0x1F;
	s1 =	sadd.f32 s22, s21;
	v8 =	vld [tilespmem:$0x7BF0]  }
.LBB2_5:
0x90: {  	s29 =	smov.u32 s22  }
0x91: {  	p0 =	seq.s32 s26, $0x1  }
0x92: {  	s22 =	smul.f32 $5.000000000e-01, s1;
	_ =	sdelay $0x1  }
0x93: {  	vm2 =	vge.f32 v45, s22;
	vm3 =	vge.f32 v46, s22  }
0x94: {  	v47 =	vsel vm2, $0x1, v4;
	v48 =	vsel vm3, $0x1, v4;
	vm2 =	vge.f32 v44, s22  }
0x95: {  	v47 =	vadd.s32 v47, v48;
	v48 =	vsel vm2, $0x1, v4;
	vm2 =	vge.f32 v43, s22  }
0x96: {  	v47 =	vadd.s32 v48, v47;
	v48 =	vsel vm2, $0x1, v4;
	vm2 =	vge.f32 v42, s22  }
0x97: {  	v47 =	vadd.s32 v48, v47;
	v48 =	vsel vm2, $0x1, v4;
	vm2 =	vge.f32 v41, s22  }
0x98: {  	v47 =	vadd.s32 v48, v47;
	v48 =	vsel vm2, $0x1, v4;
	vm2 =	vge.f32 v40, s22  }
0x99: {  	v47 =	vadd.s32 v48, v47;
	v48 =	vsel vm2, $0x1, v4;
	vm2 =	vge.f32 v39, s22  }
0x9a: {  	v47 =	vadd.s32 v48, v47;
	v48 =	vsel vm2, $0x1, v4;
	vm2 =	vge.f32 v38, s22  }
0x9b: {  	v47 =	vadd.s32 v48, v47;
	v48 =	vsel vm2, $0x1, v4;
	vm2 =	vge.f32 v37, s22  }
0x9c: {  	v47 =	vadd.s32 v48, v47;
	v48 =	vsel vm2, $0x1, v4;
	vm2 =	vge.f32 v36, s22  }
0x9d: {  	v47 =	vadd.s32 v48, v47;
	v48 =	vsel vm2, $0x1, v4;
	vm2 =	vge.f32 v35, s22  }
0x9e: {  	v47 =	vadd.s32 v48, v47;
	v48 =	vsel vm2, $0x1, v4;
	vm2 =	vge.f32 v34, s22  }
0x9f: {  	v47 =	vadd.s32 v48, v47;
	v48 =	vsel vm2, $0x1, v4;
	vm2 =	vge.f32 v33, s22  }
0xa0: {  	v47 =	vadd.s32 v48, v47;
	v48 =	vsel vm2, $0x1, v4;
	vm2 =	vge.f32 v32, s22  }
0xa1: {  	v47 =	vadd.s32 v48, v47;
	v48 =	vsel vm2, $0x1, v4;
	vm2 =	vge.f32 v31, s22  }
0xa2: {  	v47 =	vadd.s32 v48, v47;
	v48 =	vsel vm2, $0x1, v4;
	vm2 =	vge.f32 v30, s22  }
0xa3: {  	v47 =	vadd.s32 v48, v47;
	v48 =	vsel vm2, $0x1, v4;
	vm2 =	vge.f32 v29, s22  }
0xa4: {  	v47 =	vadd.s32 v48, v47;
	v48 =	vsel vm2, $0x1, v4;
	vm2 =	vge.f32 v28, s22  }
0xa5: {  	v47 =	vadd.s32 v48, v47;
	v48 =	vsel vm2, $0x1, v4;
	vm2 =	vge.f32 v27, s22  }
0xa6: {  	v47 =	vadd.s32 v48, v47;
	v48 =	vsel vm2, $0x1, v4;
	vm2 =	vge.f32 v26, s22  }
0xa7: {  	v47 =	vadd.s32 v48, v47;
	v48 =	vsel vm2, $0x1, v4;
	vm2 =	vge.f32 v25, s22  }
0xa8: {  	v47 =	vadd.s32 v48, v47;
	v48 =	vsel vm2, $0x1, v4;
	vm2 =	vge.f32 v24, s22  }
0xa9: {  	v47 =	vadd.s32 v48, v47;
	v48 =	vsel vm2, $0x1, v4;
	vm2 =	vge.f32 v23, s22  }
0xaa: {  	v47 =	vadd.s32 v48, v47;
	v48 =	vsel vm2, $0x1, v4;
	vm2 =	vge.f32 v22, s22  }
0xab: {  	v47 =	vadd.s32 v48, v47;
	v48 =	vsel vm2, $0x1, v4;
	vm2 =	vge.f32 v21, s22  }
0xac: {  	v47 =	vadd.s32 v48, v47;
	v48 =	vsel vm2, $0x1, v4;
	vm2 =	vge.f32 v20, s22  }
0xad: {  	v47 =	vadd.s32 v48, v47;
	v48 =	vsel vm2, $0x1, v4;
	vm2 =	vge.f32 v19, s22  }
0xae: {  	v47 =	vadd.s32 v48, v47;
	v48 =	vsel vm2, $0x1, v4;
	vm2 =	vge.f32 v18, s22  }
0xaf: {  	v47 =	vadd.s32 v48, v47;
	v48 =	vsel vm2, $0x1, v4;
	vm2 =	vge.f32 v17, s22  }
0xb0: {  	v47 =	vadd.s32 v48, v47;
	v48 =	vsel vm2, $0x1, v4;
	vm2 =	vge.f32 v16, s22  }
0xb1: {  	v47 =	vadd.s32 v48, v47;
	v48 =	vsel vm2, $0x1, v4;
	vm2 =	vge.f32 v15, s22  }
0xb2: {  	v47 =	vadd.s32 v48, v47;
	v48 =	vsel vm2, $0x1, v4;
	vm2 =	vge.f32 v14, s22  }
0xb3: {  	v47 =	vadd.s32 v48, v47;
	v48 =	vsel vm2, $0x1, v4;
	vm2 =	vge.f32 v13, s22  }
0xb4: {  	v47 =	vadd.s32 v48, v47;
	v48 =	vsel vm2, $0x1, v4;
	vm2 =	vge.f32 v12, s22  }
0xb5: {  	v47 =	vadd.s32 v48, v47;
	v48 =	vsel vm2, $0x1, v4;
	vm2 =	vge.f32 v11, s22  }
0xb6: {  	v47 =	vadd.s32 v48, v47;
	v48 =	vsel vm2, $0x1, v4;
	vm2 =	vge.f32 v10, s22  }
0xb7: {  	v47 =	vadd.s32 v48, v47;
	v48 =	vsel vm2, $0x1, v4;
	vm2 =	vge.f32 v9, s22  }
0xb8: {  	v47 =	vadd.s32 v48, v47;
	v48 =	vsel vm2, $0x1, v4;
	vm2 =	vge.f32 v7, s22  }
0xb9: {  	v47 =	vadd.s32 v48, v47;
	v48 =	vsel vm2, $0x1, v4;
	vm2 =	vge.f32 v8, s22  }
0xba: {  	v47 =	vadd.s32 v48, v47;
	v48 =	vsel vm2, $0x1, v4  }
0xbb: {  	v47 =	vadd.s32 v48, v47  }
0xbc: {  	(xrf0) =	vadd.scan.msk.s32 $0xffff, v47;
	_ =	sdelay $0x5  }
0xbd: {  	v47, _, _ =	vpop (xrf0)  }
0xbe: {  	(v2sf) =	vpush v47, $0xF;
	_ =	sdelay $0xd  }
.Ltmp2:
0xbf: {  	(pc) =	sbr.rel @!p0 .LBB2_5-.Ltmp2, $4  }
0xc0: {  	s1 =	spop (v2sf)  }
0xc1: {  	p1 =	sgt.s32 s1, $0x63  }
0xc2: {  	s21 =	smov.u32 @p1 s22;
	s22 =	smov.u32 @p1 s29  }
0xc3: {  	s26 =	sadd.s32 $0xFFFFFFFF, s26;
	s1 =	sadd.f32 s22, s21  }
0xc4: {  	_ = 	snop  }
0xc5: {  	s22 =	smul.f32 $5.000000000e-01, s1;
	_ =	sdelay $0x1  }
0xc6: {  	vm2 =	vge.f32 v45, s22;
	vm3 =	vge.f32 v46, s22  }
0xc7: {  	v45 =	vsel vm2, $0x1, v4;
	v46 =	vsel vm3, $0x1, v4;
	vm2 =	vge.f32 v44, s22  }
0xc8: {  	v51 =	vadd.s32 v45, v46;
	v52 =	vsel vm2, $0x1, v4;
	vm2 =	vge.f32 v43, s22  }
0xc9: {  	v53 =	vadd.s32 v52, v51;
	v54 =	vsel vm2, $0x1, v4;
	vm2 =	vge.f32 v42, s22  }
0xca: {  	v55 =	vadd.s32 v54, v53;
	v56 =	vsel vm2, $0x1, v4;
	vm2 =	vge.f32 v41, s22  }
0xcb: {  	v57 =	vadd.s32 v56, v55;
	v58 =	vsel vm2, $0x1, v4;
	vm2 =	vge.f32 v40, s22  }
0xcc: {  	v59 =	vadd.s32 v58, v57;
	v60 =	vsel vm2, $0x1, v4;
	vm2 =	vge.f32 v39, s22  }
0xcd: {  	v61 =	vadd.s32 v60, v59;
	v62 =	vsel vm2, $0x1, v4;
	vm2 =	vge.f32 v38, s22  }
0xce: {  	v63 =	vadd.s32 v62, v61;
	v42 =	vsel vm2, $0x1, v4;
	vm2 =	vge.f32 v37, s22  }
0xcf: {  	v43 =	vadd.s32 v42, v63;
	v44 =	vsel vm2, $0x1, v4;
	vm2 =	vge.f32 v36, s22  }
0xd0: {  	v45 =	vadd.s32 v44, v43;
	v46 =	vsel vm2, $0x1, v4;
	vm2 =	vge.f32 v35, s22  }
0xd1: {  	v47 =	vadd.s32 v46, v45;
	v48 =	vsel vm2, $0x1, v4;
	vm2 =	vge.f32 v34, s22  }
0xd2: {  	v49 =	vadd.s32 v48, v47;
	v50 =	vsel vm2, $0x1, v4;
	vm2 =	vge.f32 v33, s22  }
0xd3: {  	v51 =	vadd.s32 v50, v49;
	v52 =	vsel vm2, $0x1, v4;
	vm2 =	vge.f32 v32, s22  }
0xd4: {  	v53 =	vadd.s32 v52, v51;
	v54 =	vsel vm2, $0x1, v4;
	vm2 =	vge.f32 v31, s22  }
0xd5: {  	v55 =	vadd.s32 v54, v53;
	v56 =	vsel vm2, $0x1, v4;
	vm2 =	vge.f32 v30, s22  }
0xd6: {  	v57 =	vadd.s32 v56, v55;
	v58 =	vsel vm2, $0x1, v4;
	vm2 =	vge.f32 v29, s22  }
0xd7: {  	v59 =	vadd.s32 v58, v57;
	v60 =	vsel vm2, $0x1, v4;
	vm2 =	vge.f32 v28, s22  }
0xd8: {  	v61 =	vadd.s32 v60, v59;
	v62 =	vsel vm2, $0x1, v4;
	vm2 =	vge.f32 v27, s22  }
0xd9: {  	v63 =	vadd.s32 v62, v61;
	v32 =	vsel vm2, $0x1, v4;
	vm2 =	vge.f32 v26, s22  }
0xda: {  	v33 =	vadd.s32 v32, v63;
	v34 =	vsel vm2, $0x1, v4;
	vm2 =	vge.f32 v25, s22  }
0xdb: {  	v35 =	vadd.s32 v34, v33;
	v36 =	vsel vm2, $0x1, v4;
	vm2 =	vge.f32 v24, s22  }
0xdc: {  	v37 =	vadd.s32 v36, v35;
	v38 =	vsel vm2, $0x1, v4;
	vm2 =	vge.f32 v23, s22  }
0xdd: {  	v39 =	vadd.s32 v38, v37;
	v40 =	vsel vm2, $0x1, v4;
	vm2 =	vge.f32 v22, s22  }
0xde: {  	v41 =	vadd.s32 v40, v39;
	v42 =	vsel vm2, $0x1, v4;
	vm2 =	vge.f32 v21, s22  }
0xdf: {  	v43 =	vadd.s32 v42, v41;
	v44 =	vsel vm2, $0x1, v4;
	vm2 =	vge.f32 v20, s22  }
0xe0: {  	v45 =	vadd.s32 v44, v43;
	v46 =	vsel vm2, $0x1, v4;
	vm2 =	vge.f32 v19, s22  }
0xe1: {  	v47 =	vadd.s32 v46, v45;
	v48 =	vsel vm2, $0x1, v4;
	vm2 =	vge.f32 v18, s22  }
0xe2: {  	v49 =	vadd.s32 v48, v47;
	v50 =	vsel vm2, $0x1, v4;
	vm2 =	vge.f32 v17, s22  }
0xe3: {  	v51 =	vadd.s32 v50, v49;
	v52 =	vsel vm2, $0x1, v4;
	vm2 =	vge.f32 v16, s22  }
0xe4: {  	v53 =	vadd.s32 v52, v51;
	v54 =	vsel vm2, $0x1, v4;
	vm2 =	vge.f32 v15, s22  }
0xe5: {  	v55 =	vadd.s32 v54, v53;
	v56 =	vsel vm2, $0x1, v4;
	vm2 =	vge.f32 v14, s22  }
0xe6: {  	v57 =	vadd.s32 v56, v55;
	v58 =	vsel vm2, $0x1, v4;
	vm2 =	vge.f32 v13, s22  }
0xe7: {  	v59 =	vadd.s32 v58, v57;
	v60 =	vsel vm2, $0x1, v4;
	vm2 =	vge.f32 v12, s22  }
0xe8: {  	v61 =	vadd.s32 v60, v59;
	v62 =	vsel vm2, $0x1, v4;
	vm2 =	vge.f32 v11, s22  }
0xe9: {  	v11 =	vadd.s32 v62, v61;
	v63 =	vsel vm2, $0x1, v4;
	vm2 =	vge.f32 v10, s22  }
0xea: {  	v10 =	vadd.s32 v63, v11;
	v11 =	vsel vm2, $0x1, v4;
	vm2 =	vge.f32 v9, s22  }
0xeb: {  	v9 =	vadd.s32 v11, v10;
	v10 =	vsel vm2, $0x1, v4;
	vm2 =	vge.f32 v7, s22  }
0xec: {  	v7 =	vadd.s32 v10, v9;
	v9 =	vsel vm2, $0x1, v4;
	vm2 =	vge.f32 v8, s22  }
0xed: {  	v7 =	vadd.s32 v9, v7;
	v8 =	vsel vm2, $0x1, v4  }
0xee: {  	v7 =	vadd.s32 v8, v7  }
0xef: {  	(xrf0) =	vadd.scan.msk.s32 $0xffff, v7;
	_ =	sdelay $0x3  }
0xf0: {  	[tilespmem:$0x7C00] =	vst v4  }
0xf1: {  	[tilespmem:$0x7C80] =	vst v4  }
0xf2: {  	[tilespmem:$0x7C10] =	vst v4;
	v7, _, _ =	vpop (xrf0)  }
0xf3: {  	[tilespmem:$0x7C90] =	vst v4;
	(v2sf) =	vpush v7, $0xF  }
0xf4: {  	[tilespmem:$0x7C20] =	vst v4  }
0xf5: {  	[tilespmem:$0x7CA0] =	vst v4  }
0xf6: {  	[tilespmem:$0x7C30] =	vst v4  }
0xf7: {  	[tilespmem:$0x7CB0] =	vst v4  }
0xf8: {  	[tilespmem:$0x7C40] =	vst v4  }
0xf9: {  	[tilespmem:$0x7CC0] =	vst v4  }
0xfa: {  	[tilespmem:$0x7C50] =	vst v4  }
0xfb: {  	[tilespmem:$0x7CD0] =	vst v4  }
0xfc: {  	[tilespmem:$0x7C60] =	vst v4  }
0xfd: {  	[tilespmem:$0x7CE0] =	vst v4  }
0xfe: {  	[tilespmem:$0x7C70] =	vst v4  }
0xff: {  	[tilespmem:$0x7CF0] =	vst v4  }
0x100: {  	[tilespmem:$0x7D00] =	vst v4;
	s6 =	simm.s32 $0x20  }
0x101: {  	v8 =	vld [tilespmem:s6+$0xFFFFFFE0]  }
0x102: {  	s5 =	spop (v2sf)  }
0x103: {  	p0 =	sgt.s32 s5, $0x63  }
0x104: {  	s21 =	smov.u32 @p0 s22  }
0x105: {  	s4 =	simm.s32 $0x0;
	s18 =	sadd.s32 $0x0, s14;
	p0 =	por $0x1, $0x1;
	v7 =	vmov s21  }
0x106: {  	s4 =	simm.s32 @!p0 $0x100;
	vm2 =	vge.f32 v8, v7;
	v8 =	vor.u32 s18, v1  }
0x107: {  	[tilespmem:s4+$0x7C00] =	vst.msk vm2, v8;
	v8 =	vmpcnt.ones.xlane vm2  }
0x108: {  	v9 =	vld [tilespmem:s6+$0xFFFFFFF0]  }
0x109: {  	(v2sf) =	vpush v8, $0x0;
	_ =	sdelay $0x3  }
0x10a: {  	vm2 =	vge.f32 v9, v7  }
0x10b: {  	v8 =	vmpcnt.ones.xlane vm2;
	_ =	sdelay $0x1  }
0x10c: {  	(v2sf) =	vpush v8, $0x0;
	_ =	sdelay $0x7  }
0x10d: {  	s22 =	spop (v2sf)  }
0x10e: {  	s4 =	sadd.s32 $0x0, s22  }
0x10f: {  	s25 =	sadd.s32 $0x10, s18;
	p0 =	slt.s32 s4, $0x100;
	s26 =	smov.u32 s4  }
0x110: {  	v8 =	vor.u32 s25, v1;
	s26 =	simm.s32 @!p0 $0x100  }
0x111: {  	[tilespmem:s26+$0x7C00] =	vst.msk vm2, v8  }
0x112: {  	v8 =	vld [tilespmem:s6+$0x0];
	_ =	sdelay $0x1  }
0x113: {  	s26 =	spop (v2sf)  }
0x114: {  	s4 =	sadd.s32 s4, s26  }
0x115: {  	s29 =	sadd.s32 $0x20, s18;
	p0 =	slt.s32 s4, $0x100;
	s26 =	smov.u32 s4  }
0x116: {  	vm2 =	vge.f32 v8, v7;
	v8 =	vor.u32 s29, v1;
	s26 =	simm.s32 @!p0 $0x100  }
0x117: {  	[tilespmem:s26+$0x7C00] =	vst.msk vm2, v8  }
0x118: {  	v9 =	vmpcnt.ones.xlane vm2;
	v8 =	vld [tilespmem:s6+$0x10];
	_ =	sdelay $0x1  }
0x119: {  	(v2sf) =	vpush v9, $0x0;
	_ =	sdelay $0x2  }
0x11a: {  	vm2 =	vge.f32 v8, v7  }
0x11b: {  	v8 =	vmpcnt.ones.xlane vm2;
	_ =	sdelay $0x1  }
0x11c: {  	(v2sf) =	vpush v8, $0x0;
	_ =	sdelay $0x8  }
0x11d: {  	s30 =	spop (v2sf)  }
0x11e: {  	s1 =	sadd.s32 s4, s30  }
0x11f: {  	s31 =	sadd.s32 $0x30, s18;
	p0 =	slt.s32 s1, $0x100;
	s18 =	smov.u32 s1  }
0x120: {  	v8 =	vor.u32 s31, v1;
	s18 =	simm.s32 @!p0 $0x100  }
0x121: {  	s22 =	simm.s32 $0x60;
	[tilespmem:s18+$0x7C00] =	vst.msk vm2, v8  }
0x122: {  	v8 =	vld [tilespmem:s22+$0xFFFFFFE0]  }
0x123: {  	s26 =	simm.s32 $0x80;
	s4 =	simm.s32 $0x40;
	s18 =	spop (v2sf)  }
.LBB2_7:
0x124: {  	p0 =	sne.s32 s26, $0x27C0;
	s1 =	sadd.s32 s1, s18  }
0x125: {  	s18 =	smov.u32 s26;
	s26 =	sadd.s32 $0x40, s26;
	s29 =	sadd.s32 s4, s14  }
0x126: {  	p1 =	slt.s32 s1, $0x100;
	s4 =	smov.u32 s18;
	s18 =	smov.u32 s1  }
0x127: {  	s30 =	sadd.s32 $0x10, s29;
	s31 =	sadd.s32 $0x20, s29;
	vm2 =	vge.f32 v8, v7;
	v8 =	vor.u32 s29, v1;
	s18 =	simm.s32 @!p1 $0x100  }
0x128: {  	[tilespmem:s18+$0x7C00] =	vst.msk vm2, v8;
	v8 =	vmpcnt.ones.xlane vm2;
	s18 =	sadd.s32 $0x30, s29  }
0x129: {  	v9 =	vld [tilespmem:s22+$0xFFFFFFF0]  }
0x12a: {  	(v2sf) =	vpush v8, $0x0;
	_ =	sdelay $0x3  }
0x12b: {  	vm2 =	vge.f32 v9, v7  }
0x12c: {  	v8 =	vmpcnt.ones.xlane vm2;
	_ =	sdelay $0x1  }
0x12d: {  	(v2sf) =	vpush v8, $0x0;
	_ =	sdelay $0x7  }
0x12e: {  	s29 =	spop (v2sf)  }
0x12f: {  	s1 =	sadd.s32 s1, s29  }
0x130: {  	p1 =	slt.s32 s1, $0x100;
	s29 =	smov.u32 s1  }
0x131: {  	v8 =	vor.u32 s30, v1;
	s29 =	simm.s32 @!p1 $0x100  }
0x132: {  	[tilespmem:s29+$0x7C00] =	vst.msk vm2, v8  }
0x133: {  	v8 =	vld [tilespmem:s22+$0x0];
	_ =	sdelay $0x1  }
0x134: {  	s29 =	spop (v2sf)  }
0x135: {  	s1 =	sadd.s32 s1, s29  }
0x136: {  	p1 =	slt.s32 s1, $0x100;
	s29 =	smov.u32 s1  }
0x137: {  	vm2 =	vge.f32 v8, v7;
	v8 =	vor.u32 s31, v1;
	s29 =	simm.s32 @!p1 $0x100  }
0x138: {  	[tilespmem:s29+$0x7C00] =	vst.msk vm2, v8;
	v8 =	vmpcnt.ones.xlane vm2  }
0x139: {  	v9 =	vld [tilespmem:s22+$0x10]  }
0x13a: {  	(v2sf) =	vpush v8, $0x0;
	_ =	sdelay $0x3  }
0x13b: {  	vm2 =	vge.f32 v9, v7  }
0x13c: {  	v8 =	vmpcnt.ones.xlane vm2;
	_ =	sdelay $0x1  }
0x13d: {  	(v2sf) =	vpush v8, $0x0;
	_ =	sdelay $0x7  }
0x13e: {  	s29 =	spop (v2sf)  }
0x13f: {  	s1 =	sadd.s32 s1, s29  }
0x140: {  	v8 =	vor.u32 s18, v1;
	p1 =	slt.s32 s1, $0x100;
	s18 =	smov.u32 s1  }
.Ltmp3:
0x141: {  	s18 =	simm.s32 @!p1 $0x100;
	(pc) =	sbr.rel @p0 .LBB2_7-.Ltmp3, $3  }
0x142: {  	s22 =	sadd.s32 $0x40, s22;
	[tilespmem:s18+$0x7C00] =	vst.msk vm2, v8  }
0x143: {  	v8 =	vld [tilespmem:s22+$0xFFFFFFE0];
	_ =	sdelay $0x1  }
0x144: {  	s18 =	spop (v2sf)  }
0x145: {  	s1 =	sadd.s32 s1, s18  }
0x146: {  	s4 =	sadd.s32 s4, s14;
	p0 =	slt.s32 s1, $0x100;
	s18 =	smov.u32 s1  }
0x147: {  	vm2 =	vge.f32 v8, v7;
	v8 =	vor.u32 s4, v1;
	s18 =	simm.s32 @!p0 $0x100  }
0x148: {  	[tilespmem:s18+$0x7C00] =	vst.msk vm2, v8;
	v8 =	vmpcnt.ones.xlane vm2  }
0x149: {  	v9 =	vld [tilespmem:s22+$0xFFFFFFF0]  }
0x14a: {  	(v2sf) =	vpush v8, $0x0;
	_ =	sdelay $0x3  }
0x14b: {  	vm2 =	vge.f32 v9, v7  }
0x14c: {  	v8 =	vmpcnt.ones.xlane vm2;
	_ =	sdelay $0x1  }
0x14d: {  	(v2sf) =	vpush v8, $0x0;
	_ =	sdelay $0x7  }
0x14e: {  	s6 =	spop (v2sf)  }
0x14f: {  	s1 =	sadd.s32 s1, s6  }
0x150: {  	s25 =	sadd.s32 $0x10, s4;
	p0 =	slt.s32 s1, $0x100;
	s26 =	smov.u32 s1  }
0x151: {  	v8 =	vor.u32 s25, v1;
	s26 =	simm.s32 @!p0 $0x100  }
0x152: {  	[tilespmem:s26+$0x7C00] =	vst.msk vm2, v8  }
0x153: {  	v8 =	vld [tilespmem:s22+$0x0];
	_ =	sdelay $0x1  }
0x154: {  	s26 =	spop (v2sf)  }
0x155: {  	s1 =	sadd.s32 s1, s26  }
0x156: {  	s29 =	sadd.s32 $0x20, s4;
	p0 =	slt.s32 s1, $0x100;
	s26 =	smov.u32 s1  }
0x157: {  	vm2 =	vge.f32 v8, v7;
	v8 =	vor.u32 s29, v1;
	s26 =	simm.s32 @!p0 $0x100  }
0x158: {  	[tilespmem:s26+$0x7C00] =	vst.msk vm2, v8  }
0x159: {  	v8 =	vld [tilespmem:s22+$0x10];
	_ =	sdelay $0x4  }
0x15a: {  	v63 =	vmpcnt.ones.xlane vm2;
	vm2 =	vge.f32 v8, v7  }
0x15b: {  	v8 =	vmpcnt.ones.xlane vm2  }
0x15c: {  	(v2sf) =	vpush v63, $0x0  }
0x15d: {  	(v2sf) =	vpush v8, $0x0;
	_ =	sdelay $0xd  }
0x15e: {  	s30 =	spop (v2sf)  }
0x15f: {  	s1 =	sadd.s32 s1, s30;
	s31 =	spop (v2sf)  }
0x160: {  	p0 =	slt.s32 s1, $0x100;
	s18 =	smov.u32 s1;
	s1 =	sadd.s32 s1, s31  }
0x161: {  	s18 =	simm.s32 @!p0 $0x100;
	p0 =	slt.s32 s1, $0x1  }
.Ltmp4:
0x162: {  	s4 =	sadd.s32 $0x30, s4;
	(pc) =	sbr.rel @p0 .LBB2_9-.Ltmp4, $4  }
0x163: {  	v8 =	vor.u32 s4, v1  }
0x164: {  	[tilespmem:s18+$0x7C00] =	vst.msk vm2, v8  }
0x165: {  	[tilespmem:$0x7D80] =	vst v4  }
0x166: {  	[tilespmem:$0x7D90] =	vst v4  }
0x167: {  	s1 =	smin.u32 s1, $0x100  }
0x168: {  	p0 =	sne.s32 s1, $0x1  }
.Ltmp5:
0x169: {  	_ = 	snop;
	(pc) =	sbr.rel @!p0 .LBB2_12-.Ltmp5, $4  }
0x16a: {  	s4 =	simm.s32 $0x7C00  }
0x16b: {  	v8 =	vld [tilespmem:s4+$0x0]  }
0x16c: {  	s26 =	simm.s32 $0x0;
	s29 =	simm.s32 $0x0;
	s22 =	simm.s32 $0x0  }
0x16d: {  	s30 =	simm.s32 $0x0;
	s18 =	sadd.s32 $0xFFFFFFFF, s1;
	s1 =	simm.s32 $0x0  }
.LBB2_11:
0x16e: {  	p0 =	sne.s32 s18, $0x1;
	_ =	sdelay $0x1  }
0x16f: {  	(v2sf) =	vpush v8, $0x0;
	_ =	sdelay $0xe  }
0x170: {  	s1 =	spop (v2sf)  }
0x171: {  	v9 =	vld.idx.msk [tilespmem:v6+s1+$0x2880 ss:$0x1], $0xffff;
	_ =	sdelay $0x3  }
0x172: {  	v10 =	vld.idx.msk [tilespmem:v6+s1+$0x5100 ss:$0x1], $0xffff;
	_ =	sdelay $0x1  }
0x173: {  	(v2sf) =	vpush v9, $0x0;
	_ =	sdelay $0x3  }
0x174: {  	(v2sf) =	vpush v10, $0x0;
	_ =	sdelay $0x9  }
0x175: {  	s1 =	sadd.s32 s8, s1  }
0x176: {  	v9 =	vld.msk [tilespmem:s1+$0x0 ss:$0x0], $0xffff;
	s30 =	spop (v2sf)  }
0x177: {  	p1 =	sge.f32 s30, s21  }
0x178: {  	s30 =	simm.s32 $0x1  }
0x179: {  	vm2 =	vmmov vm0;
	p2 =	por !p1, !p1;
	s30 =	simm.s32 @!p1 $0x0  }
0x17a: {  	s1 =	sshll.u32 s1, $0x7;
	vm2 =	vmneg @p2 vm2;
	p2 =	slt.s32 s26, $0x200;
	s31 =	spop (v2sf)  }
0x17b: {  	vm3 =	vmmov vm0;
	vm2 =	vmand vm2, vm1;
	s1 =	sadd.s32 s1, s31;
	s31 =	ssub.s32 s26, s30;
	s26 =	simm.s32 @!p2 $0x200  }
0x17c: {  	v8 =	vbroadcast v8, $0x0;
	vm3 =	vmneg @p1 vm3;
	p1 =	slt.s32 s29, $0x10;
	s22 =	sadd.s32 s30, s22;
	[tilespmem:s26+$0x8600] =	vst.msk vm2, v9;
	v9 =	vmov s1;
	s1 =	sadd.s32 $0x1, s31  }
.Ltmp6:
0x17d: {  	s29 =	simm.s32 @!p1 $0x10;
	s30 =	smov.u32 s22;
	[tilespmem:s26+$0x8880] =	vst.msk vm2, v9;
	vm2 =	vmand vm3, vm1;
	(pc) =	sbr.rel @p0 .LBB2_11-.Ltmp6, $3  }
0x17e: {  	s4 =	sadd.s32 $0x1, s4;
	[tilespmem:s29+$0x7D80] =	vst.msk vm2, v8  }
0x17f: {  	v8 =	vld [tilespmem:s4+$0x0];
	_ =	sdelay $0x1  }
0x180: {  	s18 =	sadd.s32 $0xFFFFFFFF, s18;
	s26 =	smov.u32 s1;
	s29 =	smov.u32 s30  }
.LBB2_12:
0x181: {  	_ =	sdelay $0x1  }
0x182: {  	(v2sf) =	vpush v8, $0x0;
	_ =	sdelay $0xe  }
0x183: {  	s4 =	spop (v2sf)  }
0x184: {  	v9 =	vld.idx.msk [tilespmem:v6+s4+$0x2880 ss:$0x1], $0xffff;
	_ =	sdelay $0x3  }
0x185: {  	v10 =	vld.idx.msk [tilespmem:v6+s4+$0x5100 ss:$0x1], $0xffff  }
0x186: {  	(v2sf) =	vpush v9, $0x0;
	_ =	sdelay $0x3  }
0x187: {  	(v2sf) =	vpush v10, $0x0;
	_ =	sdelay $0xa  }
0x188: {  	s4 =	sadd.s32 s8, s4;
	s18 =	spop (v2sf)  }
0x189: {  	v62 =	vld.msk [tilespmem:s4+$0x0 ss:$0x0], $0xffff;
	p0 =	sge.f32 s18, s21  }
0x18a: {  	p2 =	slt.s32 s1, $0x200  }
0x18b: {  	vm2 =	vmmov vm0;
	s4 =	sshll.u32 s4, $0x7;
	s18 =	simm.s32 $0x1;
	p1 =	por !p0, !p0  }
.Ltmp7:
0x18c: {  	s31 =	spop (v2sf);
	s18 =	simm.s32 @!p0 $0x0;
	vm2 =	vmneg @p1 vm2;
	(pc) =	sbr.rel .LBB2_13-.Ltmp7, $4  }
0x18d: {  	vm3 =	vmmov vm0;
	s4 =	sadd.s32 s4, s31;
	s26 =	ssub.s32 s1, s18;
	s1 =	simm.s32 @!p2 $0x200;
	vm2 =	vmand vm2, vm1  }
0x18e: {  	v8 =	vbroadcast v8, $0x0;
	v63 =	vmov s4;
	vm3 =	vmneg @p0 vm3;
	p0 =	slt.s32 s30, $0x10;
	[tilespmem:s1+$0x8600] =	vst.msk vm2, v62  }
0x18f: {  	s30 =	simm.s32 @!p0 $0x10;
	[tilespmem:s1+$0x8880] =	vst.msk vm2, v63;
	vm2 =	vmand vm3, vm1  }
0x190: {  	s21 =	sadd.s32 $0x1, s26;
	s1 =	sadd.s32 s18, s22;
	[tilespmem:s30+$0x7D80] =	vst.msk vm2, v8  }
.LBB2_9:
0x191: {  	s21 =	simm.s32 $0x0;
	s1 =	simm.s32 $0x0  }
.LBB2_13:
0x192: {  	s4 =	simm.s32 $0x7D80;
	s2 =	rddreg [dreg:$0x8];
	p0 =	slt.s32 s1, $0x1  }
.Ltmp8:
0x193: {  	s5 =	simm.s32 $0x10;
	s6 =	simm.s32 $0x7E00;
	(pc) =	sbr.rel @p0 .LBB2_19-.Ltmp8, $4  }
0x194: {  	[tilespmem:s6], [sflag:$0x1] =	stream.indirect.gather [hbm4b:s2+s5], $0x80, s4, s5, $0xb8;
	[tilespmem:$0x9480] =	vst v63  }
0x195: {  	_ =	swait.ge [sflag:s20], $0x800  }
0x196: {  	[sflag:s20] =	ssyncset.done $0x0  }
0x197: {  	[sflag:s20] =	ssyncadd.s32 $0xFFFFF800  }
0x198: {  	s22 =	simm.s32 $0x7E40  }
0x199: {  	v8 =	vld [tilespmem:s22+$0xFFFFFFC0]  }
0x19a: {  	p0 =	slt.s32 s1, $0x10  }
0x19b: {  	v9 =	vld [tilespmem:s4+$0x0];
	s1 =	simm.s32 @!p0 $0x10  }
0x19c: {  	p1 =	sne.s32 s1, $0x1  }
.Ltmp9:
0x19d: {  	_ = 	snop;
	(pc) =	sbr.rel @!p1 .LBB2_15-.Ltmp9, $4  }
0x19e: {  	vm2 =	vge.f32 v8, v7  }
0x19f: {  	v10 =	vmpcnt.ones.xlane vm2  }
0x1a0: {  	(v2sf) =	vpush v9, $0x0  }
0x1a1: {  	p0 =	por $0x0, $0x0;
	s4 =	sadd.s32 $0xFFFFFFFF, s1;
	(v2sf) =	vpush v10, $0x0  }
0x1a2: {  	_ =	sdelay $0xc  }
0x1a3: {  	s1 =	rddreg [dreg:$0x7];
	s18 =	spop (v2sf)  }
0x1a4: {  	p0 =	slt.s32 s21, $0x200;
	s26 =	smov.u32 s21;
	s1 =	sadd.s32 s1, s18  }
0x1a5: {  	s26 =	simm.s32 @!p0 $0x200;
	s18 =	sshll.u32 s1, $0x7  }
0x1a6: {  	[tilespmem:s26+$0x8600] =	vst.msk vm2, v8;
	v9 =	vor.u32 s18, v1  }
0x1a7: {  	[tilespmem:s26+$0x8880] =	vst.msk vm2, v9  }
0x1a8: {  	v8 =	vld [tilespmem:s22+$0xFFFFFFD0];
	_ =	sdelay $0x4  }
0x1a9: {  	vm2 =	vge.f32 v8, v7  }
0x1aa: {  	v9 =	vmpcnt.ones.xlane vm2;
	_ =	sdelay $0x1  }
0x1ab: {  	(v2sf) =	vpush v9, $0x0  }
0x1ac: {  	s31 =	spop (v2sf)  }
0x1ad: {  	s1 =	sadd.s32 s21, s31  }
0x1ae: {  	p0 =	slt.s32 s1, $0x200;
	s26 =	smov.u32 s1  }
0x1af: {  	s29 =	sor.u32 $0x10, s18;
	s26 =	simm.s32 @!p0 $0x200  }
0x1b0: {  	[tilespmem:s26+$0x8600] =	vst.msk vm2, v8;
	v9 =	vor.u32 s29, v1  }
0x1b1: {  	[tilespmem:s26+$0x8880] =	vst.msk vm2, v9  }
0x1b2: {  	v8 =	vld [tilespmem:s22+$0xFFFFFFE0];
	_ =	sdelay $0x4  }
0x1b3: {  	vm2 =	vge.f32 v8, v7  }
0x1b4: {  	v9 =	vmpcnt.ones.xlane vm2;
	_ =	sdelay $0x1  }
0x1b5: {  	(v2sf) =	vpush v9, $0x0;
	s2 =	spop (v2sf)  }
0x1b6: {  	s1 =	sadd.s32 s1, s2  }
0x1b7: {  	p0 =	slt.s32 s1, $0x200;
	s26 =	smov.u32 s1  }
0x1b8: {  	s29 =	sor.u32 $0x20, s18;
	s26 =	simm.s32 @!p0 $0x200  }
0x1b9: {  	v9 =	vor.u32 s29, v1;
	[tilespmem:s26+$0x8600] =	vst.msk vm2, v8  }
0x1ba: {  	[tilespmem:s26+$0x8880] =	vst.msk vm2, v9  }
0x1bb: {  	v8 =	vld [tilespmem:s22+$0xFFFFFFF0];
	_ =	sdelay $0x4  }
0x1bc: {  	vm2 =	vge.f32 v8, v7  }
0x1bd: {  	v9 =	vmpcnt.ones.xlane vm2;
	_ =	sdelay $0x1  }
0x1be: {  	(v2sf) =	vpush v9, $0x0  }
0x1bf: {  	s5 =	spop (v2sf)  }
0x1c0: {  	s1 =	sadd.s32 s1, s5  }
0x1c1: {  	p0 =	slt.s32 s1, $0x200;
	s26 =	smov.u32 s1  }
0x1c2: {  	s29 =	sor.u32 $0x30, s18;
	s26 =	simm.s32 @!p0 $0x200  }
0x1c3: {  	v9 =	vor.u32 s29, v1;
	[tilespmem:s26+$0x8600] =	vst.msk vm2, v8  }
0x1c4: {  	[tilespmem:s26+$0x8880] =	vst.msk vm2, v9  }
0x1c5: {  	v8 =	vld [tilespmem:s22+$0x0];
	_ =	sdelay $0x4  }
0x1c6: {  	vm2 =	vge.f32 v8, v7  }
0x1c7: {  	v9 =	vmpcnt.ones.xlane vm2;
	_ =	sdelay $0x1  }
0x1c8: {  	(v2sf) =	vpush v9, $0x0;
	s6 =	spop (v2sf)  }
0x1c9: {  	s1 =	sadd.s32 s1, s6  }
0x1ca: {  	p0 =	slt.s32 s1, $0x200;
	s26 =	smov.u32 s1  }
0x1cb: {  	s29 =	sor.u32 $0x40, s18;
	s26 =	simm.s32 @!p0 $0x200  }
0x1cc: {  	v9 =	vor.u32 s29, v1;
	[tilespmem:s26+$0x8600] =	vst.msk vm2, v8  }
0x1cd: {  	[tilespmem:s26+$0x8880] =	vst.msk vm2, v9  }
0x1ce: {  	v8 =	vld [tilespmem:s22+$0x10];
	_ =	sdelay $0x4  }
0x1cf: {  	vm2 =	vge.f32 v8, v7  }
0x1d0: {  	v9 =	vmpcnt.ones.xlane vm2;
	_ =	sdelay $0x1  }
0x1d1: {  	(v2sf) =	vpush v9, $0x0  }
0x1d2: {  	s25 =	spop (v2sf)  }
0x1d3: {  	s1 =	sadd.s32 s1, s25  }
0x1d4: {  	p0 =	slt.s32 s1, $0x200;
	s26 =	smov.u32 s1  }
0x1d5: {  	s29 =	sor.u32 $0x50, s18;
	s26 =	simm.s32 @!p0 $0x200  }
0x1d6: {  	v9 =	vor.u32 s29, v1;
	[tilespmem:s26+$0x8600] =	vst.msk vm2, v8  }
0x1d7: {  	[tilespmem:s26+$0x8880] =	vst.msk vm2, v9  }
0x1d8: {  	v8 =	vld [tilespmem:s22+$0x20];
	_ =	sdelay $0x4  }
0x1d9: {  	vm2 =	vge.f32 v8, v7  }
0x1da: {  	v9 =	vmpcnt.ones.xlane vm2;
	_ =	sdelay $0x1  }
0x1db: {  	(v2sf) =	vpush v9, $0x0;
	s30 =	spop (v2sf)  }
0x1dc: {  	s1 =	sadd.s32 s1, s30  }
0x1dd: {  	p0 =	slt.s32 s1, $0x200;
	s26 =	smov.u32 s1  }
0x1de: {  	s29 =	sor.u32 $0x60, s18;
	s26 =	simm.s32 @!p0 $0x200  }
0x1df: {  	v9 =	vor.u32 s29, v1;
	[tilespmem:s26+$0x8600] =	vst.msk vm2, v8  }
0x1e0: {  	[tilespmem:s26+$0x8880] =	vst.msk vm2, v9  }
0x1e1: {  	v8 =	vld [tilespmem:s22+$0x30];
	_ =	sdelay $0x4  }
0x1e2: {  	vm2 =	vge.f32 v8, v7  }
0x1e3: {  	v9 =	vmpcnt.ones.xlane vm2;
	_ =	sdelay $0x1  }
0x1e4: {  	(v2sf) =	vpush v9, $0x0  }
0x1e5: {  	s31 =	spop (v2sf)  }
0x1e6: {  	s1 =	sadd.s32 s1, s31  }
0x1e7: {  	p0 =	slt.s32 s1, $0x200;
	s22 =	smov.u32 s1  }
0x1e8: {  	s18 =	sor.u32 $0x70, s18;
	s22 =	simm.s32 @!p0 $0x200  }
0x1e9: {  	v9 =	vor.u32 s18, v1;
	[tilespmem:s22+$0x8600] =	vst.msk vm2, v8  }
0x1ea: {  	[tilespmem:s22+$0x8880] =	vst.msk vm2, v9;
	s22 =	simm.s32 $0x7EC0  }
0x1eb: {  	s26 =	simm.s32 $0x7D81;
	v8 =	vld [tilespmem:s22+$0xFFFFFFC0]  }
0x1ec: {  	v9 =	vld [tilespmem:s26+$0x0];
	_ =	sdelay $0x1  }
0x1ed: {  	p1 =	sne.s32 s4, $0x1  }
.Ltmp10:
0x1ee: {  	_ = 	snop;
	(pc) =	sbr.rel @!p1 .LBB2_18-.Ltmp10, $3  }
0x1ef: {  	vm2 =	vge.f32 v8, v7  }
0x1f0: {  	(v2sf) =	vpush v9, $0x0;
	v10 =	vmpcnt.ones.xlane vm2;
	_ =	sdelay $0x1  }
0x1f1: {  	s29 =	sadd.s32 $0xFFFFFFFF, s4;
	p0 =	por $0x1, $0x1;
	(v2sf) =	vpush v10, $0x0;
	s4 =	spop (v2sf)  }
.LBB2_17:
0x1f2: {  	_ =	sdelay $0xb  }
0x1f3: {  	s2 =	sadd.s32 s1, s4;
	s4 =	rddreg [dreg:$0x7];
	s5 =	spop (v2sf)  }
0x1f4: {  	p2 =	slt.s32 s2, $0x200;
	s1 =	sadd.s32 s4, s5;
	s4 =	smov.u32 s2  }
0x1f5: {  	s30 =	sshll.u32 s1, $0x7;
	s4 =	simm.s32 @!p2 $0x200  }
0x1f6: {  	v9 =	vor.u32 s30, v1;
	[tilespmem:s4+$0x8600] =	vst.msk vm2, v8  }
0x1f7: {  	[tilespmem:s4+$0x8880] =	vst.msk vm2, v9  }
0x1f8: {  	v8 =	vld [tilespmem:s22+$0xFFFFFFD0];
	_ =	sdelay $0x1  }
0x1f9: {  	s6 =	spop (v2sf)  }
0x1fa: {  	s2 =	sadd.s32 s2, s6  }
0x1fb: {  	p2 =	slt.s32 s2, $0x200;
	s6 =	smov.u32 s2  }
0x1fc: {  	s5 =	sor.u32 $0x10, s30;
	s6 =	simm.s32 @!p2 $0x200;
	vm2 =	vge.f32 v8, v7  }
0x1fd: {  	v9 =	vor.u32 s5, v1;
	[tilespmem:s6+$0x8600] =	vst.msk vm2, v8;
	v8 =	vmpcnt.ones.xlane vm2  }
0x1fe: {  	[tilespmem:s6+$0x8880] =	vst.msk vm2, v9  }
0x1ff: {  	v9 =	vld [tilespmem:s22+$0xFFFFFFE0];
	(v2sf) =	vpush v8, $0x0;
	_ =	sdelay $0x4  }
0x200: {  	vm2 =	vge.f32 v9, v7  }
0x201: {  	v8 =	vmpcnt.ones.xlane vm2;
	_ =	sdelay $0x1  }
0x202: {  	(v2sf) =	vpush v8, $0x0;
	_ =	sdelay $0x6  }
0x203: {  	s6 =	spop (v2sf)  }
0x204: {  	s2 =	sadd.s32 s2, s6  }
0x205: {  	p2 =	slt.s32 s2, $0x200;
	s5 =	smov.u32 s2  }
0x206: {  	s25 =	sor.u32 $0x20, s30;
	s5 =	simm.s32 @!p2 $0x200  }
0x207: {  	v8 =	vor.u32 s25, v1;
	[tilespmem:s5+$0x8600] =	vst.msk vm2, v9  }
0x208: {  	[tilespmem:s5+$0x8880] =	vst.msk vm2, v8  }
0x209: {  	v8 =	vld [tilespmem:s22+$0xFFFFFFF0];
	_ =	sdelay $0x1  }
0x20a: {  	s25 =	spop (v2sf)  }
0x20b: {  	s2 =	sadd.s32 s2, s25  }
0x20c: {  	p2 =	slt.s32 s2, $0x200;
	s5 =	smov.u32 s2  }
0x20d: {  	s1 =	sor.u32 $0x30, s30;
	vm2 =	vge.f32 v8, v7;
	s5 =	simm.s32 @!p2 $0x200  }
0x20e: {  	v9 =	vor.u32 s1, v1;
	[tilespmem:s5+$0x8600] =	vst.msk vm2, v8;
	v8 =	vmpcnt.ones.xlane vm2  }
0x20f: {  	[tilespmem:s5+$0x8880] =	vst.msk vm2, v9  }
0x210: {  	v9 =	vld [tilespmem:s22+$0x0];
	(v2sf) =	vpush v8, $0x0;
	_ =	sdelay $0x4  }
0x211: {  	vm2 =	vge.f32 v9, v7  }
0x212: {  	v8 =	vmpcnt.ones.xlane vm2;
	_ =	sdelay $0x1  }
0x213: {  	(v2sf) =	vpush v8, $0x0;
	_ =	sdelay $0x6  }
0x214: {  	s6 =	spop (v2sf)  }
0x215: {  	s1 =	sadd.s32 s2, s6  }
0x216: {  	p2 =	slt.s32 s1, $0x200;
	s2 =	smov.u32 s1  }
0x217: {  	s18 =	sor.u32 $0x40, s30;
	s2 =	simm.s32 @!p2 $0x200  }
0x218: {  	v8 =	vor.u32 s18, v1;
	[tilespmem:s2+$0x8600] =	vst.msk vm2, v9  }
0x219: {  	[tilespmem:s2+$0x8880] =	vst.msk vm2, v8  }
0x21a: {  	v8 =	vld [tilespmem:s22+$0x10];
	_ =	sdelay $0x1  }
0x21b: {  	s18 =	spop (v2sf)  }
0x21c: {  	s1 =	sadd.s32 s1, s18  }
0x21d: {  	p2 =	slt.s32 s1, $0x200;
	s2 =	smov.u32 s1  }
0x21e: {  	s4 =	sor.u32 $0x50, s30;
	vm2 =	vge.f32 v8, v7;
	s2 =	simm.s32 @!p2 $0x200  }
0x21f: {  	v9 =	vor.u32 s4, v1;
	[tilespmem:s2+$0x8600] =	vst.msk vm2, v8;
	v8 =	vmpcnt.ones.xlane vm2  }
0x220: {  	[tilespmem:s2+$0x8880] =	vst.msk vm2, v9  }
0x221: {  	v9 =	vld [tilespmem:s22+$0x20];
	(v2sf) =	vpush v8, $0x0;
	_ =	sdelay $0x4  }
0x222: {  	vm2 =	vge.f32 v9, v7  }
0x223: {  	v8 =	vmpcnt.ones.xlane vm2;
	_ =	sdelay $0x1  }
0x224: {  	(v2sf) =	vpush v8, $0x0;
	_ =	sdelay $0x6  }
0x225: {  	s25 =	spop (v2sf)  }
0x226: {  	s1 =	sadd.s32 s1, s25  }
0x227: {  	p2 =	slt.s32 s1, $0x200;
	s2 =	smov.u32 s1  }
0x228: {  	s31 =	sor.u32 $0x60, s30;
	s2 =	simm.s32 @!p2 $0x200  }
0x229: {  	v8 =	vor.u32 s31, v1;
	[tilespmem:s2+$0x8600] =	vst.msk vm2, v9  }
0x22a: {  	[tilespmem:s2+$0x8880] =	vst.msk vm2, v8  }
0x22b: {  	v8 =	vld [tilespmem:s22+$0x30];
	_ =	sdelay $0x1  }
0x22c: {  	s31 =	spop (v2sf)  }
0x22d: {  	s1 =	sadd.s32 s1, s31  }
0x22e: {  	p2 =	slt.s32 s1, $0x200;
	s2 =	smov.u32 s1  }
0x22f: {  	vm2 =	vge.f32 v8, v7;
	s2 =	simm.s32 @!p2 $0x200  }
0x230: {  	[tilespmem:s2+$0x8600] =	vst.msk vm2, v8;
	v8 =	vmpcnt.ones.xlane vm2;
	_ =	sdelay $0x1  }
0x231: {  	(v2sf) =	vpush v8, $0x0;
	_ =	sdelay $0x3  }
0x232: {  	s30 =	sor.u32 $0x70, s30  }
0x233: {  	v9 =	vor.u32 s30, v1  }
0x234: {  	s22 =	sadd.s32 $0x80, s22;
	[tilespmem:s2+$0x8880] =	vst.msk vm2, v9  }
0x235: {  	s26 =	sadd.s32 $0x1, s26;
	v8 =	vld [tilespmem:s22+$0xFFFFFFC0]  }
0x236: {  	v9 =	vld [tilespmem:s26+$0x0];
	_ =	sdelay $0x1  }
0x237: {  	p1 =	sne.s32 s29, $0x1  }
.Ltmp11:
0x238: {  	_ = 	snop;
	(pc) =	sbr.rel @p1 .LBB2_17-.Ltmp11, $3  }
0x239: {  	vm2 =	vge.f32 v8, v7  }
0x23a: {  	(v2sf) =	vpush v9, $0x0;
	v9 =	vmpcnt.ones.xlane vm2;
	_ =	sdelay $0x1  }
0x23b: {  	s29 =	sadd.s32 $0xFFFFFFFF, s29;
	(v2sf) =	vpush v9, $0x0;
	s4 =	spop (v2sf)  }
.LBB2_18:
0x23c: {  	_ =	sdelay $0xa  }
0x23d: {  	s1 =	sadd.s32 @p0 s1, s4  }
0x23e: {  	s2 =	rddreg [dreg:$0x7];
	s21 =	smov.u32 @p0 s1;
	s18 =	spop (v2sf)  }
0x23f: {  	p0 =	slt.s32 s21, $0x200;
	s1 =	sadd.s32 s2, s18;
	s2 =	smov.u32 s21  }
0x240: {  	s4 =	sshll.u32 s1, $0x7;
	s2 =	simm.s32 @!p0 $0x200  }
0x241: {  	v9 =	vor.u32 s4, v1;
	[tilespmem:s2+$0x8600] =	vst.msk vm2, v8  }
0x242: {  	[tilespmem:s2+$0x8880] =	vst.msk vm2, v9  }
0x243: {  	v8 =	vld [tilespmem:s22+$0xFFFFFFD0];
	_ =	sdelay $0x4  }
0x244: {  	vm2 =	vge.f32 v8, v7  }
0x245: {  	v54 =	vmpcnt.ones.xlane vm2;
	_ =	sdelay $0x1  }
0x246: {  	(v2sf) =	vpush v54, $0x0;
	_ =	sdelay $0x6  }
0x247: {  	s25 =	spop (v2sf)  }
0x248: {  	s1 =	sadd.s32 s21, s25  }
0x249: {  	p0 =	slt.s32 s1, $0x200;
	s2 =	smov.u32 s1  }
0x24a: {  	s5 =	sor.u32 $0x10, s4;
	s2 =	simm.s32 @!p0 $0x200  }
0x24b: {  	v55 =	vor.u32 s5, v1;
	[tilespmem:s2+$0x8600] =	vst.msk vm2, v8  }
0x24c: {  	[tilespmem:s2+$0x8880] =	vst.msk vm2, v55  }
0x24d: {  	v8 =	vld [tilespmem:s22+$0xFFFFFFE0];
	_ =	sdelay $0x1  }
0x24e: {  	s26 =	spop (v2sf)  }
0x24f: {  	s1 =	sadd.s32 s1, s26  }
0x250: {  	p0 =	slt.s32 s1, $0x200;
	s2 =	smov.u32 s1  }
0x251: {  	s29 =	sor.u32 $0x20, s4;
	vm2 =	vge.f32 v8, v7;
	s2 =	simm.s32 @!p0 $0x200  }
0x252: {  	v56 =	vmpcnt.ones.xlane vm2;
	[tilespmem:s2+$0x8600] =	vst.msk vm2, v8;
	v8 =	vor.u32 s29, v1  }
0x253: {  	[tilespmem:s2+$0x8880] =	vst.msk vm2, v8  }
0x254: {  	(v2sf) =	vpush v56, $0x0;
	v8 =	vld [tilespmem:s22+$0xFFFFFFF0];
	_ =	sdelay $0x4  }
0x255: {  	vm2 =	vge.f32 v8, v7  }
0x256: {  	v57 =	vmpcnt.ones.xlane vm2;
	_ =	sdelay $0x1  }
0x257: {  	(v2sf) =	vpush v57, $0x0;
	_ =	sdelay $0x6  }
0x258: {  	s30 =	spop (v2sf)  }
0x259: {  	s1 =	sadd.s32 s1, s30  }
0x25a: {  	p0 =	slt.s32 s1, $0x200;
	s2 =	smov.u32 s1  }
0x25b: {  	s31 =	sor.u32 $0x30, s4;
	s2 =	simm.s32 @!p0 $0x200  }
0x25c: {  	v58 =	vor.u32 s31, v1;
	[tilespmem:s2+$0x8600] =	vst.msk vm2, v8  }
0x25d: {  	[tilespmem:s2+$0x8880] =	vst.msk vm2, v58  }
0x25e: {  	v8 =	vld [tilespmem:s22+$0x0];
	_ =	sdelay $0x1  }
0x25f: {  	s6 =	spop (v2sf)  }
0x260: {  	s1 =	sadd.s32 s1, s6  }
0x261: {  	p0 =	slt.s32 s1, $0x200;
	s2 =	smov.u32 s1  }
0x262: {  	s18 =	sor.u32 $0x40, s4;
	vm2 =	vge.f32 v8, v7;
	s2 =	simm.s32 @!p0 $0x200  }
0x263: {  	v59 =	vmpcnt.ones.xlane vm2;
	[tilespmem:s2+$0x8600] =	vst.msk vm2, v8;
	v8 =	vor.u32 s18, v1  }
0x264: {  	[tilespmem:s2+$0x8880] =	vst.msk vm2, v8  }
0x265: {  	(v2sf) =	vpush v59, $0x0;
	v8 =	vld [tilespmem:s22+$0x10];
	_ =	sdelay $0x4  }
0x266: {  	vm2 =	vge.f32 v8, v7  }
0x267: {  	v60 =	vmpcnt.ones.xlane vm2;
	_ =	sdelay $0x1  }
0x268: {  	(v2sf) =	vpush v60, $0x0;
	_ =	sdelay $0x6  }
0x269: {  	s21 =	spop (v2sf)  }
0x26a: {  	s1 =	sadd.s32 s1, s21  }
0x26b: {  	p0 =	slt.s32 s1, $0x200;
	s2 =	smov.u32 s1  }
0x26c: {  	s25 =	sor.u32 $0x50, s4;
	s2 =	simm.s32 @!p0 $0x200  }
0x26d: {  	v61 =	vor.u32 s25, v1;
	[tilespmem:s2+$0x8600] =	vst.msk vm2, v8  }
0x26e: {  	[tilespmem:s2+$0x8880] =	vst.msk vm2, v61  }
0x26f: {  	v8 =	vld [tilespmem:s22+$0x20];
	_ =	sdelay $0x1  }
0x270: {  	s26 =	spop (v2sf)  }
0x271: {  	s1 =	sadd.s32 s1, s26  }
0x272: {  	p0 =	slt.s32 s1, $0x200;
	s2 =	smov.u32 s1  }
0x273: {  	s29 =	sor.u32 $0x60, s4;
	vm2 =	vge.f32 v8, v7;
	s2 =	simm.s32 @!p0 $0x200  }
0x274: {  	v62 =	vor.u32 s29, v1;
	[tilespmem:s2+$0x8600] =	vst.msk vm2, v8  }
0x275: {  	[tilespmem:s2+$0x8880] =	vst.msk vm2, v62  }
0x276: {  	v8 =	vld [tilespmem:s22+$0x30];
	_ =	sdelay $0x1  }
0x277: {  	v63 =	vmpcnt.ones.xlane vm2;
	_ =	sdelay $0x1  }
0x278: {  	(v2sf) =	vpush v63, $0x0  }
0x279: {  	vm2 =	vge.f32 v8, v7  }
0x27a: {  	v7 =	vmpcnt.ones.xlane vm2;
	_ =	sdelay $0x1  }
0x27b: {  	(v2sf) =	vpush v7, $0x0;
	_ =	sdelay $0xa  }
0x27c: {  	s30 =	spop (v2sf)  }
0x27d: {  	s1 =	sadd.s32 s1, s30  }
0x27e: {  	p0 =	slt.s32 s1, $0x200;
	s2 =	smov.u32 s1  }
0x27f: {  	s4 =	sor.u32 $0x70, s4;
	s2 =	simm.s32 @!p0 $0x200  }
0x280: {  	[tilespmem:s2+$0x8600] =	vst.msk vm2, v8;
	v7 =	vor.u32 s4, v1;
	s31 =	spop (v2sf)  }
0x281: {  	[tilespmem:s2+$0x8880] =	vst.msk vm2, v7;
	s21 =	sadd.s32 s1, s31  }
.LBB2_19:
0x282: {  	p0 =	slt.s32 s21, $0x1  }
.Ltmp12:
0x283: {  	_ = 	snop;
	(pc) =	sbr.rel @p0 .LBB2_25-.Ltmp12, $1  }
0x284: {  	_ =	sdelay $0x3  }
0x285: {  	p0 =	slt.s32 s21, $0x200  }
0x286: {  	s21 =	simm.s32 @!p0 $0x200  }
0x287: {  	s1 =	sadd.s32 $0xF, s21  }
0x288: {  	s2 =	sshra.s32 s1, $0x1F  }
0x289: {  	s2 =	sshrl.u32 s2, $0x1C  }
0x28a: {  	s1 =	sadd.s32 s2, s1  }
0x28b: {  	s1 =	sshra.s32 s1, $0x4  }
0x28c: {  	p0 =	sgt.s32 s1, $0x1;
	s4 =	smov.u32 s1  }
0x28d: {  	s4 =	simm.s32 @!p0 $0x1  }
0x28e: {  	p0 =	seq.s32 s4, $0x1  }
.Ltmp13:
0x28f: {  	_ = 	snop;
	(pc) =	sbr.rel @p0 .LBB2_22-.Ltmp13, $3  }
0x290: {  	_ =	sdelay $0x1  }
0x291: {  	s18 =	simm.s32 $0x8B00  }
0x292: {  	[tilespmem:s18+$0x0] =	vst v4;
	s22 =	sadd.s32 $0xFFFFFFFF, s4  }
.LBB2_21:
0x293: {  	p0 =	seq.s32 s22, $0x1  }
.Ltmp14:
0x294: {  	_ = 	snop;
	(pc) =	sbr.rel @!p0 .LBB2_21-.Ltmp14, $3  }
0x295: {  	_ =	sdelay $0x1  }
0x296: {  	s22 =	sadd.s32 $0xFFFFFFFF, s22;
	s18 =	sadd.s32 $0x10, s18  }
0x297: {  	[tilespmem:s18+$0x0] =	vst v4  }
.LBB2_22:
0x298: {  	s1 =	sadd.s32 $0x1, s1  }
0x299: {  	s18 =	sshrl.u32 s1, $0x1  }
0x29a: {  	p0 =	seq.s32 s18, $0x0  }
.Ltmp15:
0x29b: {  	_ = 	snop;
	(pc) =	sbr.rel @p0 .LBB2_23-.Ltmp15, $2  }
0x29c: {  	_ =	sdelay $0x2  }
0x29d: {  	s22 =	simm.s32 $0x0  }
.LBB2_31:
0x29e: {  	v7 =	vld.msk [tilespmem:s22+$0x8600 ss:$0x0], $0xffff  }
0x29f: {  	v8 =	vld.msk [tilespmem:s22+$0x8880 ss:$0x0], $0xffff;
	s26 =	simm.s32 $0x8610  }
0x2a0: {  	s30 =	simm.s32 $0x8890;
	v9 =	vld [tilespmem:s26+$0xFFFFFFF0]  }
0x2a1: {  	v10 =	vld [tilespmem:s30+$0xFFFFFFF0];
	_ =	sdelay $0x2  }
0x2a2: {  	s29 =	simm.s32 $0x8B10  }
0x2a3: {  	v11 =	vld [tilespmem:s29+$0xFFFFFFF0]  }
0x2a4: {  	vm2 =	veq.f32 v7, v9;
	vm3 =	vlt.s32 v8, v10  }
0x2a5: {  	vm4 =	vgt.f32 v7, v9;
	vm2 =	vmand vm2, vm3  }
0x2a6: {  	vm2 =	vmor vm4, vm2  }
0x2a7: {  	v9 =	vsel vm2, $0x1, v4  }
0x2a8: {  	v9 =	vadd.s32 v9, v11  }
0x2a9: {  	[tilespmem:s29+$0xFFFFFFF0] =	vst v9  }
0x2aa: {  	v9 =	vld [tilespmem:s26+$0x0]  }
0x2ab: {  	v10 =	vld [tilespmem:s30+$0x0];
	_ =	sdelay $0x2  }
0x2ac: {  	p0 =	sne.s32 s18, $0x1  }
.Ltmp16:
0x2ad: {  	vm2 =	veq.f32 v7, v9;
	vm15 =	vgt.f32 v7, v9;
	v9 =	vld [tilespmem:s29+$0x0];
	(pc) =	sbr.rel @!p0 .LBB2_33-.Ltmp16, $4  }
0x2ae: {  	vm3 =	vlt.s32 v8, v10  }
0x2af: {  	vm2 =	vmand vm2, vm3  }
0x2b0: {  	vm2 =	vmor vm15, vm2  }
0x2b1: {  	s1 =	sadd.s32 $0xFFFFFFFF, s18;
	s31 =	simm.s32 $0x8B10;
	v10 =	vsel vm2, $0x1, v4  }
.LBB2_32:
0x2b2: {  	v9 =	vadd.s32 v10, v9;
	s31 =	sadd.s32 $0x20, s31;
	s30 =	sadd.s32 $0x20, s30;
	s26 =	sadd.s32 $0x20, s26  }
0x2b3: {  	p0 =	sne.s32 s1, $0x1;
	s1 =	sadd.s32 $0xFFFFFFFF, s1;
	[tilespmem:s29+$0x0] =	vst v9;
	s29 =	smov.u32 s31  }
0x2b4: {  	v9 =	vld [tilespmem:s26+$0xFFFFFFF0]  }
0x2b5: {  	v10 =	vld [tilespmem:s30+$0xFFFFFFF0];
	_ =	sdelay $0x3  }
0x2b6: {  	v11 =	vld [tilespmem:s31+$0xFFFFFFF0]  }
0x2b7: {  	vm2 =	veq.f32 v7, v9;
	vm3 =	vlt.s32 v8, v10  }
0x2b8: {  	vm4 =	vgt.f32 v7, v9;
	vm2 =	vmand vm2, vm3  }
0x2b9: {  	vm2 =	vmor vm4, vm2  }
0x2ba: {  	v9 =	vsel vm2, $0x1, v4  }
0x2bb: {  	v9 =	vadd.s32 v9, v11  }
0x2bc: {  	[tilespmem:s31+$0xFFFFFFF0] =	vst v9  }
0x2bd: {  	v10 =	vld [tilespmem:s26+$0x0]  }
0x2be: {  	v11 =	vld [tilespmem:s30+$0x0];
	_ =	sdelay $0x2  }
0x2bf: {  	v9 =	vld [tilespmem:s31+$0x0]  }
.Ltmp17:
0x2c0: {  	vm2 =	veq.f32 v7, v10;
	(pc) =	sbr.rel @p0 .LBB2_32-.Ltmp17, $4  }
0x2c1: {  	vm3 =	vgt.f32 v7, v10;
	vm4 =	vlt.s32 v8, v11  }
0x2c2: {  	vm2 =	vmand vm2, vm4  }
0x2c3: {  	vm2 =	vmor vm3, vm2  }
0x2c4: {  	v10 =	vsel vm2, $0x1, v4  }
.LBB2_33:
0x2c5: {  	s22 =	sadd.s32 $0x1, s22  }
0x2c6: {  	p0 =	seq.s32 s22, s21  }
.Ltmp18:
0x2c7: {  	_ = 	snop;
	(pc) =	sbr.rel @!p0 .LBB2_31-.Ltmp18, $3  }
0x2c8: {  	_ =	sdelay $0x1  }
0x2c9: {  	v7 =	vadd.s32 v10, v9  }
0x2ca: {  	[tilespmem:s29+$0x0] =	vst v7  }
.LBB2_23:
0x2cb: {  	s31 =	simm.s32 $0x8B00  }
0x2cc: {  	v8 =	vld [tilespmem:s31+$0x0];
	_ =	sdelay $0x2  }
0x2cd: {  	s22 =	simm.s32 $0x0  }
0x2ce: {  	v7 =	vmov s21;
	v9 =	vor.u32 s22, v1  }
0x2cf: {  	vm3 =	vlt.s32 v9, v7;
	vm2 =	vlt.s32 v8, $0x64  }
0x2d0: {  	s1 =	sshll.u32 s4, $0x4;
	s4 =	simm.s32 $0x8600;
	vm2 =	vmand vm3, vm2  }
0x2d1: {  	s18 =	simm.s32 $0x8880;
	v63 =	vld [tilespmem:s4+$0x0]  }
0x2d2: {  	v10 =	vld [tilespmem:s18+$0x0];
	p0 =	sne.s32 s1, $0x10  }
.Ltmp19:
0x2d3: {  	_ = 	snop;
	(pc) =	sbr.rel @!p0 .LBB2_25-.Ltmp19, $3  }
0x2d4: {  	_ =	sdelay $0x1  }
0x2d5: {  	[tilespmem:v8+s23+$0x0] =	vst.idx.msk vm2, v63  }
0x2d6: {  	s21 =	simm.s32 $0x10;
	s22 =	simm.s32 $0x8B10;
	[tilespmem:v8+s24+$0x0] =	vst.idx.msk vm2, v10  }
.LBB2_24:
0x2d7: {  	v8 =	vld [tilespmem:s22+$0x0];
	s2 =	smov.u32 s21  }
0x2d8: {  	s21 =	sadd.s32 $0x10, s21  }
0x2d9: {  	p0 =	sne.s32 s1, s21;
	_ =	sdelay $0x1  }
0x2da: {  	v9 =	vor.u32 s2, v1  }
0x2db: {  	vm3 =	vlt.s32 v9, v7;
	vm2 =	vlt.s32 v8, $0x64  }
0x2dc: {  	s4 =	sadd.s32 $0x10, s4;
	vm2 =	vmand vm3, vm2  }
0x2dd: {  	s18 =	sadd.s32 $0x10, s18;
	v9 =	vld [tilespmem:s4+$0x0]  }
0x2de: {  	v10 =	vld [tilespmem:s18+$0x0]  }
.Ltmp20:
0x2df: {  	(pc) =	sbr.rel @p0 .LBB2_24-.Ltmp20, $3  }
0x2e0: {  	_ =	sdelay $0x1  }
0x2e1: {  	[tilespmem:v8+s23+$0x0] =	vst.idx.msk vm2, v9  }
0x2e2: {  	s22 =	sadd.s32 $0x10, s22;
	[tilespmem:v8+s24+$0x0] =	vst.idx.msk vm2, v10  }
.LBB2_25:
0x2e3: {  	s1 =	simm.s32 $0x8E00  }
0x2e4: {  	v7 =	vld [tilespmem:s1+$0x0];
	_ =	sdelay $0x4  }
0x2e5: {  	v8 =	vshra.s32 v7, $0x1F  }
0x2e6: {  	v8 =	vshrl.u32 v8, $0x12  }
0x2e7: {  	s31 =	simm.s32 $0x0;
	v8 =	vadd.s32 v8, v7  }
0x2e8: {  	v9 =	vmov s31;
	v8 =	vand.u32 $0xFFFFC000, v8  }
0x2e9: {  	vm2 =	vlt.u32 v9, v5;
	v7 =	vsub.s32 v7, v8  }
0x2ea: {  	v7 =	vnsel vm2, $0x0, v7  }
0x2eb: {  	s4 =	simm.s32 $0x8E80;
	v8 =	vadd.s32 v2, v7  }
0x2ec: {  	s1 =	simm.s32 $0x8F00;
	v7 =	vadd.s32 v3, v7;
	[tilespmem:s4+$0x0] =	vst v8  }
0x2ed: {  	s21 =	simm.s32 $0x8E10;
	[tilespmem:s1+$0x0] =	vst v7  }
0x2ee: {  	v7 =	vld [tilespmem:s21+$0x0]  }
0x2ef: {  	s18 =	simm.s32 $0x10;
	s22 =	simm.s32 $0x20  }
.LBB2_26:
0x2f0: {  	p0 =	sne.s32 s22, $0x70;
	_ =	sdelay $0x2  }
0x2f1: {  	v8 =	vshra.s32 v7, $0x1F  }
0x2f2: {  	v8 =	vshrl.u32 v8, $0x12  }
0x2f3: {  	v8 =	vadd.s32 v8, v7  }
0x2f4: {  	v9 =	vmov s18;
	s18 =	smov.u32 s22;
	v8 =	vand.u32 $0xFFFFC000, v8  }
0x2f5: {  	vm2 =	vlt.u32 v9, v5;
	v7 =	vsub.s32 v7, v8  }
0x2f6: {  	v7 =	vnsel vm2, $0x0, v7  }
.Ltmp21:
0x2f7: {  	s4 =	sadd.s32 $0x10, s4;
	v8 =	vadd.s32 v2, v7;
	v7 =	vadd.s32 v3, v7;
	(pc) =	sbr.rel @p0 .LBB2_26-.Ltmp21, $4  }
0x2f8: {  	s1 =	sadd.s32 $0x10, s1;
	[tilespmem:s4+$0x0] =	vst v8  }
0x2f9: {  	s21 =	sadd.s32 $0x10, s21;
	[tilespmem:s1+$0x0] =	vst v7  }
0x2fa: {  	v7 =	vld [tilespmem:s21+$0x0]  }
0x2fb: {  	s22 =	sadd.s32 $0x10, s22  }
0x2fc: {  	_ =	sdelay $0x2  }
0x2fd: {  	v8 =	vshra.s32 v7, $0x1F  }
0x2fe: {  	v8 =	vshrl.u32 v8, $0x12  }
0x2ff: {  	v8 =	vadd.s32 v8, v7  }
0x300: {  	v9 =	vmov s18;
	v8 =	vand.u32 $0xFFFFC000, v8  }
0x301: {  	vm2 =	vlt.u32 v9, v5;
	v7 =	vsub.s32 v7, v8  }
0x302: {  	v7 =	vnsel vm2, $0x0, v7  }
0x303: {  	s2 =	sadd.s32 $0x10, s4;
	v8 =	vadd.s32 v2, v7  }
0x304: {  	s1 =	sadd.s32 $0x10, s1;
	v7 =	vadd.s32 v3, v7;
	[tilespmem:s2+$0x0] =	vst v8  }
0x305: {  	s21 =	rddreg [dreg:$0x1];
	s22 =	simm.s32 $0x8E80;
	s25 =	simm.s32 $0x8F80;
	[tilespmem:s1+$0x0] =	vst v7  }
0x306: {  	[tilespmem:s25], [sflag:$0x1] =	stream.indirect.gather [hbm4b:s21+s15], $0x1, s22, s15, $0xb8;
	[tilespmem:$0x9480] =	vst v63  }
0x307: {  	s26 =	simm.s32 $0x9000  }
0x308: {  	[tilespmem:s26], [sflag:$0x1] =	stream.indirect.gather [hbm4b:s21+s15], $0x1, s28, s15, $0xb8;
	[tilespmem:$0x9480] =	vst v63  }
0x309: {  	s29 =	rddreg [dreg:$0x2];
	s30 =	simm.s32 $0x9080  }
0x30a: {  	[tilespmem:s30], [sflag:$0x1] =	stream.indirect.gather [hbm4b:s29+s15], $0x1, s22, s15, $0xb8;
	[tilespmem:$0x9480] =	vst v63  }
0x30b: {  	s31 =	simm.s32 $0x9100  }
0x30c: {  	[tilespmem:s31], [sflag:$0x1] =	stream.indirect.gather [hbm4b:s29+s15], $0x1, s28, s15, $0xb8;
	[tilespmem:$0x9480] =	vst v63  }
0x30d: {  	_ =	swait.ge [sflag:s20], $0x80  }
0x30e: {  	[sflag:s20] =	ssyncset.done $0x0  }
0x30f: {  	[sflag:s20] =	ssyncadd.s32 $0xFFFFFF80  }
0x310: {  	_ =	swait.ge [sflag:s20], $0x80  }
0x311: {  	[sflag:s20] =	ssyncset.done $0x0  }
0x312: {  	[sflag:s20] =	ssyncadd.s32 $0xFFFFFF80  }
0x313: {  	_ =	swait.ge [sflag:s20], $0x80  }
0x314: {  	[sflag:s20] =	ssyncset.done $0x0  }
0x315: {  	[sflag:s20] =	ssyncadd.s32 $0xFFFFFF80  }
0x316: {  	_ =	swait.ge [sflag:s20], $0x80  }
0x317: {  	[sflag:s20] =	ssyncset.done $0x0  }
0x318: {  	s21 =	simm.s32 $0x0;
	[sflag:s20] =	ssyncadd.s32 $0xFFFFFF80  }
0x319: {  	v9 =	vld [tilespmem:s21+$0x8E00]  }
0x31a: {  	v7 =	vld [tilespmem:s21+$0x8D80]  }
0x31b: {  	s4 =	simm.s32 $0x0;
	s18 =	simm.s32 $0x40;
	v8 =	vld [tilespmem:s21+$0x9080]  }
.LBB2_28:
0x31c: {  	p0 =	sne.s32 s18, $0x1C0;
	v10 =	vor.u32 s4, v1;
	v11 =	vld [tilespmem:s21+$0x9100]  }
0x31d: {  	vm2 =	vlt.u32 v10, $0x64;
	v12 =	vld [tilespmem:s21+$0x9000]  }
0x31e: {  	v9 =	vnsel vm2, $0x0, v9;
	v13 =	vld [tilespmem:s21+$0x8F80]  }
0x31f: {  	v14 =	vshra.s32 v9, $0x1F  }
0x320: {  	v14 =	vshrl.u32 v14, $0x12  }
0x321: {  	v14 =	vadd.s32 v14, v9  }
0x322: {  	v14 =	vshra.s32 v14, $0xE  }
0x323: {  	v15 =	vshll.u32 v14, $0xE  }
0x324: {  	v9 =	vsub.s32 v9, v15  }
0x325: {  	v15 =	vshll.u32 v9, $0x10  }
0x326: {  	v15 =	vshra.s32 v15, $0x1F  }
0x327: {  	v15 =	vand.u32 $0x7F, v15  }
0x328: {  	v15 =	vadd.s32 v15, v9  }
0x329: {  	v16 =	vand.u32 $0xFF80, v15  }
0x32a: {  	v9 =	vsub.s32 v9, v16  }
0x32b: {  	v15 =	vshll.u32 v15, $0x10;
	v9 =	vshll.u32 v9, $0x10  }
0x32c: {  	v15 =	vshra.s32 v15, $0x10;
	v9 =	vshra.s32 v9, $0x10  }
0x32d: {  	v15 =	vshra.s32 v15, $0x7;
	v9 =	vcvt.s32.f32 v9  }
0x32e: {  	v15 =	vcvt.s32.f32 v15  }
0x32f: {  	v10 =	vshll.u32 v10, $0x2;
	v8 =	vmul.f32 v8, v0;
	v9 =	vadd.f32 v9, v13  }
0x330: {  	v11 =	vmul.f32 v11, v0;
	v12 =	vadd.f32 v15, v12;
	v13 =	vor.u32 $0x1, v10  }
0x331: {  	v17 =	vor.u32 $0x3, v10;
	v16 =	vor.u32 $0x2, v10;
	v15 =	vsub.f32 v9, v8  }
0x332: {  	vm2 =	vgt.f32 v7, $9.999999770e-03;
	v14 =	vcvt.s32.f32 v14;
	v18 =	vsub.f32 v12, v11  }
0x333: {  	v7 =	vnsel vm2, $0xBF800000, v7;
	v8 =	vadd.f32 v9, v8;
	v15 =	vmul.f32 $4.000000000e+00, v15  }
0x334: {  	v11 =	vadd.f32 v11, v12;
	v9 =	vnsel vm2, $0xBF800000, v14;
	[tilespmem:s21+$0x9200] =	vst v7;
	v7 =	vmul.f32 $4.000000000e+00, v18  }
0x335: {  	v8 =	vmul.f32 $4.000000000e+00, v8;
	[tilespmem:s21+$0x9180] =	vst v9;
	v9 =	vnsel vm2, $0xC0800000, v15  }
0x336: {  	[tilespmem:v10+s0+$0x0] =	vst.idx.msk $0xffff, v9;
	v7 =	vnsel vm2, $0xC0800000, v7;
	v9 =	vmul.f32 $4.000000000e+00, v11  }
0x337: {  	[tilespmem:v13+s0+$0x0] =	vst.idx.msk $0xffff, v7;
	v7 =	vnsel vm2, $0xC0800000, v8  }
.Ltmp22:
0x338: {  	[tilespmem:v16+s0+$0x0] =	vst.idx.msk $0xffff, v7;
	v7 =	vnsel vm2, $0xC0800000, v9;
	(pc) =	sbr.rel @p0 .LBB2_28-.Ltmp22, $4  }
0x339: {  	s21 =	sshra.s32 s18, $0x2;
	[tilespmem:v17+s0+$0x0] =	vst.idx.msk $0xffff, v7  }
0x33a: {  	v9 =	vld [tilespmem:s21+$0x8E00]  }
0x33b: {  	v7 =	vld [tilespmem:s21+$0x8D80]  }
0x33c: {  	s4 =	sadd.s32 $0x10, s4;
	s18 =	sadd.s32 $0x40, s18;
	v8 =	vld [tilespmem:s21+$0x9080]  }
0x33d: {  	v10 =	vor.u32 s4, v1  }
0x33e: {  	vm2 =	vlt.u32 v10, $0x64  }
0x33f: {  	v9 =	vnsel vm2, $0x0, v9  }
0x340: {  	v11 =	vshra.s32 v9, $0x1F  }
0x341: {  	v11 =	vshrl.u32 v11, $0x12  }
0x342: {  	v11 =	vadd.s32 v11, v9  }
0x343: {  	v11 =	vshra.s32 v11, $0xE  }
0x344: {  	v12 =	vshll.u32 v11, $0xE  }
0x345: {  	v9 =	vsub.s32 v9, v12  }
0x346: {  	v12 =	vshll.u32 v9, $0x10  }
0x347: {  	v12 =	vshra.s32 v12, $0x1F  }
0x348: {  	v12 =	vand.u32 $0x7F, v12  }
0x349: {  	v12 =	vadd.s32 v12, v9  }
0x34a: {  	v13 =	vld [tilespmem:s21+$0x9100];
	v14 =	vand.u32 $0xFF80, v12  }
0x34b: {  	v15 =	vld [tilespmem:s21+$0x8F80];
	v9 =	vsub.s32 v9, v14  }
0x34c: {  	v58 =	vld [tilespmem:s21+$0x9000];
	v12 =	vshll.u32 v12, $0x10;
	v9 =	vshll.u32 v9, $0x10  }
0x34d: {  	v12 =	vshra.s32 v12, $0x10;
	v9 =	vshra.s32 v9, $0x10  }
0x34e: {  	v12 =	vshra.s32 v12, $0x7;
	v9 =	vcvt.s32.f32 v9  }
0x34f: {  	v12 =	vcvt.s32.f32 v12  }
0x350: {  	v10 =	vshll.u32 v10, $0x2;
	v8 =	vmul.f32 v8, v0;
	v9 =	vadd.f32 v9, v15  }
0x351: {  	v59 =	vor.u32 $0x1, v10;
	v13 =	vmul.f32 v13, v0;
	v12 =	vadd.f32 v12, v58  }
0x352: {  	v16 =	vor.u32 $0x2, v10;
	v17 =	vor.u32 $0x3, v10;
	v15 =	vsub.f32 v9, v8  }
0x353: {  	vm2 =	vgt.f32 v7, $9.999999770e-03;
	v11 =	vcvt.s32.f32 v11;
	v18 =	vsub.f32 v12, v13  }
0x354: {  	v7 =	vnsel vm2, $0xBF800000, v7;
	v8 =	vadd.f32 v9, v8;
	v15 =	vmul.f32 $4.000000000e+00, v15  }
0x355: {  	[tilespmem:s21+$0x9200] =	vst v7;
	v60 =	vnsel vm2, $0xBF800000, v11;
	v61 =	vadd.f32 v13, v12;
	v7 =	vmul.f32 $4.000000000e+00, v18  }
0x356: {  	[tilespmem:s21+$0x9180] =	vst v60;
	v8 =	vmul.f32 $4.000000000e+00, v8;
	v62 =	vnsel vm2, $0xC0800000, v15  }
0x357: {  	v63 =	vmul.f32 $4.000000000e+00, v61;
	v7 =	vnsel vm2, $0xC0800000, v7;
	[tilespmem:v10+s0+$0x0] =	vst.idx.msk $0xffff, v62  }
0x358: {  	[tilespmem:v59+s0+$0x0] =	vst.idx.msk $0xffff, v7;
	v7 =	vnsel vm2, $0xC0800000, v8  }
0x359: {  	[tilespmem:v16+s0+$0x0] =	vst.idx.msk $0xffff, v7;
	v7 =	vnsel vm2, $0xC0800000, v63  }
0x35a: {  	s1 =	simm.s32 $0x9180;
	[tilespmem:v17+s0+$0x0] =	vst.idx.msk $0xffff, v7  }
0x35b: {  	[hbm4b:s9+s3] =	stream.linear.scatter [tilespmem:s1], [sflag:$0x2], $0x80, $0x38;
	[tilespmem:$0x9480] =	vst v63  }
0x35c: {  	_ =	swait.ge [sflag:s17], $0x80  }
0x35d: {  	[sflag:s17] =	ssyncset.done $0x0  }
0x35e: {  	s31 =	simm.s32 $0x9200;
	[sflag:s17] =	ssyncadd.s32 $0xFFFFFF80  }
0x35f: {  	[hbm4b:s10+s3] =	stream.linear.scatter [tilespmem:s31], [sflag:$0x2], $0x80, $0x38;
	[tilespmem:$0x9480] =	vst v63  }
0x360: {  	_ =	swait.ge [sflag:s17], $0x80  }
0x361: {  	s19 =	sadd.s32 $0x1, s19;
	[sflag:s17] =	ssyncset.done $0x0  }
0x362: {  	p0 =	sne.s32 s19, s13;
	[sflag:s17] =	ssyncadd.s32 $0xFFFFFF80  }
0x363: {  	[hbm4b:s11+s15] =	stream.strided.scatter [tilespmem:s0], [sflag:$0x2], $0x200, s16, s15, $0x38;
	[tilespmem:$0x9480] =	vst v63  }
.Ltmp23:
0x364: {  	_ = 	snop;
	(pc) =	sbr.rel @p0 .LBB2_2-.Ltmp23, $4  }
.Ltmp24:
0x365: {  	_ = 	snop;
	(pc) =	sbr.rel @!p0 .LBB2_30-.Ltmp24, $4  }
0x366: {  	_ =	swait.ge [sflag:s17], $0x200  }
0x367: {  	[sflag:s17] =	ssyncset.done $0x0  }
0x368: {  	[sflag:s17] =	ssyncadd.s32 $0xFFFFFE00  }
0x369: {  	_ = 	snop  }
.LBB2_15:
.Ltmp25:
0x36a: {  	(pc) =	sbr.rel .LBB2_18-.Ltmp25, $2  }
0x36b: {  	_ =	sdelay $0x2  }
0x36c: {  	_ = 	snop  }
.LBB2_30:
0x36d: {  	_ =	sfence.sel $0x180000  }
0x36e: {  	[bflag:$0x0] =	sbarrier.arrive $0xFFFF  }
0x36f: {  	_ =	strace $0x90000047  }
0x370: {  	s0 =	stileid.u32;
	[bflag:$0x2] =	sbarrier.arrive $0xFFFF  }
0x371: {  	p0 =	sne.s32 s0, $0x0;
	s0 =	rddreg [dreg:$0x6]  }
0x372: {  	s0 =	sadd.s32 @!p0 $0x100000, s0  }
0x373: {  	[sflag:s0] =	ssyncadd.tile.s32 @!p0 $0x1;
	_ =	shalt  }
.Lfunc_end2:
_tile_overlayer_lowered:
.L_overlay_start_2:
0x374: {  	(tag) =	ssettag $0x2  }
0x375: {  	s0 =	rddreg [dreg:$0x0];
	s2 =	stileid.u32  }
0x376: {  	s1 =	rddreg [dreg:$0x1];
	p0 =	sne.s32 s2, $0x0  }
0x377: {  	s3 =	rddreg [dreg:$0x2];
	[bflag:$0x3] =	sbarrier.arrive $0xFFFF;
	s2 =	simm.s32 @!p0 $0x1C02  }
0x378: {  	[timem:s3], [sflag:s2] =	dma.local @!p0 [hbm:s0], s1  }
0x379: {  	s0 =	simm.s32 @!p0 $0x2  }
0x37a: {  	_ =	swait.ge @!p0 [sflag:s0], s1  }
0x37b: {  	s1 =	ssub.s32 @!p0 $0x0, s1;
	[sflag:s0] =	ssyncset.done @!p0 $0x0  }
0x37c: {  	[sflag:s0] =	ssyncadd.s32 @!p0 s1  }
0x37d: {  	[bflag:$0x3] =	sbarrier.arrive $0xFFFF  }
0x37e: {  	_ =	shalt  }

</sc_bundles>
